<compile_context>
chip_gen: v7x
topology: tpu7x:2x2x1
jax: 0.10.2.dev20260603
libtpu: 0.0.44.dev20260713+nightly
codegen_flags: <defaults>
</compile_context>

<pallas_src>
import functools

import jax
import jax.numpy as jnp
from jax import lax
from jax.experimental import pallas as pl
from jax.experimental.pallas import tpu as pltpu
from jax.experimental.pallas import tpu_sc as plsc

N = 10000
E = 320000
H = 128
EPS_BN = 1e-5
EPS_NORM = 1e-6

NC = 2
NS = 16
NW = NC * NS
EW = E // NW
B = 80
NCHUNK = EW // B
N2 = 10240
RT = N2 // NS
ZB = 128

_mesh = plsc.VectorSubcoreMesh(core_axis_name="c", subcore_axis_name="s")


def _mm_body(x_ref, w_ref, b_ref, o_ref):
    o_ref[...] = lax.dot_general(
        x_ref[...], w_ref[...], (((1,), (0,)), ((), ())),
        preferred_element_type=jnp.float32) + b_ref[...]


def _matmul_bias(x, w, b, block_rows):
    m, k = x.shape
    kw, n = w.shape
    grid = m // block_rows
    return pl.pallas_call(
        _mm_body,
        grid=(grid,),
        in_specs=[
            pl.BlockSpec((block_rows, k), lambda i: (i, 0)),
            pl.BlockSpec((kw, n), lambda i: (0, 0)),
            pl.BlockSpec((1, n), lambda i: (0, 0)),
        ],
        out_specs=pl.BlockSpec((block_rows, n), lambda i: (i, 0)),
        out_shape=jax.ShapeDtypeStruct((m, n), jnp.float32),
    )(x, w, b.reshape(1, n))


@functools.partial(
    pl.kernel,
    out_type=(jax.ShapeDtypeStruct((E, H), jnp.float32),
              jax.ShapeDtypeStruct((NW, 16, 16), jnp.float32)),
    mesh=_mesh,
    scratch_types=(
        pltpu.VMEM((B,), jnp.int32),
        pltpu.VMEM((B,), jnp.int32),
        pltpu.VMEM((B, H), jnp.float32),
        pltpu.VMEM((B, H), jnp.float32),
        pltpu.VMEM((B, H), jnp.float32),
        pltpu.VMEM((16, 16), jnp.float32),
        pltpu.SemaphoreType.DMA,
        pltpu.SemaphoreType.DMA,
    ),
)
def _s1(src_hbm, dst_hbm, ps_hbm, pd_hbm, m_hbm, z_hbm, stats_hbm,
        si_v, di_v, m_v, gs_v, gd_v, acc_v, sem1, sem2):
    c = lax.axis_index("c")
    s = lax.axis_index("s")
    wid = c * NS + s
    base0 = wid * EW
    zero16 = jnp.zeros((16,), jnp.float32)
    for j in range(16):
        acc_v[j] = zero16

    def chunk_body(i, carry):
        base = base0 + i * B
        pltpu.sync_copy(src_hbm.at[pl.ds(base, B)], si_v)
        pltpu.sync_copy(dst_hbm.at[pl.ds(base, B)], di_v)
        cp_m = pltpu.async_copy(m_hbm.at[pl.ds(base, B), :], m_v, sem1)
        cp_s = pltpu.async_copy(ps_hbm.at[si_v], gs_v, sem2)
        cp_d = pltpu.async_copy(pd_hbm.at[di_v], gd_v, sem2)
        cp_m.wait()
        cp_s.wait()
        cp_d.wait()

        def row_body(r, rc):
            for j in range(8):
                sl = pl.ds(j * 16, 16)
                z = m_v[r, sl] + gs_v[r, sl] + gd_v[r, sl]
                m_v[r, sl] = z
                acc_v[j] = acc_v[j] + z
                acc_v[8 + j] = acc_v[8 + j] + z * z
            return rc

        lax.fori_loop(0, B, row_body, 0)
        pltpu.sync_copy(m_v, z_hbm.at[pl.ds(base, B), :])
        return carry

    lax.fori_loop(0, NCHUNK, chunk_body, 0)
    pltpu.sync_copy(acc_v, stats_hbm.at[wid])


def _bn1_body(stats_ref, g_ref, b_ref, o_ref):
    st = jnp.sum(stats_ref[...], axis=0)
    mean = st[0:8] / float(E)
    var = st[8:16] / float(E) - mean * mean
    scale = g_ref[...] * lax.rsqrt(var + EPS_BN)
    shift = b_ref[...] - mean * scale
    o_ref[0:8] = scale
    o_ref[8:16] = shift


def _bn1(stats, g, b):
    out = pl.pallas_call(
        _bn1_body,
        out_shape=jax.ShapeDtypeStruct((16, 16), jnp.float32),
    )(stats, g.reshape(8, 16), b.reshape(8, 16))
    return out.reshape(2, H)


@functools.partial(
    pl.kernel,
    out_type=(jax.ShapeDtypeStruct((E, H), jnp.float32),
              jax.ShapeDtypeStruct((NC, N2, H), jnp.float32)),
    mesh=_mesh,
    scratch_types=(
        pltpu.VMEM((B,), jnp.int32),
        pltpu.VMEM((B, H), jnp.float32),
        pltpu.VMEM((B, H), jnp.float32),
        pltpu.VMEM((2, H), jnp.float32),
        pltpu.VMEM((ZB, H), jnp.float32),
        pltpu.VMEM_SHARED((N2, H), jnp.float32),
        pltpu.SemaphoreType.DMA,
    ),
)
def _s2(src_hbm, z_hbm, coef_hbm, uef_hbm, aggp_hbm,
        si_v, z_v, sig_v, coef_v, zrow_v, shared, sem1):
    c = lax.axis_index("c")
    s = lax.axis_index("s")
    wid = c * NS + s
    base0 = wid * EW
    zero16 = jnp.zeros((16,), jnp.float32)

    def zr(r, carry):
        for j in range(8):
            zrow_v[r, pl.ds(j * 16, 16)] = zero16
        return carry

    lax.fori_loop(0, ZB, zr, 0)
    for k in range(5):
        pltpu.sync_copy(zrow_v, shared.at[pl.ds(s * RT + k * ZB, ZB), :])
    pltpu.sync_copy(coef_hbm, coef_v)
    plsc.subcore_barrier()

    def chunk_body(i, carry):
        base = base0 + i * B
        pltpu.sync_copy(src_hbm.at[pl.ds(base, B)], si_v)
        pltpu.sync_copy(z_hbm.at[pl.ds(base, B), :], z_v)

        def row_body(r, rc):
            for j in range(8):
                sl = pl.ds(j * 16, 16)
                y = z_v[r, sl] * coef_v[0, sl] + coef_v[1, sl]
                sg = 1.0 / (1.0 + jnp.exp(-y))
                u = y * sg
                z_v[r, sl] = u
                sig_v[r, sl] = 1.0 / (1.0 + jnp.exp(-u))
            return rc

        lax.fori_loop(0, B, row_body, 0)
        pltpu.sync_copy(z_v, uef_hbm.at[pl.ds(base, B), :])
        pltpu.sync_copy(sig_v, shared.at[si_v], add=True)
        return carry

    lax.fori_loop(0, NCHUNK, chunk_body, 0)
    plsc.subcore_barrier()
    for k in range(5):
        sl = pl.ds(s * RT + k * ZB, ZB)
        pltpu.sync_copy(shared.at[sl, :], aggp_hbm.at[c, sl, :])


@functools.partial(
    pl.kernel,
    out_type=jax.ShapeDtypeStruct((NC, N2, H), jnp.float32),
    mesh=_mesh,
    scratch_types=(
        pltpu.VMEM((B,), jnp.int32),
        pltpu.VMEM((B,), jnp.int32),
        pltpu.VMEM((B, H), jnp.float32),
        pltpu.VMEM((B, H), jnp.float32),
        pltpu.VMEM((ZB, H), jnp.float32),
        pltpu.VMEM_SHARED((N2, H), jnp.float32),
        pltpu.SemaphoreType.DMA,
        pltpu.SemaphoreType.DMA,
    ),
)
def _s3(src_hbm, dst_hbm, uef_hbm, q_hbm, sp_hbm,
        si_v, di_v, u_v, q_v, zrow_v, shared, sem1, sem2):
    c = lax.axis_index("c")
    s = lax.axis_index("s")
    wid = c * NS + s
    base0 = wid * EW
    zero16 = jnp.zeros((16,), jnp.float32)

    def zr(r, carry):
        for j in range(8):
            zrow_v[r, pl.ds(j * 16, 16)] = zero16
        return carry

    lax.fori_loop(0, ZB, zr, 0)
    for k in range(5):
        pltpu.sync_copy(zrow_v, shared.at[pl.ds(s * RT + k * ZB, ZB), :])
    plsc.subcore_barrier()

    def chunk_body(i, carry):
        base = base0 + i * B
        pltpu.sync_copy(src_hbm.at[pl.ds(base, B)], si_v)
        pltpu.sync_copy(dst_hbm.at[pl.ds(base, B)], di_v)
        cp_u = pltpu.async_copy(uef_hbm.at[pl.ds(base, B), :], u_v, sem1)
        cp_q = pltpu.async_copy(q_hbm.at[di_v], q_v, sem2)
        cp_u.wait()
        cp_q.wait()

        def row_body(r, rc):
            for j in range(8):
                sl = pl.ds(j * 16, 16)
                u = u_v[r, sl]
                sg = 1.0 / (1.0 + jnp.exp(-u))
                u_v[r, sl] = sg * q_v[r, sl]
            return rc

        lax.fori_loop(0, B, row_body, 0)
        pltpu.sync_copy(u_v, shared.at[si_v], add=True)
        return carry

    lax.fori_loop(0, NCHUNK, chunk_body, 0)
    plsc.subcore_barrier()
    for k in range(5):
        sl = pl.ds(s * RT + k * ZB, ZB)
        pltpu.sync_copy(shared.at[sl, :], sp_hbm.at[c, sl, :])


def _post_body(nf_ref, r_ref, aggp_ref, sp_ref, g_ref, b_ref, o_ref):
    agg = aggp_ref[0, :N] + aggp_ref[1, :N] + EPS_NORM
    sden = sp_ref[0, :N] + sp_ref[1, :N]
    an = r_ref[...] + sden / agg
    mean = jnp.mean(an, axis=0, keepdims=True)
    var = jnp.mean(an * an, axis=0, keepdims=True) - mean * mean
    y = (an - mean) * lax.rsqrt(var + EPS_BN) * g_ref[...] + b_ref[...]
    o_ref[...] = nf_ref[...] + y * (1.0 / (1.0 + jnp.exp(-y)))


def _post(nf, r, aggp, sp, g, b):
    return pl.pallas_call(
        _post_body,
        out_shape=jax.ShapeDtypeStruct((N, H), jnp.float32),
    )(nf, r, aggp, sp, g.reshape(1, H), b.reshape(1, H))


def kernel(edge_index, node_features, edge_features, W_gate, b_gate,
           W_src, b_src, W_dst, b_dst, g_z, b_z, g_node, b_node):
    src = edge_index[0]
    dst = edge_index[1]

    w_edge = W_gate[:, 2 * H:].T
    w_node = jnp.concatenate(
        [W_gate[:, :H].T, W_gate[:, H:2 * H].T, W_dst.T, W_src.T], axis=1)
    b_node_cat = jnp.concatenate(
        [jnp.zeros((2 * H,), jnp.float32), b_dst, b_src])

    m = _matmul_bias(edge_features, w_edge, b_gate, 2000)
    pcat = _matmul_bias(node_features, w_node, b_node_cat, 1000)
    ps = pcat[:, :H]
    pd = pcat[:, H:2 * H]
    q = pcat[:, 2 * H:3 * H]
    r = pcat[:, 3 * H:]

    z, stats = _s1(src, dst, ps, pd, m)
    coef = _bn1(stats, g_z, b_z)
    uef, aggp = _s2(src, z, coef)
    sp = _s3(src, dst, uef, q)
    unf = _post(node_features, r, aggp, sp, g_node, b_node)
    return (unf, uef)

# --- scband reference (transcript-rebuilt; emitter-appended) ---
"""Pipeline reference for scband-edge-gated-graph-convolution-60232621359799 (READ-ONLY COPY).

The authoritative reference and input builder live on the scoring server;
editing this copy changes nothing except your own understanding.
"""

import jax, jax.numpy as jnp
import numpy as np

N = 10000
E = 320000
H = 128
EPS_BN = 1e-5
EPS_NORM = 1e-6


def setup_inputs(seed: int = 0) -> dict:
    key = jax.random.key(seed)
    ks = jax.random.split(key, 12)
    edge_index = jax.random.randint(ks[0], (2, E), 0, N, dtype=jnp.int32)
    node_features = jax.random.normal(ks[1], (N, H), dtype=jnp.float32)
    edge_features = jax.random.normal(ks[2], (E, H), dtype=jnp.float32)
    W_gate = jax.random.normal(ks[3], (H, 3 * H), dtype=jnp.float32) * 0.05
    b_gate = jax.random.normal(ks[4], (H,), dtype=jnp.float32) * 0.05
    W_src = jax.random.normal(ks[5], (H, H), dtype=jnp.float32) * 0.05
    b_src = jax.random.normal(ks[6], (H,), dtype=jnp.float32) * 0.05
    W_dst = jax.random.normal(ks[7], (H, H), dtype=jnp.float32) * 0.05
    b_dst = jax.random.normal(ks[8], (H,), dtype=jnp.float32) * 0.05
    g_z = jnp.ones((H,), dtype=jnp.float32)
    b_z = jnp.zeros((H,), dtype=jnp.float32)
    g_node = jnp.ones((H,), dtype=jnp.float32)
    b_node = jnp.zeros((H,), dtype=jnp.float32)
    return {
        'edge_index': edge_index,
        'node_features': node_features,
        'edge_features': edge_features,
        'W_gate': W_gate, 'b_gate': b_gate,
        'W_src': W_src, 'b_src': b_src,
        'W_dst': W_dst, 'b_dst': b_dst,
        'g_z': g_z, 'b_z': b_z,
        'g_node': g_node, 'b_node': b_node,
    }


def _batchnorm(x, gamma, beta):
    mean = jnp.mean(x, axis=0)
    var = jnp.var(x, axis=0)
    return (x - mean) / jnp.sqrt(var + EPS_BN) * gamma + beta


def _silu(x):
    return x * jax.nn.sigmoid(x)


def reference(edge_index, node_features, edge_features, W_gate, b_gate, W_src, b_src, W_dst, b_dst, g_z, b_z, g_node, b_node):
    src = edge_index[0]
    dst = edge_index[1]
    # edgegate
    src_nf = node_features[src]
    dst_nf = node_features[dst]
    z = jnp.concatenate([src_nf, dst_nf, edge_features], axis=1)
    z = z @ W_gate.T + b_gate
    updated_edge_features = _silu(_batchnorm(z, g_z, b_z))
    # normalize_edges
    sig = jax.nn.sigmoid(updated_edge_features)
    agg = jax.ops.segment_sum(sig, src, num_segments=N)
    denom = agg[src] + EPS_NORM
    normalized_edge_features = sig / denom
    # aggregate_nodes
    updated_src_node_ft = node_features @ W_src.T + b_src
    thee = (node_features @ W_dst.T + b_dst)[dst]
    updated_dst_node_ft = jax.ops.segment_sum(normalized_edge_features * thee, src, num_segments=N)
    agg_nodes = updated_src_node_ft + updated_dst_node_ft
    updated_node_features = node_features + _silu(_batchnorm(agg_nodes, g_node, b_node))
    return (updated_node_features, updated_edge_features)

if __name__ == "__main__":
    import jax
    _d = setup_inputs()
    print(jax.jit(kernel)(*tuple(_d.values())))

</pallas_src>

<mosaic_0001>
#map = affine_map<(d0, d1) -> (0)>
#map1 = affine_map<(d0, d1) -> (0, 0)>
#map2 = affine_map<(d0, d1) -> (0, 0, 0)>
module attributes {stable_mosaic.version = 14 : i64} {
  func.func @_s1(%arg0: i32, %arg1: i32, %arg2: memref<320000xi32, #tpu.memory_space<hbm>>, %arg3: memref<320000xi32, #tpu.memory_space<hbm>>, %arg4: memref<10000x128xf32, #tpu.memory_space<hbm>>, %arg5: memref<10000x128xf32, #tpu.memory_space<hbm>>, %arg6: memref<320000x128xf32, #tpu.memory_space<hbm>>, %arg7: memref<320000x128xf32, #tpu.memory_space<hbm>>, %arg8: memref<32x16x16xf32, #tpu.memory_space<hbm>>, %arg9: memref<80xi32, #tpu.memory_space<vmem>>, %arg10: memref<80xi32, #tpu.memory_space<vmem>>, %arg11: memref<80x128xf32, #tpu.memory_space<vmem>>, %arg12: memref<80x128xf32, #tpu.memory_space<vmem>>, %arg13: memref<80x128xf32, #tpu.memory_space<vmem>>, %arg14: memref<16x16xf32, #tpu.memory_space<vmem>>, %arg15: memref<!tpu.dma_semaphore, #tpu.memory_space<semaphore_mem>>, %arg16: memref<!tpu.dma_semaphore, #tpu.memory_space<semaphore_mem>>) attributes {dimension_semantics = [#tpu.dimension_semantics<core_parallel>, #tpu.dimension_semantics<subcore_parallel>], iteration_bounds = array<i64: 2, 16>, scalar_prefetch = 0 : i64, scratch_operands = 8 : i64, tpu.core_type = #tpu.core_type<sc_vector_subcore>, window_params = [{transform_indices = #map}, {transform_indices = #map}, {transform_indices = #map1}, {transform_indices = #map1}, {transform_indices = #map1}, {transform_indices = #map1}, {transform_indices = #map2}]} {
    %mul3A = arith.constant 16 : i32
    %mul3A_0 = arith.muli %arg0, %mul3A : i32
    %add3A = arith.addi %mul3A_0, %arg1 : i32
    %mul3A_1 = arith.constant 10000 : i32
    %mul3A_2 = arith.muli %add3A, %mul3A_1 : i32
    %broadcast_in_dim3A = arith.constant 0.000000e+00 : f32
    %broadcast_in_dim3A_3 = vector.broadcast %broadcast_in_dim3A : f32 to vector<16xf32>
    %swap3A = arith.constant 0 : i32
    %swap3A_4 = arith.index_cast %swap3A : i32 to index
    %swap3A_5 = arith.constant 0 : index
    %swap3A_6 = tpu.vector_load %arg14[%swap3A_4, %swap3A_5] {strides = array<i32>} : memref<16x16xf32, #tpu.memory_space<vmem>>, vector<1x16xf32>,
    %swap3A_7 = vector.shape_cast %swap3A_6 : vector<1x16xf32> to vector<16xf32>
    %swap3A_8 = vector.shape_cast %broadcast_in_dim3A_3 : vector<16xf32> to vector<1x16xf32>
    tpu.vector_store %arg14[%swap3A_4, %swap3A_5], %swap3A_8 {strides = array<i32>} : memref<16x16xf32, #tpu.memory_space<vmem>>, vector<1x16xf32>,
    %swap3A_9 = arith.constant 1 : i32
    %swap3A_10 = arith.index_cast %swap3A_9 : i32 to index
    %swap3A_11 = arith.constant 0 : index
    %swap3A_12 = tpu.vector_load %arg14[%swap3A_10, %swap3A_11] {strides = array<i32>} : memref<16x16xf32, #tpu.memory_space<vmem>>, vector<1x16xf32>,
    %swap3A_13 = vector.shape_cast %swap3A_12 : vector<1x16xf32> to vector<16xf32>
    %swap3A_14 = vector.shape_cast %broadcast_in_dim3A_3 : vector<16xf32> to vector<1x16xf32>
    tpu.vector_store %arg14[%swap3A_10, %swap3A_11], %swap3A_14 {strides = array<i32>} : memref<16x16xf32, #tpu.memory_space<vmem>>, vector<1x16xf32>,
    %swap3A_15 = arith.constant 2 : i32
    %swap3A_16 = arith.index_cast %swap3A_15 : i32 to index
    %swap3A_17 = arith.constant 0 : index
    %swap3A_18 = tpu.vector_load %arg14[%swap3A_16, %swap3A_17] {strides = array<i32>} : memref<16x16xf32, #tpu.memory_space<vmem>>, vector<1x16xf32>,
    %swap3A_19 = vector.shape_cast %swap3A_18 : vector<1x16xf32> to vector<16xf32>
    %swap3A_20 = vector.shape_cast %broadcast_in_dim3A_3 : vector<16xf32> to vector<1x16xf32>
    tpu.vector_store %arg14[%swap3A_16, %swap3A_17], %swap3A_20 {strides = array<i32>} : memref<16x16xf32, #tpu.memory_space<vmem>>, vector<1x16xf32>,
    %swap3A_21 = arith.constant 3 : i32
    %swap3A_22 = arith.index_cast %swap3A_21 : i32 to index
    %swap3A_23 = arith.constant 0 : index
    %swap3A_24 = tpu.vector_load %arg14[%swap3A_22, %swap3A_23] {strides = array<i32>} : memref<16x16xf32, #tpu.memory_space<vmem>>, vector<1x16xf32>,
    %swap3A_25 = vector.shape_cast %swap3A_24 : vector<1x16xf32> to vector<16xf32>
    %swap3A_26 = vector.shape_cast %broadcast_in_dim3A_3 : vector<16xf32> to vector<1x16xf32>
    tpu.vector_store %arg14[%swap3A_22, %swap3A_23], %swap3A_26 {strides = array<i32>} : memref<16x16xf32, #tpu.memory_space<vmem>>, vector<1x16xf32>,
    %swap3A_27 = arith.constant 4 : i32
    %swap3A_28 = arith.index_cast %swap3A_27 : i32 to index
    %swap3A_29 = arith.constant 0 : index
    %swap3A_30 = tpu.vector_load %arg14[%swap3A_28, %swap3A_29] {strides = array<i32>} : memref<16x16xf32, #tpu.memory_space<vmem>>, vector<1x16xf32>,
    %swap3A_31 = vector.shape_cast %swap3A_30 : vector<1x16xf32> to vector<16xf32>
    %swap3A_32 = vector.shape_cast %broadcast_in_dim3A_3 : vector<16xf32> to vector<1x16xf32>
    tpu.vector_store %arg14[%swap3A_28, %swap3A_29], %swap3A_32 {strides = array<i32>} : memref<16x16xf32, #tpu.memory_space<vmem>>, vector<1x16xf32>,
    %swap3A_33 = arith.constant 5 : i32
    %swap3A_34 = arith.index_cast %swap3A_33 : i32 to index
    %swap3A_35 = arith.constant 0 : index
    %swap3A_36 = tpu.vector_load %arg14[%swap3A_34, %swap3A_35] {strides = array<i32>} : memref<16x16xf32, #tpu.memory_space<vmem>>, vector<1x16xf32>,
    %swap3A_37 = vector.shape_cast %swap3A_36 : vector<1x16xf32> to vector<16xf32>
    %swap3A_38 = vector.shape_cast %broadcast_in_dim3A_3 : vector<16xf32> to vector<1x16xf32>
    tpu.vector_store %arg14[%swap3A_34, %swap3A_35], %swap3A_38 {strides = array<i32>} : memref<16x16xf32, #tpu.memory_space<vmem>>, vector<1x16xf32>,
    %swap3A_39 = arith.constant 6 : i32
    %swap3A_40 = arith.index_cast %swap3A_39 : i32 to index
    %swap3A_41 = arith.constant 0 : index
    %swap3A_42 = tpu.vector_load %arg14[%swap3A_40, %swap3A_41] {strides = array<i32>} : memref<16x16xf32, #tpu.memory_space<vmem>>, vector<1x16xf32>,
    %swap3A_43 = vector.shape_cast %swap3A_42 : vector<1x16xf32> to vector<16xf32>
    %swap3A_44 = vector.shape_cast %broadcast_in_dim3A_3 : vector<16xf32> to vector<1x16xf32>
    tpu.vector_store %arg14[%swap3A_40, %swap3A_41], %swap3A_44 {strides = array<i32>} : memref<16x16xf32, #tpu.memory_space<vmem>>, vector<1x16xf32>,
    %swap3A_45 = arith.constant 7 : i32
    %swap3A_46 = arith.index_cast %swap3A_45 : i32 to index
    %swap3A_47 = arith.constant 0 : index
    %swap3A_48 = tpu.vector_load %arg14[%swap3A_46, %swap3A_47] {strides = array<i32>} : memref<16x16xf32, #tpu.memory_space<vmem>>, vector<1x16xf32>,
    %swap3A_49 = vector.shape_cast %swap3A_48 : vector<1x16xf32> to vector<16xf32>
    %swap3A_50 = vector.shape_cast %broadcast_in_dim3A_3 : vector<16xf32> to vector<1x16xf32>
    tpu.vector_store %arg14[%swap3A_46, %swap3A_47], %swap3A_50 {strides = array<i32>} : memref<16x16xf32, #tpu.memory_space<vmem>>, vector<1x16xf32>,
    %swap3A_51 = arith.constant 8 : i32
    %swap3A_52 = arith.index_cast %swap3A_51 : i32 to index
    %swap3A_53 = arith.constant 0 : index
    %swap3A_54 = tpu.vector_load %arg14[%swap3A_52, %swap3A_53] {strides = array<i32>} : memref<16x16xf32, #tpu.memory_space<vmem>>, vector<1x16xf32>,
    %swap3A_55 = vector.shape_cast %swap3A_54 : vector<1x16xf32> to vector<16xf32>
    %swap3A_56 = vector.shape_cast %broadcast_in_dim3A_3 : vector<16xf32> to vector<1x16xf32>
    tpu.vector_store %arg14[%swap3A_52, %swap3A_53], %swap3A_56 {strides = array<i32>} : memref<16x16xf32, #tpu.memory_space<vmem>>, vector<1x16xf32>,
    %swap3A_57 = arith.constant 9 : i32
    %swap3A_58 = arith.index_cast %swap3A_57 : i32 to index
    %swap3A_59 = arith.constant 0 : index
    %swap3A_60 = tpu.vector_load %arg14[%swap3A_58, %swap3A_59] {strides = array<i32>} : memref<16x16xf32, #tpu.memory_space<vmem>>, vector<1x16xf32>,
    %swap3A_61 = vector.shape_cast %swap3A_60 : vector<1x16xf32> to vector<16xf32>
    %swap3A_62 = vector.shape_cast %broadcast_in_dim3A_3 : vector<16xf32> to vector<1x16xf32>
    tpu.vector_store %arg14[%swap3A_58, %swap3A_59], %swap3A_62 {strides = array<i32>} : memref<16x16xf32, #tpu.memory_space<vmem>>, vector<1x16xf32>,
    %swap3A_63 = arith.constant 10 : i32
    %swap3A_64 = arith.index_cast %swap3A_63 : i32 to index
    %swap3A_65 = arith.constant 0 : index
    %swap3A_66 = tpu.vector_load %arg14[%swap3A_64, %swap3A_65] {strides = array<i32>} : memref<16x16xf32, #tpu.memory_space<vmem>>, vector<1x16xf32>,
    %swap3A_67 = vector.shape_cast %swap3A_66 : vector<1x16xf32> to vector<16xf32>
    %swap3A_68 = vector.shape_cast %broadcast_in_dim3A_3 : vector<16xf32> to vector<1x16xf32>
    tpu.vector_store %arg14[%swap3A_64, %swap3A_65], %swap3A_68 {strides = array<i32>} : memref<16x16xf32, #tpu.memory_space<vmem>>, vector<1x16xf32>,
    %swap3A_69 = arith.constant 11 : i32
    %swap3A_70 = arith.index_cast %swap3A_69 : i32 to index
    %swap3A_71 = arith.constant 0 : index
    %swap3A_72 = tpu.vector_load %arg14[%swap3A_70, %swap3A_71] {strides = array<i32>} : memref<16x16xf32, #tpu.memory_space<vmem>>, vector<1x16xf32>,
    %swap3A_73 = vector.shape_cast %swap3A_72 : vector<1x16xf32> to vector<16xf32>
    %swap3A_74 = vector.shape_cast %broadcast_in_dim3A_3 : vector<16xf32> to vector<1x16xf32>
    tpu.vector_store %arg14[%swap3A_70, %swap3A_71], %swap3A_74 {strides = array<i32>} : memref<16x16xf32, #tpu.memory_space<vmem>>, vector<1x16xf32>,
    %swap3A_75 = arith.constant 12 : i32
    %swap3A_76 = arith.index_cast %swap3A_75 : i32 to index
    %swap3A_77 = arith.constant 0 : index
    %swap3A_78 = tpu.vector_load %arg14[%swap3A_76, %swap3A_77] {strides = array<i32>} : memref<16x16xf32, #tpu.memory_space<vmem>>, vector<1x16xf32>,
    %swap3A_79 = vector.shape_cast %swap3A_78 : vector<1x16xf32> to vector<16xf32>
    %swap3A_80 = vector.shape_cast %broadcast_in_dim3A_3 : vector<16xf32> to vector<1x16xf32>
    tpu.vector_store %arg14[%swap3A_76, %swap3A_77], %swap3A_80 {strides = array<i32>} : memref<16x16xf32, #tpu.memory_space<vmem>>, vector<1x16xf32>,
    %swap3A_81 = arith.constant 13 : i32
    %swap3A_82 = arith.index_cast %swap3A_81 : i32 to index
    %swap3A_83 = arith.constant 0 : index
    %swap3A_84 = tpu.vector_load %arg14[%swap3A_82, %swap3A_83] {strides = array<i32>} : memref<16x16xf32, #tpu.memory_space<vmem>>, vector<1x16xf32>,
    %swap3A_85 = vector.shape_cast %swap3A_84 : vector<1x16xf32> to vector<16xf32>
    %swap3A_86 = vector.shape_cast %broadcast_in_dim3A_3 : vector<16xf32> to vector<1x16xf32>
    tpu.vector_store %arg14[%swap3A_82, %swap3A_83], %swap3A_86 {strides = array<i32>} : memref<16x16xf32, #tpu.memory_space<vmem>>, vector<1x16xf32>,
    %swap3A_87 = arith.constant 14 : i32
    %swap3A_88 = arith.index_cast %swap3A_87 : i32 to index
    %swap3A_89 = arith.constant 0 : index
    %swap3A_90 = tpu.vector_load %arg14[%swap3A_88, %swap3A_89] {strides = array<i32>} : memref<16x16xf32, #tpu.memory_space<vmem>>, vector<1x16xf32>,
    %swap3A_91 = vector.shape_cast %swap3A_90 : vector<1x16xf32> to vector<16xf32>
    %swap3A_92 = vector.shape_cast %broadcast_in_dim3A_3 : vector<16xf32> to vector<1x16xf32>
    tpu.vector_store %arg14[%swap3A_88, %swap3A_89], %swap3A_92 {strides = array<i32>} : memref<16x16xf32, #tpu.memory_space<vmem>>, vector<1x16xf32>,
    %swap3A_93 = arith.constant 15 : i32
    %swap3A_94 = arith.index_cast %swap3A_93 : i32 to index
    %swap3A_95 = arith.constant 0 : index
    %swap3A_96 = tpu.vector_load %arg14[%swap3A_94, %swap3A_95] {strides = array<i32>} : memref<16x16xf32, #tpu.memory_space<vmem>>, vector<1x16xf32>,
    %swap3A_97 = vector.shape_cast %swap3A_96 : vector<1x16xf32> to vector<16xf32>
    %swap3A_98 = vector.shape_cast %broadcast_in_dim3A_3 : vector<16xf32> to vector<1x16xf32>
    tpu.vector_store %arg14[%swap3A_94, %swap3A_95], %swap3A_98 {strides = array<i32>} : memref<16x16xf32, #tpu.memory_space<vmem>>, vector<1x16xf32>,
    %scan3A = arith.constant 0 : i32
    %scan3A_99 = arith.constant 0 : i32
    %scan3A_100 = arith.constant 125 : i32
    %scan3A_101 = arith.addi %scan3A_99, %scan3A_100 : i32
    %scan3A_102 = arith.constant 1 : i32
    scf.for %scan3A_104 = %scan3A_99 to %scan3A_101 step %scan3A_102  : i32 {
      %mul3A_105 = arith.constant 80 : i32
      %mul3A_106 = arith.muli %scan3A_104, %mul3A_105 : i32
      %add3A_107 = arith.addi %mul3A_2, %mul3A_106 : i32
      "tpu.region"() ({
        %run_scoped3A = tpu.sem_alloc : memref<!tpu.dma_semaphore, #tpu.memory_space<semaphore_mem>>
        %dma_start3A_132 = tpu.memref_slice %arg2[%add3A_107] : memref<320000xi32, #tpu.memory_space<hbm>> -> memref<80xi32, #tpu.memory_space<hbm>>
        %dma_start3A_133 = tpu.memref_slice %arg2[%add3A_107] : memref<320000xi32, #tpu.memory_space<hbm>> -> memref<80xi32, #tpu.memory_space<hbm>>
        tpu.enqueue_dma source(%dma_start3A_133 : memref<80xi32, #tpu.memory_space<hbm>>) target(%arg9 : memref<80xi32, #tpu.memory_space<vmem>>) target_semaphore(%run_scoped3A : memref<!tpu.dma_semaphore, #tpu.memory_space<semaphore_mem>>)
        %dma_wait3A_134 = tpu.memref_slice %arg2[%add3A_107] : memref<320000xi32, #tpu.memory_space<hbm>> -> memref<80xi32, #tpu.memory_space<hbm>>
        %dma_wait3A_135 = tpu.memref_slice %arg2[%add3A_107] : memref<320000xi32, #tpu.memory_space<hbm>> -> memref<80xi32, #tpu.memory_space<hbm>>
        tpu.wait_dma2 semaphore(%run_scoped3A : memref<!tpu.dma_semaphore, #tpu.memory_space<semaphore_mem>>) src(%dma_wait3A_135 : memref<80xi32, #tpu.memory_space<hbm>>) dst(%arg9 : memref<80xi32, #tpu.memory_space<vmem>>)
        tpu.yield
      }) : () -> ()
      "tpu.region"() ({
        %run_scoped3A = tpu.sem_alloc : memref<!tpu.dma_semaphore, #tpu.memory_space<semaphore_mem>>
        %dma_start3A_132 = tpu.memref_slice %arg3[%add3A_107] : memref<320000xi32, #tpu.memory_space<hbm>> -> memref<80xi32, #tpu.memory_space<hbm>>
        %dma_start3A_133 = tpu.memref_slice %arg3[%add3A_107] : memref<320000xi32, #tpu.memory_space<hbm>> -> memref<80xi32, #tpu.memory_space<hbm>>
        tpu.enqueue_dma source(%dma_start3A_133 : memref<80xi32, #tpu.memory_space<hbm>>) target(%arg10 : memref<80xi32, #tpu.memory_space<vmem>>) target_semaphore(%run_scoped3A : memref<!tpu.dma_semaphore, #tpu.memory_space<semaphore_mem>>)
        %dma_wait3A_134 = tpu.memref_slice %arg3[%add3A_107] : memref<320000xi32, #tpu.memory_space<hbm>> -> memref<80xi32, #tpu.memory_space<hbm>>
        %dma_wait3A_135 = tpu.memref_slice %arg3[%add3A_107] : memref<320000xi32, #tpu.memory_space<hbm>> -> memref<80xi32, #tpu.memory_space<hbm>>
        tpu.wait_dma2 semaphore(%run_scoped3A : memref<!tpu.dma_semaphore, #tpu.memory_space<semaphore_mem>>) src(%dma_wait3A_135 : memref<80xi32, #tpu.memory_space<hbm>>) dst(%arg10 : memref<80xi32, #tpu.memory_space<vmem>>)
        tpu.yield
      }) : () -> ()
      %dma_start3A = arith.constant 0 : i32
      %dma_start3A_108 = tpu.memref_slice %arg6[%add3A_107, %dma_start3A] : memref<320000x128xf32, #tpu.memory_space<hbm>> -> memref<80x128xf32, #tpu.memory_space<hbm>>
      %dma_start3A_109 = arith.constant 0 : i32
      %dma_start3A_110 = tpu.memref_slice %arg6[%add3A_107, %dma_start3A_109] : memref<320000x128xf32, #tpu.memory_space<hbm>> -> memref<80x128xf32, #tpu.memory_space<hbm>>
      tpu.enqueue_dma source(%dma_start3A_110 : memref<80x128xf32, #tpu.memory_space<hbm>>) target(%arg11 : memref<80x128xf32, #tpu.memory_space<vmem>>) target_semaphore(%arg15 : memref<!tpu.dma_semaphore, #tpu.memory_space<semaphore_mem>>)
      %dma_start3A_111 = arith.constant 0 : i32
      %dma_start3A_112 = arith.constant 0 : i32
      %dma_start3A_113 = tpu.memref_slice %arg4[%dma_start3A_111, %dma_start3A_112] : memref<10000x128xf32, #tpu.memory_space<hbm>> -> memref<10000x128xf32, #tpu.memory_space<hbm>>
      tpu.enqueue_indirect_dma source(%dma_start3A_113 : memref<10000x128xf32, #tpu.memory_space<hbm>>) target(%arg12 : memref<80x128xf32, #tpu.memory_space<vmem>>) offsets(%arg9 : memref<80xi32, #tpu.memory_space<vmem>>) semaphore(%arg16 : memref<!tpu.dma_semaphore, #tpu.memory_space<semaphore_mem>>)
      %dma_start3A_114 = arith.constant 0 : i32
      %dma_start3A_115 = arith.constant 0 : i32
      %dma_start3A_116 = tpu.memref_slice %arg5[%dma_start3A_114, %dma_start3A_115] : memref<10000x128xf32, #tpu.memory_space<hbm>> -> memref<10000x128xf32, #tpu.memory_space<hbm>>
      tpu.enqueue_indirect_dma source(%dma_start3A_116 : memref<10000x128xf32, #tpu.memory_space<hbm>>) target(%arg13 : memref<80x128xf32, #tpu.memory_space<vmem>>) offsets(%arg10 : memref<80xi32, #tpu.memory_space<vmem>>) semaphore(%arg16 : memref<!tpu.dma_semaphore, #tpu.memory_space<semaphore_mem>>)
      %dma_wait3A = arith.constant 0 : i32
      %dma_wait3A_117 = tpu.memref_slice %arg6[%add3A_107, %dma_wait3A] : memref<320000x128xf32, #tpu.memory_space<hbm>> -> memref<80x128xf32, #tpu.memory_space<hbm>>
      %dma_wait3A_118 = arith.constant 0 : i32
      %dma_wait3A_119 = tpu.memref_slice %arg6[%add3A_107, %dma_wait3A_118] : memref<320000x128xf32, #tpu.memory_space<hbm>> -> memref<80x128xf32, #tpu.memory_space<hbm>>
      tpu.wait_dma2 semaphore(%arg15 : memref<!tpu.dma_semaphore, #tpu.memory_space<semaphore_mem>>) src(%dma_wait3A_119 : memref<80x128xf32, #tpu.memory_space<hbm>>) dst(%arg11 : memref<80x128xf32, #tpu.memory_space<vmem>>)
      %dma_wait3A_120 = arith.constant 0 : i32
      %dma_wait3A_121 = arith.constant 0 : i32
      %dma_wait3A_122 = tpu.memref_slice %arg4[%dma_wait3A_120, %dma_wait3A_121] : memref<10000x128xf32, #tpu.memory_space<hbm>> -> memref<10000x128xf32, #tpu.memory_space<hbm>>
      tpu.wait_indirect_dma semaphore(%arg16 : memref<!tpu.dma_semaphore, #tpu.memory_space<semaphore_mem>>) src(%dma_wait3A_122 : memref<10000x128xf32, #tpu.memory_space<hbm>>) dst(%arg12 : memref<80x128xf32, #tpu.memory_space<vmem>>)
      %dma_wait3A_123 = arith.constant 0 : i32
      %dma_wait3A_124 = arith.constant 0 : i32
      %dma_wait3A_125 = tpu.memref_slice %arg5[%dma_wait3A_123, %dma_wait3A_124] : memref<10000x128xf32, #tpu.memory_space<hbm>> -> memref<10000x128xf32, #tpu.memory_space<hbm>>
      tpu.wait_indirect_dma semaphore(%arg16 : memref<!tpu.dma_semaphore, #tpu.memory_space<semaphore_mem>>) src(%dma_wait3A_125 : memref<10000x128xf32, #tpu.memory_space<hbm>>) dst(%arg13 : memref<80x128xf32, #tpu.memory_space<vmem>>)
      %scan3A_126 = arith.constant 0 : i32
      %scan3A_127 = arith.constant 0 : i32
      %scan3A_128 = arith.constant 80 : i32
      %scan3A_129 = arith.addi %scan3A_127, %scan3A_128 : i32
      %scan3A_130 = arith.constant 1 : i32
      scf.for %scan3A_132 = %scan3A_127 to %scan3A_129 step %scan3A_130  : i32 {
        %get3A = arith.index_cast %scan3A_132 : i32 to index
        %get3A_133 = arith.constant 0 : index
        %get3A_134 = tpu.vector_load %arg11[%get3A, %get3A_133] {strides = array<i32>} : memref<80x128xf32, #tpu.memory_space<vmem>>, vector<1x16xf32>,
        %get3A_135 = vector.shape_cast %get3A_134 : vector<1x16xf32> to vector<16xf32>
        %get3A_136 = arith.index_cast %scan3A_132 : i32 to index
        %get3A_137 = arith.constant 0 : index
        %get3A_138 = tpu.vector_load %arg12[%get3A_136, %get3A_137] {strides = array<i32>} : memref<80x128xf32, #tpu.memory_space<vmem>>, vector<1x16xf32>,
        %get3A_139 = vector.shape_cast %get3A_138 : vector<1x16xf32> to vector<16xf32>
        %add3A_140 = arith.addf %get3A_135, %get3A_139 : vector<16xf32>
        %get3A_141 = arith.index_cast %scan3A_132 : i32 to index
        %get3A_142 = arith.constant 0 : index
        %get3A_143 = tpu.vector_load %arg13[%get3A_141, %get3A_142] {strides = array<i32>} : memref<80x128xf32, #tpu.memory_space<vmem>>, vector<1x16xf32>,
        %get3A_144 = vector.shape_cast %get3A_143 : vector<1x16xf32> to vector<16xf32>
        %add3A_145 = arith.addf %add3A_140, %get3A_144 : vector<16xf32>
        %swap3A_146 = arith.index_cast %scan3A_132 : i32 to index
        %swap3A_147 = arith.constant 0 : index
        %swap3A_148 = tpu.vector_load %arg11[%swap3A_146, %swap3A_147] {strides = array<i32>} : memref<80x128xf32, #tpu.memory_space<vmem>>, vector<1x16xf32>,
        %swap3A_149 = vector.shape_cast %swap3A_148 : vector<1x16xf32> to vector<16xf32>
        %swap3A_150 = vector.shape_cast %add3A_145 : vector<16xf32> to vector<1x16xf32>
        tpu.vector_store %arg11[%swap3A_146, %swap3A_147], %swap3A_150 {strides = array<i32>} : memref<80x128xf32, #tpu.memory_space<vmem>>, vector<1x16xf32>,
        %get3A_151 = arith.constant 0 : i32
        %get3A_152 = arith.index_cast %get3A_151 : i32 to index
        %get3A_153 = arith.constant 0 : index
        %get3A_154 = tpu.vector_load %arg14[%get3A_152, %get3A_153] {strides = array<i32>} : memref<16x16xf32, #tpu.memory_space<vmem>>, vector<1x16xf32>,
        %get3A_155 = vector.shape_cast %get3A_154 : vector<1x16xf32> to vector<16xf32>
        %add3A_156 = arith.addf %get3A_155, %add3A_145 : vector<16xf32>
        %swap3A_157 = arith.constant 0 : i32
        %swap3A_158 = arith.index_cast %swap3A_157 : i32 to index
        %swap3A_159 = arith.constant 0 : index
        %swap3A_160 = tpu.vector_load %arg14[%swap3A_158, %swap3A_159] {strides = array<i32>} : memref<16x16xf32, #tpu.memory_space<vmem>>, vector<1x16xf32>,
        %swap3A_161 = vector.shape_cast %swap3A_160 : vector<1x16xf32> to vector<16xf32>
        %swap3A_162 = vector.shape_cast %add3A_156 : vector<16xf32> to vector<1x16xf32>
        tpu.vector_store %arg14[%swap3A_158, %swap3A_159], %swap3A_162 {strides = array<i32>} : memref<16x16xf32, #tpu.memory_space<vmem>>, vector<1x16xf32>,
        %get3A_163 = arith.constant 8 : i32
        %get3A_164 = arith.index_cast %get3A_163 : i32 to index
        %get3A_165 = arith.constant 0 : index
        %get3A_166 = tpu.vector_load %arg14[%get3A_164, %get3A_165] {strides = array<i32>} : memref<16x16xf32, #tpu.memory_space<vmem>>, vector<1x16xf32>,
        %get3A_167 = vector.shape_cast %get3A_166 : vector<1x16xf32> to vector<16xf32>
        %mul3A_168 = arith.mulf %add3A_145, %add3A_145 : vector<16xf32>
        %add3A_169 = arith.addf %get3A_167, %mul3A_168 : vector<16xf32>
        %swap3A_170 = arith.constant 8 : i32
        %swap3A_171 = arith.index_cast %swap3A_170 : i32 to index
        %swap3A_172 = arith.constant 0 : index
        %swap3A_173 = tpu.vector_load %arg14[%swap3A_171, %swap3A_172] {strides = array<i32>} : memref<16x16xf32, #tpu.memory_space<vmem>>, vector<1x16xf32>,
        %swap3A_174 = vector.shape_cast %swap3A_173 : vector<1x16xf32> to vector<16xf32>
        %swap3A_175 = vector.shape_cast %add3A_169 : vector<16xf32> to vector<1x16xf32>
        tpu.vector_store %arg14[%swap3A_171, %swap3A_172], %swap3A_175 {strides = array<i32>} : memref<16x16xf32, #tpu.memory_space<vmem>>, vector<1x16xf32>,
        %get3A_176 = arith.index_cast %scan3A_132 : i32 to index
        %get3A_177 = arith.constant 16 : index
        %get3A_178 = tpu.vector_load %arg11[%get3A_176, %get3A_177] {strides = array<i32>} : memref<80x128xf32, #tpu.memory_space<vmem>>, vector<1x16xf32>,
        %get3A_179 = vector.shape_cast %get3A_178 : vector<1x16xf32> to vector<16xf32>
        %get3A_180 = arith.index_cast %scan3A_132 : i32 to index
        %get3A_181 = arith.constant 16 : index
        %get3A_182 = tpu.vector_load %arg12[%get3A_180, %get3A_181] {strides = array<i32>} : memref<80x128xf32, #tpu.memory_space<vmem>>, vector<1x16xf32>,
        %get3A_183 = vector.shape_cast %get3A_182 : vector<1x16xf32> to vector<16xf32>
        %add3A_184 = arith.addf %get3A_179, %get3A_183 : vector<16xf32>
        %get3A_185 = arith.index_cast %scan3A_132 : i32 to index
        %get3A_186 = arith.constant 16 : index
        %get3A_187 = tpu.vector_load %arg13[%get3A_185, %get3A_186] {strides = array<i32>} : memref<80x128xf32, #tpu.memory_space<vmem>>, vector<1x16xf32>,
        %get3A_188 = vector.shape_cast %get3A_187 : vector<1x16xf32> to vector<16xf32>
        %add3A_189 = arith.addf %add3A_184, %get3A_188 : vector<16xf32>
        %swap3A_190 = arith.index_cast %scan3A_132 : i32 to index
        %swap3A_191 = arith.constant 16 : index
        %swap3A_192 = tpu.vector_load %arg11[%swap3A_190, %swap3A_191] {strides = array<i32>} : memref<80x128xf32, #tpu.memory_space<vmem>>, vector<1x16xf32>,
        %swap3A_193 = vector.shape_cast %swap3A_192 : vector<1x16xf32> to vector<16xf32>
        %swap3A_194 = vector.shape_cast %add3A_189 : vector<16xf32> to vector<1x16xf32>
        tpu.vector_store %arg11[%swap3A_190, %swap3A_191], %swap3A_194 {strides = array<i32>} : memref<80x128xf32, #tpu.memory_space<vmem>>, vector<1x16xf32>,
        %get3A_195 = arith.constant 1 : i32
        %get3A_196 = arith.index_cast %get3A_195 : i32 to index
        %get3A_197 = arith.constant 0 : index
        %get3A_198 = tpu.vector_load %arg14[%get3A_196, %get3A_197] {strides = array<i32>} : memref<16x16xf32, #tpu.memory_space<vmem>>, vector<1x16xf32>,
        %get3A_199 = vector.shape_cast %get3A_198 : vector<1x16xf32> to vector<16xf32>
        %add3A_200 = arith.addf %get3A_199, %add3A_189 : vector<16xf32>
        %swap3A_201 = arith.constant 1 : i32
        %swap3A_202 = arith.index_cast %swap3A_201 : i32 to index
        %swap3A_203 = arith.constant 0 : index
        %swap3A_204 = tpu.vector_load %arg14[%swap3A_202, %swap3A_203] {strides = array<i32>} : memref<16x16xf32, #tpu.memory_space<vmem>>, vector<1x16xf32>,
        %swap3A_205 = vector.shape_cast %swap3A_204 : vector<1x16xf32> to vector<16xf32>
        %swap3A_206 = vector.shape_cast %add3A_200 : vector<16xf32> to vector<1x16xf32>
        tpu.vector_store %arg14[%swap3A_202, %swap3A_203], %swap3A_206 {strides = array<i32>} : memref<16x16xf32, #tpu.memory_space<vmem>>, vector<1x16xf32>,
        %get3A_207 = arith.constant 9 : i32
        %get3A_208 = arith.index_cast %get3A_207 : i32 to index
        %get3A_209 = arith.constant 0 : index
        %get3A_210 = tpu.vector_load %arg14[%get3A_208, %get3A_209] {strides = array<i32>} : memref<16x16xf32, #tpu.memory_space<vmem>>, vector<1x16xf32>,
        %get3A_211 = vector.shape_cast %get3A_210 : vector<1x16xf32> to vector<16xf32>
        %mul3A_212 = arith.mulf %add3A_189, %add3A_189 : vector<16xf32>
        %add3A_213 = arith.addf %get3A_211, %mul3A_212 : vector<16xf32>
        %swap3A_214 = arith.constant 9 : i32
        %swap3A_215 = arith.index_cast %swap3A_214 : i32 to index
        %swap3A_216 = arith.constant 0 : index
        %swap3A_217 = tpu.vector_load %arg14[%swap3A_215, %swap3A_216] {strides = array<i32>} : memref<16x16xf32, #tpu.memory_space<vmem>>, vector<1x16xf32>,
        %swap3A_218 = vector.shape_cast %swap3A_217 : vector<1x16xf32> to vector<16xf32>
        %swap3A_219 = vector.shape_cast %add3A_213 : vector<16xf32> to vector<1x16xf32>
        tpu.vector_store %arg14[%swap3A_215, %swap3A_216], %swap3A_219 {strides = array<i32>} : memref<16x16xf32, #tpu.memory_space<vmem>>, vector<1x16xf32>,
        %get3A_220 = arith.index_cast %scan3A_132 : i32 to index
        %get3A_221 = arith.constant 32 : index
        %get3A_222 = tpu.vector_load %arg11[%get3A_220, %get3A_221] {strides = array<i32>} : memref<80x128xf32, #tpu.memory_space<vmem>>, vector<1x16xf32>,
        %get3A_223 = vector.shape_cast %get3A_222 : vector<1x16xf32> to vector<16xf32>
        %get3A_224 = arith.index_cast %scan3A_132 : i32 to index
        %get3A_225 = arith.constant 32 : index
        %get3A_226 = tpu.vector_load %arg12[%get3A_224, %get3A_225] {strides = array<i32>} : memref<80x128xf32, #tpu.memory_space<vmem>>, vector<1x16xf32>,
        %get3A_227 = vector.shape_cast %get3A_226 : vector<1x16xf32> to vector<16xf32>
        %add3A_228 = arith.addf %get3A_223, %get3A_227 : vector<16xf32>
        %get3A_229 = arith.index_cast %scan3A_132 : i32 to index
        %get3A_230 = arith.constant 32 : index
        %get3A_231 = tpu.vector_load %arg13[%get3A_229, %get3A_230] {strides = array<i32>} : memref<80x128xf32, #tpu.memory_space<vmem>>, vector<1x16xf32>,
        %get3A_232 = vector.shape_cast %get3A_231 : vector<1x16xf32> to vector<16xf32>
        %add3A_233 = arith.addf %add3A_228, %get3A_232 : vector<16xf32>
        %swap3A_234 = arith.index_cast %scan3A_132 : i32 to index
        %swap3A_235 = arith.constant 32 : index
        %swap3A_236 = tpu.vector_load %arg11[%swap3A_234, %swap3A_235] {strides = array<i32>} : memref<80x128xf32, #tpu.memory_space<vmem>>, vector<1x16xf32>,
        %swap3A_237 = vector.shape_cast %swap3A_236 : vector<1x16xf32> to vector<16xf32>
        %swap3A_238 = vector.shape_cast %add3A_233 : vector<16xf32> to vector<1x16xf32>
        tpu.vector_store %arg11[%swap3A_234, %swap3A_235], %swap3A_238 {strides = array<i32>} : memref<80x128xf32, #tpu.memory_space<vmem>>, vector<1x16xf32>,
        %get3A_239 = arith.constant 2 : i32
        %get3A_240 = arith.index_cast %get3A_239 : i32 to index
        %get3A_241 = arith.constant 0 : index
        %get3A_242 = tpu.vector_load %arg14[%get3A_240, %get3A_241] {strides = array<i32>} : memref<16x16xf32, #tpu.memory_space<vmem>>, vector<1x16xf32>,
        %get3A_243 = vector.shape_cast %get3A_242 : vector<1x16xf32> to vector<16xf32>
        %add3A_244 = arith.addf %get3A_243, %add3A_233 : vector<16xf32>
        %swap3A_245 = arith.constant 2 : i32
        %swap3A_246 = arith.index_cast %swap3A_245 : i32 to index
        %swap3A_247 = arith.constant 0 : index
        %swap3A_248 = tpu.vector_load %arg14[%swap3A_246, %swap3A_247] {strides = array<i32>} : memref<16x16xf32, #tpu.memory_space<vmem>>, vector<1x16xf32>,
        %swap3A_249 = vector.shape_cast %swap3A_248 : vector<1x16xf32> to vector<16xf32>
        %swap3A_250 = vector.shape_cast %add3A_244 : vector<16xf32> to vector<1x16xf32>
        tpu.vector_store %arg14[%swap3A_246, %swap3A_247], %swap3A_250 {strides = array<i32>} : memref<16x16xf32, #tpu.memory_space<vmem>>, vector<1x16xf32>,
        %get3A_251 = arith.constant 10 : i32
        %get3A_252 = arith.index_cast %get3A_251 : i32 to index
        %get3A_253 = arith.constant 0 : index
        %get3A_254 = tpu.vector_load %arg14[%get3A_252, %get3A_253] {strides = array<i32>} : memref<16x16xf32, #tpu.memory_space<vmem>>, vector<1x16xf32>,
        %get3A_255 = vector.shape_cast %get3A_254 : vector<1x16xf32> to vector<16xf32>
        %mul3A_256 = arith.mulf %add3A_233, %add3A_233 : vector<16xf32>
        %add3A_257 = arith.addf %get3A_255, %mul3A_256 : vector<16xf32>
        %swap3A_258 = arith.constant 10 : i32
        %swap3A_259 = arith.index_cast %swap3A_258 : i32 to index
        %swap3A_260 = arith.constant 0 : index
        %swap3A_261 = tpu.vector_load %arg14[%swap3A_259, %swap3A_260] {strides = array<i32>} : memref<16x16xf32, #tpu.memory_space<vmem>>, vector<1x16xf32>,
        %swap3A_262 = vector.shape_cast %swap3A_261 : vector<1x16xf32> to vector<16xf32>
        %swap3A_263 = vector.shape_cast %add3A_257 : vector<16xf32> to vector<1x16xf32>
        tpu.vector_store %arg14[%swap3A_259, %swap3A_260], %swap3A_263 {strides = array<i32>} : memref<16x16xf32, #tpu.memory_space<vmem>>, vector<1x16xf32>,
        %get3A_264 = arith.index_cast %scan3A_132 : i32 to index
        %get3A_265 = arith.constant 48 : index
        %get3A_266 = tpu.vector_load %arg11[%get3A_264, %get3A_265] {strides = array<i32>} : memref<80x128xf32, #tpu.memory_space<vmem>>, vector<1x16xf32>,
        %get3A_267 = vector.shape_cast %get3A_266 : vector<1x16xf32> to vector<16xf32>
        %get3A_268 = arith.index_cast %scan3A_132 : i32 to index
        %get3A_269 = arith.constant 48 : index
        %get3A_270 = tpu.vector_load %arg12[%get3A_268, %get3A_269] {strides = array<i32>} : memref<80x128xf32, #tpu.memory_space<vmem>>, vector<1x16xf32>,
        %get3A_271 = vector.shape_cast %get3A_270 : vector<1x16xf32> to vector<16xf32>
        %add3A_272 = arith.addf %get3A_267, %get3A_271 : vector<16xf32>
        %get3A_273 = arith.index_cast %scan3A_132 : i32 to index
        %get3A_274 = arith.constant 48 : index
        %get3A_275 = tpu.vector_load %arg13[%get3A_273, %get3A_274] {strides = array<i32>} : memref<80x128xf32, #tpu.memory_space<vmem>>, vector<1x16xf32>,
        %get3A_276 = vector.shape_cast %get3A_275 : vector<1x16xf32> to vector<16xf32>
        %add3A_277 = arith.addf %add3A_272, %get3A_276 : vector<16xf32>
        %swap3A_278 = arith.index_cast %scan3A_132 : i32 to index
        %swap3A_279 = arith.constant 48 : index
        %swap3A_280 = tpu.vector_load %arg11[%swap3A_278, %swap3A_279] {strides = array<i32>} : memref<80x128xf32, #tpu.memory_space<vmem>>, vector<1x16xf32>,
        %swap3A_281 = vector.shape_cast %swap3A_280 : vector<1x16xf32> to vector<16xf32>
        %swap3A_282 = vector.shape_cast %add3A_277 : vector<16xf32> to vector<1x16xf32>
        tpu.vector_store %arg11[%swap3A_278, %swap3A_279], %swap3A_282 {strides = array<i32>} : memref<80x128xf32, #tpu.memory_space<vmem>>, vector<1x16xf32>,
        %get3A_283 = arith.constant 3 : i32
        %get3A_284 = arith.index_cast %get3A_283 : i32 to index
        %get3A_285 = arith.constant 0 : index
        %get3A_286 = tpu.vector_load %arg14[%get3A_284, %get3A_285] {strides = array<i32>} : memref<16x16xf32, #tpu.memory_space<vmem>>, vector<1x16xf32>,
        %get3A_287 = vector.shape_cast %get3A_286 : vector<1x16xf32> to vector<16xf32>
        %add3A_288 = arith.addf %get3A_287, %add3A_277 : vector<16xf32>
        %swap3A_289 = arith.constant 3 : i32
        %swap3A_290 = arith.index_cast %swap3A_289 : i32 to index
        %swap3A_291 = arith.constant 0 : index
        %swap3A_292 = tpu.vector_load %arg14[%swap3A_290, %swap3A_291] {strides = array<i32>} : memref<16x16xf32, #tpu.memory_space<vmem>>, vector<1x16xf32>,
        %swap3A_293 = vector.shape_cast %swap3A_292 : vector<1x16xf32> to vector<16xf32>
        %swap3A_294 = vector.shape_cast %add3A_288 : vector<16xf32> to vector<1x16xf32>
        tpu.vector_store %arg14[%swap3A_290, %swap3A_291], %swap3A_294 {strides = array<i32>} : memref<16x16xf32, #tpu.memory_space<vmem>>, vector<1x16xf32>,
        %get3A_295 = arith.constant 11 : i32
        %get3A_296 = arith.index_cast %get3A_295 : i32 to index
        %get3A_297 = arith.constant 0 : index
        %get3A_298 = tpu.vector_load %arg14[%get3A_296, %get3A_297] {strides = array<i32>} : memref<16x16xf32, #tpu.memory_space<vmem>>, vector<1x16xf32>,
        %get3A_299 = vector.shape_cast %get3A_298 : vector<1x16xf32> to vector<16xf32>
        %mul3A_300 = arith.mulf %add3A_277, %add3A_277 : vector<16xf32>
        %add3A_301 = arith.addf %get3A_299, %mul3A_300 : vector<16xf32>
        %swap3A_302 = arith.constant 11 : i32
        %swap3A_303 = arith.index_cast %swap3A_302 : i32 to index
        %swap3A_304 = arith.constant 0 : index
        %swap3A_305 = tpu.vector_load %arg14[%swap3A_303, %swap3A_304] {strides = array<i32>} : memref<16x16xf32, #tpu.memory_space<vmem>>, vector<1x16xf32>,
        %swap3A_306 = vector.shape_cast %swap3A_305 : vector<1x16xf32> to vector<16xf32>
        %swap3A_307 = vector.shape_cast %add3A_301 : vector<16xf32> to vector<1x16xf32>
        tpu.vector_store %arg14[%swap3A_303, %swap3A_304], %swap3A_307 {strides = array<i32>} : memref<16x16xf32, #tpu.memory_space<vmem>>, vector<1x16xf32>,
        %get3A_308 = arith.index_cast %scan3A_132 : i32 to index
        %get3A_309 = arith.constant 64 : index
        %get3A_310 = tpu.vector_load %arg11[%get3A_308, %get3A_309] {strides = array<i32>} : memref<80x128xf32, #tpu.memory_space<vmem>>, vector<1x16xf32>,
        %get3A_311 = vector.shape_cast %get3A_310 : vector<1x16xf32> to vector<16xf32>
        %get3A_312 = arith.index_cast %scan3A_132 : i32 to index
        %get3A_313 = arith.constant 64 : index
        %get3A_314 = tpu.vector_load %arg12[%get3A_312, %get3A_313] {strides = array<i32>} : memref<80x128xf32, #tpu.memory_space<vmem>>, vector<1x16xf32>,
        %get3A_315 = vector.shape_cast %get3A_314 : vector<1x16xf32> to vector<16xf32>
        %add3A_316 = arith.addf %get3A_311, %get3A_315 : vector<16xf32>
        %get3A_317 = arith.index_cast %scan3A_132 : i32 to index
        %get3A_318 = arith.constant 64 : index
        %get3A_319 = tpu.vector_load %arg13[%get3A_317, %get3A_318] {strides = array<i32>} : memref<80x128xf32, #tpu.memory_space<vmem>>, vector<1x16xf32>,
        %get3A_320 = vector.shape_cast %get3A_319 : vector<1x16xf32> to vector<16xf32>
        %add3A_321 = arith.addf %add3A_316, %get3A_320 : vector<16xf32>
        %swap3A_322 = arith.index_cast %scan3A_132 : i32 to index
        %swap3A_323 = arith.constant 64 : index
        %swap3A_324 = tpu.vector_load %arg11[%swap3A_322, %swap3A_323] {strides = array<i32>} : memref<80x128xf32, #tpu.memory_space<vmem>>, vector<1x16xf32>,
        %swap3A_325 = vector.shape_cast %swap3A_324 : vector<1x16xf32> to vector<16xf32>
        %swap3A_326 = vector.shape_cast %add3A_321 : vector<16xf32> to vector<1x16xf32>
        tpu.vector_store %arg11[%swap3A_322, %swap3A_323], %swap3A_326 {strides = array<i32>} : memref<80x128xf32, #tpu.memory_space<vmem>>, vector<1x16xf32>,
        %get3A_327 = arith.constant 4 : i32
        %get3A_328 = arith.index_cast %get3A_327 : i32 to index
        %get3A_329 = arith.constant 0 : index
        %get3A_330 = tpu.vector_load %arg14[%get3A_328, %get3A_329] {strides = array<i32>} : memref<16x16xf32, #tpu.memory_space<vmem>>, vector<1x16xf32>,
        %get3A_331 = vector.shape_cast %get3A_330 : vector<1x16xf32> to vector<16xf32>
        %add3A_332 = arith.addf %get3A_331, %add3A_321 : vector<16xf32>
        %swap3A_333 = arith.constant 4 : i32
        %swap3A_334 = arith.index_cast %swap3A_333 : i32 to index
        %swap3A_335 = arith.constant 0 : index
        %swap3A_336 = tpu.vector_load %arg14[%swap3A_334, %swap3A_335] {strides = array<i32>} : memref<16x16xf32, #tpu.memory_space<vmem>>, vector<1x16xf32>,
        %swap3A_337 = vector.shape_cast %swap3A_336 : vector<1x16xf32> to vector<16xf32>
        %swap3A_338 = vector.shape_cast %add3A_332 : vector<16xf32> to vector<1x16xf32>
        tpu.vector_store %arg14[%swap3A_334, %swap3A_335], %swap3A_338 {strides = array<i32>} : memref<16x16xf32, #tpu.memory_space<vmem>>, vector<1x16xf32>,
        %get3A_339 = arith.constant 12 : i32
        %get3A_340 = arith.index_cast %get3A_339 : i32 to index
        %get3A_341 = arith.constant 0 : index
        %get3A_342 = tpu.vector_load %arg14[%get3A_340, %get3A_341] {strides = array<i32>} : memref<16x16xf32, #tpu.memory_space<vmem>>, vector<1x16xf32>,
        %get3A_343 = vector.shape_cast %get3A_342 : vector<1x16xf32> to vector<16xf32>
        %mul3A_344 = arith.mulf %add3A_321, %add3A_321 : vector<16xf32>
        %add3A_345 = arith.addf %get3A_343, %mul3A_344 : vector<16xf32>
        %swap3A_346 = arith.constant 12 : i32
        %swap3A_347 = arith.index_cast %swap3A_346 : i32 to index
        %swap3A_348 = arith.constant 0 : index
        %swap3A_349 = tpu.vector_load %arg14[%swap3A_347, %swap3A_348] {strides = array<i32>} : memref<16x16xf32, #tpu.memory_space<vmem>>, vector<1x16xf32>,
        %swap3A_350 = vector.shape_cast %swap3A_349 : vector<1x16xf32> to vector<16xf32>
        %swap3A_351 = vector.shape_cast %add3A_345 : vector<16xf32> to vector<1x16xf32>
        tpu.vector_store %arg14[%swap3A_347, %swap3A_348], %swap3A_351 {strides = array<i32>} : memref<16x16xf32, #tpu.memory_space<vmem>>, vector<1x16xf32>,
        %get3A_352 = arith.index_cast %scan3A_132 : i32 to index
        %get3A_353 = arith.constant 80 : index
        %get3A_354 = tpu.vector_load %arg11[%get3A_352, %get3A_353] {strides = array<i32>} : memref<80x128xf32, #tpu.memory_space<vmem>>, vector<1x16xf32>,
        %get3A_355 = vector.shape_cast %get3A_354 : vector<1x16xf32> to vector<16xf32>
        %get3A_356 = arith.index_cast %scan3A_132 : i32 to index
        %get3A_357 = arith.constant 80 : index
        %get3A_358 = tpu.vector_load %arg12[%get3A_356, %get3A_357] {strides = array<i32>} : memref<80x128xf32, #tpu.memory_space<vmem>>, vector<1x16xf32>,
        %get3A_359 = vector.shape_cast %get3A_358 : vector<1x16xf32> to vector<16xf32>
        %add3A_360 = arith.addf %get3A_355, %get3A_359 : vector<16xf32>
        %get3A_361 = arith.index_cast %scan3A_132 : i32 to index
        %get3A_362 = arith.constant 80 : index
        %get3A_363 = tpu.vector_load %arg13[%get3A_361, %get3A_362] {strides = array<i32>} : memref<80x128xf32, #tpu.memory_space<vmem>>, vector<1x16xf32>,
        %get3A_364 = vector.shape_cast %get3A_363 : vector<1x16xf32> to vector<16xf32>
        %add3A_365 = arith.addf %add3A_360, %get3A_364 : vector<16xf32>
        %swap3A_366 = arith.index_cast %scan3A_132 : i32 to index
        %swap3A_367 = arith.constant 80 : index
        %swap3A_368 = tpu.vector_load %arg11[%swap3A_366, %swap3A_367] {strides = array<i32>} : memref<80x128xf32, #tpu.memory_space<vmem>>, vector<1x16xf32>,
        %swap3A_369 = vector.shape_cast %swap3A_368 : vector<1x16xf32> to vector<16xf32>
        %swap3A_370 = vector.shape_cast %add3A_365 : vector<16xf32> to vector<1x16xf32>
        tpu.vector_store %arg11[%swap3A_366, %swap3A_367], %swap3A_370 {strides = array<i32>} : memref<80x128xf32, #tpu.memory_space<vmem>>, vector<1x16xf32>,
        %get3A_371 = arith.constant 5 : i32
        %get3A_372 = arith.index_cast %get3A_371 : i32 to index
        %get3A_373 = arith.constant 0 : index
        %get3A_374 = tpu.vector_load %arg14[%get3A_372, %get3A_373] {strides = array<i32>} : memref<16x16xf32, #tpu.memory_space<vmem>>, vector<1x16xf32>,
        %get3A_375 = vector.shape_cast %get3A_374 : vector<1x16xf32> to vector<16xf32>
        %add3A_376 = arith.addf %get3A_375, %add3A_365 : vector<16xf32>
        %swap3A_377 = arith.constant 5 : i32
        %swap3A_378 = arith.index_cast %swap3A_377 : i32 to index
        %swap3A_379 = arith.constant 0 : index
        %swap3A_380 = tpu.vector_load %arg14[%swap3A_378, %swap3A_379] {strides = array<i32>} : memref<16x16xf32, #tpu.memory_space<vmem>>, vector<1x16xf32>,
        %swap3A_381 = vector.shape_cast %swap3A_380 : vector<1x16xf32> to vector<16xf32>
        %swap3A_382 = vector.shape_cast %add3A_376 : vector<16xf32> to vector<1x16xf32>
        tpu.vector_store %arg14[%swap3A_378, %swap3A_379], %swap3A_382 {strides = array<i32>} : memref<16x16xf32, #tpu.memory_space<vmem>>, vector<1x16xf32>,
        %get3A_383 = arith.constant 13 : i32
        %get3A_384 = arith.index_cast %get3A_383 : i32 to index
        %get3A_385 = arith.constant 0 : index
        %get3A_386 = tpu.vector_load %arg14[%get3A_384, %get3A_385] {strides = array<i32>} : memref<16x16xf32, #tpu.memory_space<vmem>>, vector<1x16xf32>,
        %get3A_387 = vector.shape_cast %get3A_386 : vector<1x16xf32> to vector<16xf32>
        %mul3A_388 = arith.mulf %add3A_365, %add3A_365 : vector<16xf32>
        %add3A_389 = arith.addf %get3A_387, %mul3A_388 : vector<16xf32>
        %swap3A_390 = arith.constant 13 : i32
        %swap3A_391 = arith.index_cast %swap3A_390 : i32 to index
        %swap3A_392 = arith.constant 0 : index
        %swap3A_393 = tpu.vector_load %arg14[%swap3A_391, %swap3A_392] {strides = array<i32>} : memref<16x16xf32, #tpu.memory_space<vmem>>, vector<1x16xf32>,
        %swap3A_394 = vector.shape_cast %swap3A_393 : vector<1x16xf32> to vector<16xf32>
        %swap3A_395 = vector.shape_cast %add3A_389 : vector<16xf32> to vector<1x16xf32>
        tpu.vector_store %arg14[%swap3A_391, %swap3A_392], %swap3A_395 {strides = array<i32>} : memref<16x16xf32, #tpu.memory_space<vmem>>, vector<1x16xf32>,
        %get3A_396 = arith.index_cast %scan3A_132 : i32 to index
        %get3A_397 = arith.constant 96 : index
        %get3A_398 = tpu.vector_load %arg11[%get3A_396, %get3A_397] {strides = array<i32>} : memref<80x128xf32, #tpu.memory_space<vmem>>, vector<1x16xf32>,
        %get3A_399 = vector.shape_cast %get3A_398 : vector<1x16xf32> to vector<16xf32>
        %get3A_400 = arith.index_cast %scan3A_132 : i32 to index
        %get3A_401 = arith.constant 96 : index
        %get3A_402 = tpu.vector_load %arg12[%get3A_400, %get3A_401] {strides = array<i32>} : memref<80x128xf32, #tpu.memory_space<vmem>>, vector<1x16xf32>,
        %get3A_403 = vector.shape_cast %get3A_402 : vector<1x16xf32> to vector<16xf32>
        %add3A_404 = arith.addf %get3A_399, %get3A_403 : vector<16xf32>
        %get3A_405 = arith.index_cast %scan3A_132 : i32 to index
        %get3A_406 = arith.constant 96 : index
        %get3A_407 = tpu.vector_load %arg13[%get3A_405, %get3A_406] {strides = array<i32>} : memref<80x128xf32, #tpu.memory_space<vmem>>, vector<1x16xf32>,
        %get3A_408 = vector.shape_cast %get3A_407 : vector<1x16xf32> to vector<16xf32>
        %add3A_409 = arith.addf %add3A_404, %get3A_408 : vector<16xf32>
        %swap3A_410 = arith.index_cast %scan3A_132 : i32 to index
        %swap3A_411 = arith.constant 96 : index
        %swap3A_412 = tpu.vector_load %arg11[%swap3A_410, %swap3A_411] {strides = array<i32>} : memref<80x128xf32, #tpu.memory_space<vmem>>, vector<1x16xf32>,
        %swap3A_413 = vector.shape_cast %swap3A_412 : vector<1x16xf32> to vector<16xf32>
        %swap3A_414 = vector.shape_cast %add3A_409 : vector<16xf32> to vector<1x16xf32>
        tpu.vector_store %arg11[%swap3A_410, %swap3A_411], %swap3A_414 {strides = array<i32>} : memref<80x128xf32, #tpu.memory_space<vmem>>, vector<1x16xf32>,
        %get3A_415 = arith.constant 6 : i32
        %get3A_416 = arith.index_cast %get3A_415 : i32 to index
        %get3A_417 = arith.constant 0 : index
        %get3A_418 = tpu.vector_load %arg14[%get3A_416, %get3A_417] {strides = array<i32>} : memref<16x16xf32, #tpu.memory_space<vmem>>, vector<1x16xf32>,
        %get3A_419 = vector.shape_cast %get3A_418 : vector<1x16xf32> to vector<16xf32>
        %add3A_420 = arith.addf %get3A_419, %add3A_409 : vector<16xf32>
        %swap3A_421 = arith.constant 6 : i32
        %swap3A_422 = arith.index_cast %swap3A_421 : i32 to index
        %swap3A_423 = arith.constant 0 : index
        %swap3A_424 = tpu.vector_load %arg14[%swap3A_422, %swap3A_423] {strides = array<i32>} : memref<16x16xf32, #tpu.memory_space<vmem>>, vector<1x16xf32>,
        %swap3A_425 = vector.shape_cast %swap3A_424 : vector<1x16xf32> to vector<16xf32>
        %swap3A_426 = vector.shape_cast %add3A_420 : vector<16xf32> to vector<1x16xf32>
        tpu.vector_store %arg14[%swap3A_422, %swap3A_423], %swap3A_426 {strides = array<i32>} : memref<16x16xf32, #tpu.memory_space<vmem>>, vector<1x16xf32>,
        %get3A_427 = arith.constant 14 : i32
        %get3A_428 = arith.index_cast %get3A_427 : i32 to index
        %get3A_429 = arith.constant 0 : index
        %get3A_430 = tpu.vector_load %arg14[%get3A_428, %get3A_429] {strides = array<i32>} : memref<16x16xf32, #tpu.memory_space<vmem>>, vector<1x16xf32>,
        %get3A_431 = vector.shape_cast %get3A_430 : vector<1x16xf32> to vector<16xf32>
        %mul3A_432 = arith.mulf %add3A_409, %add3A_409 : vector<16xf32>
        %add3A_433 = arith.addf %get3A_431, %mul3A_432 : vector<16xf32>
        %swap3A_434 = arith.constant 14 : i32
        %swap3A_435 = arith.index_cast %swap3A_434 : i32 to index
        %swap3A_436 = arith.constant 0 : index
        %swap3A_437 = tpu.vector_load %arg14[%swap3A_435, %swap3A_436] {strides = array<i32>} : memref<16x16xf32, #tpu.memory_space<vmem>>, vector<1x16xf32>,
        %swap3A_438 = vector.shape_cast %swap3A_437 : vector<1x16xf32> to vector<16xf32>
        %swap3A_439 = vector.shape_cast %add3A_433 : vector<16xf32> to vector<1x16xf32>
        tpu.vector_store %arg14[%swap3A_435, %swap3A_436], %swap3A_439 {strides = array<i32>} : memref<16x16xf32, #tpu.memory_space<vmem>>, vector<1x16xf32>,
        %get3A_440 = arith.index_cast %scan3A_132 : i32 to index
        %get3A_441 = arith.constant 112 : index
        %get3A_442 = tpu.vector_load %arg11[%get3A_440, %get3A_441] {strides = array<i32>} : memref<80x128xf32, #tpu.memory_space<vmem>>, vector<1x16xf32>,
        %get3A_443 = vector.shape_cast %get3A_442 : vector<1x16xf32> to vector<16xf32>
        %get3A_444 = arith.index_cast %scan3A_132 : i32 to index
        %get3A_445 = arith.constant 112 : index
        %get3A_446 = tpu.vector_load %arg12[%get3A_444, %get3A_445] {strides = array<i32>} : memref<80x128xf32, #tpu.memory_space<vmem>>, vector<1x16xf32>,
        %get3A_447 = vector.shape_cast %get3A_446 : vector<1x16xf32> to vector<16xf32>
        %add3A_448 = arith.addf %get3A_443, %get3A_447 : vector<16xf32>
        %get3A_449 = arith.index_cast %scan3A_132 : i32 to index
        %get3A_450 = arith.constant 112 : index
        %get3A_451 = tpu.vector_load %arg13[%get3A_449, %get3A_450] {strides = array<i32>} : memref<80x128xf32, #tpu.memory_space<vmem>>, vector<1x16xf32>,
        %get3A_452 = vector.shape_cast %get3A_451 : vector<1x16xf32> to vector<16xf32>
        %add3A_453 = arith.addf %add3A_448, %get3A_452 : vector<16xf32>
        %swap3A_454 = arith.index_cast %scan3A_132 : i32 to index
        %swap3A_455 = arith.constant 112 : index
        %swap3A_456 = tpu.vector_load %arg11[%swap3A_454, %swap3A_455] {strides = array<i32>} : memref<80x128xf32, #tpu.memory_space<vmem>>, vector<1x16xf32>,
        %swap3A_457 = vector.shape_cast %swap3A_456 : vector<1x16xf32> to vector<16xf32>
        %swap3A_458 = vector.shape_cast %add3A_453 : vector<16xf32> to vector<1x16xf32>
        tpu.vector_store %arg11[%swap3A_454, %swap3A_455], %swap3A_458 {strides = array<i32>} : memref<80x128xf32, #tpu.memory_space<vmem>>, vector<1x16xf32>,
        %get3A_459 = arith.constant 7 : i32
        %get3A_460 = arith.index_cast %get3A_459 : i32 to index
        %get3A_461 = arith.constant 0 : index
        %get3A_462 = tpu.vector_load %arg14[%get3A_460, %get3A_461] {strides = array<i32>} : memref<16x16xf32, #tpu.memory_space<vmem>>, vector<1x16xf32>,
        %get3A_463 = vector.shape_cast %get3A_462 : vector<1x16xf32> to vector<16xf32>
        %add3A_464 = arith.addf %get3A_463, %add3A_453 : vector<16xf32>
        %swap3A_465 = arith.constant 7 : i32
        %swap3A_466 = arith.index_cast %swap3A_465 : i32 to index
        %swap3A_467 = arith.constant 0 : index
        %swap3A_468 = tpu.vector_load %arg14[%swap3A_466, %swap3A_467] {strides = array<i32>} : memref<16x16xf32, #tpu.memory_space<vmem>>, vector<1x16xf32>,
        %swap3A_469 = vector.shape_cast %swap3A_468 : vector<1x16xf32> to vector<16xf32>
        %swap3A_470 = vector.shape_cast %add3A_464 : vector<16xf32> to vector<1x16xf32>
        tpu.vector_store %arg14[%swap3A_466, %swap3A_467], %swap3A_470 {strides = array<i32>} : memref<16x16xf32, #tpu.memory_space<vmem>>, vector<1x16xf32>,
        %get3A_471 = arith.constant 15 : i32
        %get3A_472 = arith.index_cast %get3A_471 : i32 to index
        %get3A_473 = arith.constant 0 : index
        %get3A_474 = tpu.vector_load %arg14[%get3A_472, %get3A_473] {strides = array<i32>} : memref<16x16xf32, #tpu.memory_space<vmem>>, vector<1x16xf32>,
        %get3A_475 = vector.shape_cast %get3A_474 : vector<1x16xf32> to vector<16xf32>
        %mul3A_476 = arith.mulf %add3A_453, %add3A_453 : vector<16xf32>
        %add3A_477 = arith.addf %get3A_475, %mul3A_476 : vector<16xf32>
        %swap3A_478 = arith.constant 15 : i32
        %swap3A_479 = arith.index_cast %swap3A_478 : i32 to index
        %swap3A_480 = arith.constant 0 : index
        %swap3A_481 = tpu.vector_load %arg14[%swap3A_479, %swap3A_480] {strides = array<i32>} : memref<16x16xf32, #tpu.memory_space<vmem>>, vector<1x16xf32>,
        %swap3A_482 = vector.shape_cast %swap3A_481 : vector<1x16xf32> to vector<16xf32>
        %swap3A_483 = vector.shape_cast %add3A_477 : vector<16xf32> to vector<1x16xf32>
        tpu.vector_store %arg14[%swap3A_479, %swap3A_480], %swap3A_483 {strides = array<i32>} : memref<16x16xf32, #tpu.memory_space<vmem>>, vector<1x16xf32>,
      }
      %scan3A_131 = arith.constant 80 : i32
      "tpu.region"() ({
        %run_scoped3A = tpu.sem_alloc : memref<!tpu.dma_semaphore, #tpu.memory_space<semaphore_mem>>
        %dma_start3A_132 = arith.constant 0 : i32
        %dma_start3A_133 = tpu.memref_slice %arg7[%add3A_107, %dma_start3A_132] : memref<320000x128xf32, #tpu.memory_space<hbm>> -> memref<80x128xf32, #tpu.memory_space<hbm>>
        %dma_start3A_134 = arith.constant 0 : i32
        %dma_start3A_135 = tpu.memref_slice %arg7[%add3A_107, %dma_start3A_134] : memref<320000x128xf32, #tpu.memory_space<hbm>> -> memref<80x128xf32, #tpu.memory_space<hbm>>
        tpu.enqueue_dma source(%arg11 : memref<80x128xf32, #tpu.memory_space<vmem>>) target(%dma_start3A_135 : memref<80x128xf32, #tpu.memory_space<hbm>>) target_semaphore(%run_scoped3A : memref<!tpu.dma_semaphore, #tpu.memory_space<semaphore_mem>>)
        %dma_wait3A_136 = arith.constant 0 : i32
        %dma_wait3A_137 = tpu.memref_slice %arg7[%add3A_107, %dma_wait3A_136] : memref<320000x128xf32, #tpu.memory_space<hbm>> -> memref<80x128xf32, #tpu.memory_space<hbm>>
        %dma_wait3A_138 = arith.constant 0 : i32
        %dma_wait3A_139 = tpu.memref_slice %arg7[%add3A_107, %dma_wait3A_138] : memref<320000x128xf32, #tpu.memory_space<hbm>> -> memref<80x128xf32, #tpu.memory_space<hbm>>
        tpu.wait_dma2 semaphore(%run_scoped3A : memref<!tpu.dma_semaphore, #tpu.memory_space<semaphore_mem>>) src(%arg11 : memref<80x128xf32, #tpu.memory_space<vmem>>) dst(%dma_wait3A_139 : memref<80x128xf32, #tpu.memory_space<hbm>>)
        tpu.yield
      }) : () -> ()
    }
    %scan3A_103 = arith.constant 125 : i32
    "tpu.region"() ({
      %run_scoped3A = tpu.sem_alloc : memref<!tpu.dma_semaphore, #tpu.memory_space<semaphore_mem>>
      %dma_start3A = arith.constant 0 : i32
      %dma_start3A_104 = arith.constant 0 : i32
      %dma_start3A_105 = tpu.memref_slice %arg8[%add3A, %dma_start3A, %dma_start3A_104] : memref<32x16x16xf32, #tpu.memory_space<hbm>> -> memref<1x16x16xf32, #tpu.memory_space<hbm>>
      %dma_start3A_106 = tpu.memref_squeeze %dma_start3A_105 : memref<1x16x16xf32, #tpu.memory_space<hbm>> -> memref<16x16xf32, #tpu.memory_space<hbm>>
      %dma_start3A_107 = arith.constant 0 : i32
      %dma_start3A_108 = arith.constant 0 : i32
      %dma_start3A_109 = tpu.memref_slice %arg8[%add3A, %dma_start3A_107, %dma_start3A_108] : memref<32x16x16xf32, #tpu.memory_space<hbm>> -> memref<1x16x16xf32, #tpu.memory_space<hbm>>
      %dma_start3A_110 = tpu.memref_squeeze %dma_start3A_109 : memref<1x16x16xf32, #tpu.memory_space<hbm>> -> memref<16x16xf32, #tpu.memory_space<hbm>>
      tpu.enqueue_dma source(%arg14 : memref<16x16xf32, #tpu.memory_space<vmem>>) target(%dma_start3A_110 : memref<16x16xf32, #tpu.memory_space<hbm>>) target_semaphore(%run_scoped3A : memref<!tpu.dma_semaphore, #tpu.memory_space<semaphore_mem>>)
      %dma_wait3A = arith.constant 0 : i32
      %dma_wait3A_111 = arith.constant 0 : i32
      %dma_wait3A_112 = tpu.memref_slice %arg8[%add3A, %dma_wait3A, %dma_wait3A_111] : memref<32x16x16xf32, #tpu.memory_space<hbm>> -> memref<1x16x16xf32, #tpu.memory_space<hbm>>
      %dma_wait3A_113 = tpu.memref_squeeze %dma_wait3A_112 : memref<1x16x16xf32, #tpu.memory_space<hbm>> -> memref<16x16xf32, #tpu.memory_space<hbm>>
      %dma_wait3A_114 = arith.constant 0 : i32
      %dma_wait3A_115 = arith.constant 0 : i32
      %dma_wait3A_116 = tpu.memref_slice %arg8[%add3A, %dma_wait3A_114, %dma_wait3A_115] : memref<32x16x16xf32, #tpu.memory_space<hbm>> -> memref<1x16x16xf32, #tpu.memory_space<hbm>>
      %dma_wait3A_117 = tpu.memref_squeeze %dma_wait3A_116 : memref<1x16x16xf32, #tpu.memory_space<hbm>> -> memref<16x16xf32, #tpu.memory_space<hbm>>
      tpu.wait_dma2 semaphore(%run_scoped3A : memref<!tpu.dma_semaphore, #tpu.memory_space<semaphore_mem>>) src(%arg14 : memref<16x16xf32, #tpu.memory_space<vmem>>) dst(%dma_wait3A_117 : memref<16x16xf32, #tpu.memory_space<hbm>>)
      tpu.yield
    }) : () -> ()
    return
  }
}

#map = affine_map<(d0, d1) -> (0)>
#map1 = affine_map<(d0, d1) -> (0, 0)>
#map2 = affine_map<(d0, d1) -> (0, 0, 0)>
module attributes {stable_mosaic.version = 14 : i64} {
  func.func @_s2(%arg0: i32, %arg1: i32, %arg2: memref<320000xi32, #tpu.memory_space<hbm>>, %arg3: memref<320000x128xf32, #tpu.memory_space<hbm>>, %arg4: memref<2x128xf32, #tpu.memory_space<hbm>>, %arg5: memref<320000x128xf32, #tpu.memory_space<hbm>>, %arg6: memref<2x10240x128xf32, #tpu.memory_space<hbm>>, %arg7: memref<80xi32, #tpu.memory_space<vmem>>, %arg8: memref<80x128xf32, #tpu.memory_space<vmem>>, %arg9: memref<80x128xf32, #tpu.memory_space<vmem>>, %arg10: memref<2x128xf32, #tpu.memory_space<vmem>>, %arg11: memref<128x128xf32, #tpu.memory_space<vmem>>, %arg12: memref<10240x128xf32, #tpu.memory_space<vmem_shared>>, %arg13: memref<!tpu.dma_semaphore, #tpu.memory_space<semaphore_mem>>) attributes {dimension_semantics = [#tpu.dimension_semantics<core_parallel>, #tpu.dimension_semantics<subcore_parallel>], iteration_bounds = array<i64: 2, 16>, scalar_prefetch = 0 : i64, scratch_operands = 7 : i64, tpu.core_type = #tpu.core_type<sc_vector_subcore>, window_params = [{transform_indices = #map}, {transform_indices = #map1}, {transform_indices = #map1}, {transform_indices = #map1}, {transform_indices = #map2}]} {
    %mul3A = arith.constant 16 : i32
    %mul3A_0 = arith.muli %arg0, %mul3A : i32
    %add3A = arith.addi %mul3A_0, %arg1 : i32
    %mul3A_1 = arith.constant 10000 : i32
    %mul3A_2 = arith.muli %add3A, %mul3A_1 : i32
    %broadcast_in_dim3A = arith.constant 0.000000e+00 : f32
    %broadcast_in_dim3A_3 = vector.broadcast %broadcast_in_dim3A : f32 to vector<16xf32>
    %scan3A = arith.constant 0 : i32
    %scan3A_4 = arith.constant 0 : i32
    %scan3A_5 = arith.constant 128 : i32
    %scan3A_6 = arith.addi %scan3A_4, %scan3A_5 : i32
    %scan3A_7 = arith.constant 1 : i32
    scf.for %scan3A_56 = %scan3A_4 to %scan3A_6 step %scan3A_7  : i32 {
      %swap3A = arith.index_cast %scan3A_56 : i32 to index
      %swap3A_57 = arith.constant 0 : index
      %swap3A_58 = tpu.vector_load %arg11[%swap3A, %swap3A_57] {strides = array<i32>} : memref<128x128xf32, #tpu.memory_space<vmem>>, vector<1x16xf32>,
      %swap3A_59 = vector.shape_cast %swap3A_58 : vector<1x16xf32> to vector<16xf32>
      %swap3A_60 = vector.shape_cast %broadcast_in_dim3A_3 : vector<16xf32> to vector<1x16xf32>
      tpu.vector_store %arg11[%swap3A, %swap3A_57], %swap3A_60 {strides = array<i32>} : memref<128x128xf32, #tpu.memory_space<vmem>>, vector<1x16xf32>,
      %swap3A_61 = arith.index_cast %scan3A_56 : i32 to index
      %swap3A_62 = arith.constant 16 : index
      %swap3A_63 = tpu.vector_load %arg11[%swap3A_61, %swap3A_62] {strides = array<i32>} : memref<128x128xf32, #tpu.memory_space<vmem>>, vector<1x16xf32>,
      %swap3A_64 = vector.shape_cast %swap3A_63 : vector<1x16xf32> to vector<16xf32>
      %swap3A_65 = vector.shape_cast %broadcast_in_dim3A_3 : vector<16xf32> to vector<1x16xf32>
      tpu.vector_store %arg11[%swap3A_61, %swap3A_62], %swap3A_65 {strides = array<i32>} : memref<128x128xf32, #tpu.memory_space<vmem>>, vector<1x16xf32>,
      %swap3A_66 = arith.index_cast %scan3A_56 : i32 to index
      %swap3A_67 = arith.constant 32 : index
      %swap3A_68 = tpu.vector_load %arg11[%swap3A_66, %swap3A_67] {strides = array<i32>} : memref<128x128xf32, #tpu.memory_space<vmem>>, vector<1x16xf32>,
      %swap3A_69 = vector.shape_cast %swap3A_68 : vector<1x16xf32> to vector<16xf32>
      %swap3A_70 = vector.shape_cast %broadcast_in_dim3A_3 : vector<16xf32> to vector<1x16xf32>
      tpu.vector_store %arg11[%swap3A_66, %swap3A_67], %swap3A_70 {strides = array<i32>} : memref<128x128xf32, #tpu.memory_space<vmem>>, vector<1x16xf32>,
      %swap3A_71 = arith.index_cast %scan3A_56 : i32 to index
      %swap3A_72 = arith.constant 48 : index
      %swap3A_73 = tpu.vector_load %arg11[%swap3A_71, %swap3A_72] {strides = array<i32>} : memref<128x128xf32, #tpu.memory_space<vmem>>, vector<1x16xf32>,
      %swap3A_74 = vector.shape_cast %swap3A_73 : vector<1x16xf32> to vector<16xf32>
      %swap3A_75 = vector.shape_cast %broadcast_in_dim3A_3 : vector<16xf32> to vector<1x16xf32>
      tpu.vector_store %arg11[%swap3A_71, %swap3A_72], %swap3A_75 {strides = array<i32>} : memref<128x128xf32, #tpu.memory_space<vmem>>, vector<1x16xf32>,
      %swap3A_76 = arith.index_cast %scan3A_56 : i32 to index
      %swap3A_77 = arith.constant 64 : index
      %swap3A_78 = tpu.vector_load %arg11[%swap3A_76, %swap3A_77] {strides = array<i32>} : memref<128x128xf32, #tpu.memory_space<vmem>>, vector<1x16xf32>,
      %swap3A_79 = vector.shape_cast %swap3A_78 : vector<1x16xf32> to vector<16xf32>
      %swap3A_80 = vector.shape_cast %broadcast_in_dim3A_3 : vector<16xf32> to vector<1x16xf32>
      tpu.vector_store %arg11[%swap3A_76, %swap3A_77], %swap3A_80 {strides = array<i32>} : memref<128x128xf32, #tpu.memory_space<vmem>>, vector<1x16xf32>,
      %swap3A_81 = arith.index_cast %scan3A_56 : i32 to index
      %swap3A_82 = arith.constant 80 : index
      %swap3A_83 = tpu.vector_load %arg11[%swap3A_81, %swap3A_82] {strides = array<i32>} : memref<128x128xf32, #tpu.memory_space<vmem>>, vector<1x16xf32>,
      %swap3A_84 = vector.shape_cast %swap3A_83 : vector<1x16xf32> to vector<16xf32>
      %swap3A_85 = vector.shape_cast %broadcast_in_dim3A_3 : vector<16xf32> to vector<1x16xf32>
      tpu.vector_store %arg11[%swap3A_81, %swap3A_82], %swap3A_85 {strides = array<i32>} : memref<128x128xf32, #tpu.memory_space<vmem>>, vector<1x16xf32>,
      %swap3A_86 = arith.index_cast %scan3A_56 : i32 to index
      %swap3A_87 = arith.constant 96 : index
      %swap3A_88 = tpu.vector_load %arg11[%swap3A_86, %swap3A_87] {strides = array<i32>} : memref<128x128xf32, #tpu.memory_space<vmem>>, vector<1x16xf32>,
      %swap3A_89 = vector.shape_cast %swap3A_88 : vector<1x16xf32> to vector<16xf32>
      %swap3A_90 = vector.shape_cast %broadcast_in_dim3A_3 : vector<16xf32> to vector<1x16xf32>
      tpu.vector_store %arg11[%swap3A_86, %swap3A_87], %swap3A_90 {strides = array<i32>} : memref<128x128xf32, #tpu.memory_space<vmem>>, vector<1x16xf32>,
      %swap3A_91 = arith.index_cast %scan3A_56 : i32 to index
      %swap3A_92 = arith.constant 112 : index
      %swap3A_93 = tpu.vector_load %arg11[%swap3A_91, %swap3A_92] {strides = array<i32>} : memref<128x128xf32, #tpu.memory_space<vmem>>, vector<1x16xf32>,
      %swap3A_94 = vector.shape_cast %swap3A_93 : vector<1x16xf32> to vector<16xf32>
      %swap3A_95 = vector.shape_cast %broadcast_in_dim3A_3 : vector<16xf32> to vector<1x16xf32>
      tpu.vector_store %arg11[%swap3A_91, %swap3A_92], %swap3A_95 {strides = array<i32>} : memref<128x128xf32, #tpu.memory_space<vmem>>, vector<1x16xf32>,
    }
    %scan3A_8 = arith.constant 128 : i32
    %mul3A_9 = arith.constant 640 : i32
    %mul3A_10 = arith.muli %arg1, %mul3A_9 : i32
    %add3A_11 = arith.constant 0 : i32
    %add3A_12 = arith.addi %mul3A_10, %add3A_11 : i32
    "tpu.region"() ({
      %run_scoped3A = tpu.sem_alloc : memref<!tpu.dma_semaphore, #tpu.memory_space<semaphore_mem>>
      %dma_start3A = arith.constant 0 : i32
      %dma_start3A_56 = tpu.memref_slice %arg12[%add3A_12, %dma_start3A] : memref<10240x128xf32, #tpu.memory_space<vmem_shared>> -> memref<128x128xf32, #tpu.memory_space<vmem_shared>>
      %dma_start3A_57 = arith.constant 0 : i32
      %dma_start3A_58 = tpu.memref_slice %arg12[%add3A_12, %dma_start3A_57] : memref<10240x128xf32, #tpu.memory_space<vmem_shared>> -> memref<128x128xf32, #tpu.memory_space<vmem_shared>>
      tpu.enqueue_dma source(%arg11 : memref<128x128xf32, #tpu.memory_space<vmem>>) target(%dma_start3A_58 : memref<128x128xf32, #tpu.memory_space<vmem_shared>>) target_semaphore(%run_scoped3A : memref<!tpu.dma_semaphore, #tpu.memory_space<semaphore_mem>>)
      %dma_wait3A = arith.constant 0 : i32
      %dma_wait3A_59 = tpu.memref_slice %arg12[%add3A_12, %dma_wait3A] : memref<10240x128xf32, #tpu.memory_space<vmem_shared>> -> memref<128x128xf32, #tpu.memory_space<vmem_shared>>
      %dma_wait3A_60 = arith.constant 0 : i32
      %dma_wait3A_61 = tpu.memref_slice %arg12[%add3A_12, %dma_wait3A_60] : memref<10240x128xf32, #tpu.memory_space<vmem_shared>> -> memref<128x128xf32, #tpu.memory_space<vmem_shared>>
      tpu.wait_dma2 semaphore(%run_scoped3A : memref<!tpu.dma_semaphore, #tpu.memory_space<semaphore_mem>>) src(%arg11 : memref<128x128xf32, #tpu.memory_space<vmem>>) dst(%dma_wait3A_61 : memref<128x128xf32, #tpu.memory_space<vmem_shared>>)
      tpu.yield
    }) : () -> ()
    %mul3A_13 = arith.constant 640 : i32
    %mul3A_14 = arith.muli %arg1, %mul3A_13 : i32
    %add3A_15 = arith.constant 128 : i32
    %add3A_16 = arith.addi %mul3A_14, %add3A_15 : i32
    "tpu.region"() ({
      %run_scoped3A = tpu.sem_alloc : memref<!tpu.dma_semaphore, #tpu.memory_space<semaphore_mem>>
      %dma_start3A = arith.constant 0 : i32
      %dma_start3A_56 = tpu.memref_slice %arg12[%add3A_16, %dma_start3A] : memref<10240x128xf32, #tpu.memory_space<vmem_shared>> -> memref<128x128xf32, #tpu.memory_space<vmem_shared>>
      %dma_start3A_57 = arith.constant 0 : i32
      %dma_start3A_58 = tpu.memref_slice %arg12[%add3A_16, %dma_start3A_57] : memref<10240x128xf32, #tpu.memory_space<vmem_shared>> -> memref<128x128xf32, #tpu.memory_space<vmem_shared>>
      tpu.enqueue_dma source(%arg11 : memref<128x128xf32, #tpu.memory_space<vmem>>) target(%dma_start3A_58 : memref<128x128xf32, #tpu.memory_space<vmem_shared>>) target_semaphore(%run_scoped3A : memref<!tpu.dma_semaphore, #tpu.memory_space<semaphore_mem>>)
      %dma_wait3A = arith.constant 0 : i32
      %dma_wait3A_59 = tpu.memref_slice %arg12[%add3A_16, %dma_wait3A] : memref<10240x128xf32, #tpu.memory_space<vmem_shared>> -> memref<128x128xf32, #tpu.memory_space<vmem_shared>>
      %dma_wait3A_60 = arith.constant 0 : i32
      %dma_wait3A_61 = tpu.memref_slice %arg12[%add3A_16, %dma_wait3A_60] : memref<10240x128xf32, #tpu.memory_space<vmem_shared>> -> memref<128x128xf32, #tpu.memory_space<vmem_shared>>
      tpu.wait_dma2 semaphore(%run_scoped3A : memref<!tpu.dma_semaphore, #tpu.memory_space<semaphore_mem>>) src(%arg11 : memref<128x128xf32, #tpu.memory_space<vmem>>) dst(%dma_wait3A_61 : memref<128x128xf32, #tpu.memory_space<vmem_shared>>)
      tpu.yield
    }) : () -> ()
    %mul3A_17 = arith.constant 640 : i32
    %mul3A_18 = arith.muli %arg1, %mul3A_17 : i32
    %add3A_19 = arith.constant 256 : i32
    %add3A_20 = arith.addi %mul3A_18, %add3A_19 : i32
    "tpu.region"() ({
      %run_scoped3A = tpu.sem_alloc : memref<!tpu.dma_semaphore, #tpu.memory_space<semaphore_mem>>
      %dma_start3A = arith.constant 0 : i32
      %dma_start3A_56 = tpu.memref_slice %arg12[%add3A_20, %dma_start3A] : memref<10240x128xf32, #tpu.memory_space<vmem_shared>> -> memref<128x128xf32, #tpu.memory_space<vmem_shared>>
      %dma_start3A_57 = arith.constant 0 : i32
      %dma_start3A_58 = tpu.memref_slice %arg12[%add3A_20, %dma_start3A_57] : memref<10240x128xf32, #tpu.memory_space<vmem_shared>> -> memref<128x128xf32, #tpu.memory_space<vmem_shared>>
      tpu.enqueue_dma source(%arg11 : memref<128x128xf32, #tpu.memory_space<vmem>>) target(%dma_start3A_58 : memref<128x128xf32, #tpu.memory_space<vmem_shared>>) target_semaphore(%run_scoped3A : memref<!tpu.dma_semaphore, #tpu.memory_space<semaphore_mem>>)
      %dma_wait3A = arith.constant 0 : i32
      %dma_wait3A_59 = tpu.memref_slice %arg12[%add3A_20, %dma_wait3A] : memref<10240x128xf32, #tpu.memory_space<vmem_shared>> -> memref<128x128xf32, #tpu.memory_space<vmem_shared>>
      %dma_wait3A_60 = arith.constant 0 : i32
      %dma_wait3A_61 = tpu.memref_slice %arg12[%add3A_20, %dma_wait3A_60] : memref<10240x128xf32, #tpu.memory_space<vmem_shared>> -> memref<128x128xf32, #tpu.memory_space<vmem_shared>>
      tpu.wait_dma2 semaphore(%run_scoped3A : memref<!tpu.dma_semaphore, #tpu.memory_space<semaphore_mem>>) src(%arg11 : memref<128x128xf32, #tpu.memory_space<vmem>>) dst(%dma_wait3A_61 : memref<128x128xf32, #tpu.memory_space<vmem_shared>>)
      tpu.yield
    }) : () -> ()
    %mul3A_21 = arith.constant 640 : i32
    %mul3A_22 = arith.muli %arg1, %mul3A_21 : i32
    %add3A_23 = arith.constant 384 : i32
    %add3A_24 = arith.addi %mul3A_22, %add3A_23 : i32
    "tpu.region"() ({
      %run_scoped3A = tpu.sem_alloc : memref<!tpu.dma_semaphore, #tpu.memory_space<semaphore_mem>>
      %dma_start3A = arith.constant 0 : i32
      %dma_start3A_56 = tpu.memref_slice %arg12[%add3A_24, %dma_start3A] : memref<10240x128xf32, #tpu.memory_space<vmem_shared>> -> memref<128x128xf32, #tpu.memory_space<vmem_shared>>
      %dma_start3A_57 = arith.constant 0 : i32
      %dma_start3A_58 = tpu.memref_slice %arg12[%add3A_24, %dma_start3A_57] : memref<10240x128xf32, #tpu.memory_space<vmem_shared>> -> memref<128x128xf32, #tpu.memory_space<vmem_shared>>
      tpu.enqueue_dma source(%arg11 : memref<128x128xf32, #tpu.memory_space<vmem>>) target(%dma_start3A_58 : memref<128x128xf32, #tpu.memory_space<vmem_shared>>) target_semaphore(%run_scoped3A : memref<!tpu.dma_semaphore, #tpu.memory_space<semaphore_mem>>)
      %dma_wait3A = arith.constant 0 : i32
      %dma_wait3A_59 = tpu.memref_slice %arg12[%add3A_24, %dma_wait3A] : memref<10240x128xf32, #tpu.memory_space<vmem_shared>> -> memref<128x128xf32, #tpu.memory_space<vmem_shared>>
      %dma_wait3A_60 = arith.constant 0 : i32
      %dma_wait3A_61 = tpu.memref_slice %arg12[%add3A_24, %dma_wait3A_60] : memref<10240x128xf32, #tpu.memory_space<vmem_shared>> -> memref<128x128xf32, #tpu.memory_space<vmem_shared>>
      tpu.wait_dma2 semaphore(%run_scoped3A : memref<!tpu.dma_semaphore, #tpu.memory_space<semaphore_mem>>) src(%arg11 : memref<128x128xf32, #tpu.memory_space<vmem>>) dst(%dma_wait3A_61 : memref<128x128xf32, #tpu.memory_space<vmem_shared>>)
      tpu.yield
    }) : () -> ()
    %mul3A_25 = arith.constant 640 : i32
    %mul3A_26 = arith.muli %arg1, %mul3A_25 : i32
    %add3A_27 = arith.constant 512 : i32
    %add3A_28 = arith.addi %mul3A_26, %add3A_27 : i32
    "tpu.region"() ({
      %run_scoped3A = tpu.sem_alloc : memref<!tpu.dma_semaphore, #tpu.memory_space<semaphore_mem>>
      %dma_start3A = arith.constant 0 : i32
      %dma_start3A_56 = tpu.memref_slice %arg12[%add3A_28, %dma_start3A] : memref<10240x128xf32, #tpu.memory_space<vmem_shared>> -> memref<128x128xf32, #tpu.memory_space<vmem_shared>>
      %dma_start3A_57 = arith.constant 0 : i32
      %dma_start3A_58 = tpu.memref_slice %arg12[%add3A_28, %dma_start3A_57] : memref<10240x128xf32, #tpu.memory_space<vmem_shared>> -> memref<128x128xf32, #tpu.memory_space<vmem_shared>>
      tpu.enqueue_dma source(%arg11 : memref<128x128xf32, #tpu.memory_space<vmem>>) target(%dma_start3A_58 : memref<128x128xf32, #tpu.memory_space<vmem_shared>>) target_semaphore(%run_scoped3A : memref<!tpu.dma_semaphore, #tpu.memory_space<semaphore_mem>>)
      %dma_wait3A = arith.constant 0 : i32
      %dma_wait3A_59 = tpu.memref_slice %arg12[%add3A_28, %dma_wait3A] : memref<10240x128xf32, #tpu.memory_space<vmem_shared>> -> memref<128x128xf32, #tpu.memory_space<vmem_shared>>
      %dma_wait3A_60 = arith.constant 0 : i32
      %dma_wait3A_61 = tpu.memref_slice %arg12[%add3A_28, %dma_wait3A_60] : memref<10240x128xf32, #tpu.memory_space<vmem_shared>> -> memref<128x128xf32, #tpu.memory_space<vmem_shared>>
      tpu.wait_dma2 semaphore(%run_scoped3A : memref<!tpu.dma_semaphore, #tpu.memory_space<semaphore_mem>>) src(%arg11 : memref<128x128xf32, #tpu.memory_space<vmem>>) dst(%dma_wait3A_61 : memref<128x128xf32, #tpu.memory_space<vmem_shared>>)
      tpu.yield
    }) : () -> ()
    "tpu.region"() ({
      %run_scoped3A = tpu.sem_alloc : memref<!tpu.dma_semaphore, #tpu.memory_space<semaphore_mem>>
      tpu.enqueue_dma source(%arg4 : memref<2x128xf32, #tpu.memory_space<hbm>>) target(%arg10 : memref<2x128xf32, #tpu.memory_space<vmem>>) target_semaphore(%run_scoped3A : memref<!tpu.dma_semaphore, #tpu.memory_space<semaphore_mem>>)
      tpu.wait_dma2 semaphore(%run_scoped3A : memref<!tpu.dma_semaphore, #tpu.memory_space<semaphore_mem>>) src(%arg4 : memref<2x128xf32, #tpu.memory_space<hbm>>) dst(%arg10 : memref<2x128xf32, #tpu.memory_space<vmem>>)
      tpu.yield
    }) : () -> ()
    %barrier3A = arith.constant 0 : index
    tpu.barrier barrier_id(%barrier3A)
    %scan3A_29 = arith.constant 0 : i32
    %scan3A_30 = arith.constant 0 : i32
    %scan3A_31 = arith.constant 125 : i32
    %scan3A_32 = arith.addi %scan3A_30, %scan3A_31 : i32
    %scan3A_33 = arith.constant 1 : i32
    scf.for %scan3A_56 = %scan3A_30 to %scan3A_32 step %scan3A_33  : i32 {
      %mul3A_57 = arith.constant 80 : i32
      %mul3A_58 = arith.muli %scan3A_56, %mul3A_57 : i32
      %add3A_59 = arith.addi %mul3A_2, %mul3A_58 : i32
      "tpu.region"() ({
        %run_scoped3A = tpu.sem_alloc : memref<!tpu.dma_semaphore, #tpu.memory_space<semaphore_mem>>
        %dma_start3A = tpu.memref_slice %arg2[%add3A_59] : memref<320000xi32, #tpu.memory_space<hbm>> -> memref<80xi32, #tpu.memory_space<hbm>>
        %dma_start3A_66 = tpu.memref_slice %arg2[%add3A_59] : memref<320000xi32, #tpu.memory_space<hbm>> -> memref<80xi32, #tpu.memory_space<hbm>>
        tpu.enqueue_dma source(%dma_start3A_66 : memref<80xi32, #tpu.memory_space<hbm>>) target(%arg7 : memref<80xi32, #tpu.memory_space<vmem>>) target_semaphore(%run_scoped3A : memref<!tpu.dma_semaphore, #tpu.memory_space<semaphore_mem>>)
        %dma_wait3A = tpu.memref_slice %arg2[%add3A_59] : memref<320000xi32, #tpu.memory_space<hbm>> -> memref<80xi32, #tpu.memory_space<hbm>>
        %dma_wait3A_67 = tpu.memref_slice %arg2[%add3A_59] : memref<320000xi32, #tpu.memory_space<hbm>> -> memref<80xi32, #tpu.memory_space<hbm>>
        tpu.wait_dma2 semaphore(%run_scoped3A : memref<!tpu.dma_semaphore, #tpu.memory_space<semaphore_mem>>) src(%dma_wait3A_67 : memref<80xi32, #tpu.memory_space<hbm>>) dst(%arg7 : memref<80xi32, #tpu.memory_space<vmem>>)
        tpu.yield
      }) : () -> ()
      "tpu.region"() ({
        %run_scoped3A = tpu.sem_alloc : memref<!tpu.dma_semaphore, #tpu.memory_space<semaphore_mem>>
        %dma_start3A = arith.constant 0 : i32
        %dma_start3A_66 = tpu.memref_slice %arg3[%add3A_59, %dma_start3A] : memref<320000x128xf32, #tpu.memory_space<hbm>> -> memref<80x128xf32, #tpu.memory_space<hbm>>
        %dma_start3A_67 = arith.constant 0 : i32
        %dma_start3A_68 = tpu.memref_slice %arg3[%add3A_59, %dma_start3A_67] : memref<320000x128xf32, #tpu.memory_space<hbm>> -> memref<80x128xf32, #tpu.memory_space<hbm>>
        tpu.enqueue_dma source(%dma_start3A_68 : memref<80x128xf32, #tpu.memory_space<hbm>>) target(%arg8 : memref<80x128xf32, #tpu.memory_space<vmem>>) target_semaphore(%run_scoped3A : memref<!tpu.dma_semaphore, #tpu.memory_space<semaphore_mem>>)
        %dma_wait3A = arith.constant 0 : i32
        %dma_wait3A_69 = tpu.memref_slice %arg3[%add3A_59, %dma_wait3A] : memref<320000x128xf32, #tpu.memory_space<hbm>> -> memref<80x128xf32, #tpu.memory_space<hbm>>
        %dma_wait3A_70 = arith.constant 0 : i32
        %dma_wait3A_71 = tpu.memref_slice %arg3[%add3A_59, %dma_wait3A_70] : memref<320000x128xf32, #tpu.memory_space<hbm>> -> memref<80x128xf32, #tpu.memory_space<hbm>>
        tpu.wait_dma2 semaphore(%run_scoped3A : memref<!tpu.dma_semaphore, #tpu.memory_space<semaphore_mem>>) src(%dma_wait3A_71 : memref<80x128xf32, #tpu.memory_space<hbm>>) dst(%arg8 : memref<80x128xf32, #tpu.memory_space<vmem>>)
        tpu.yield
      }) : () -> ()
      %scan3A_60 = arith.constant 0 : i32
      %scan3A_61 = arith.constant 0 : i32
      %scan3A_62 = arith.constant 80 : i32
      %scan3A_63 = arith.addi %scan3A_61, %scan3A_62 : i32
      %scan3A_64 = arith.constant 1 : i32
      scf.for %scan3A_66 = %scan3A_61 to %scan3A_63 step %scan3A_64  : i32 {
        %get3A = arith.index_cast %scan3A_66 : i32 to index
        %get3A_67 = arith.constant 0 : index
        %get3A_68 = tpu.vector_load %arg8[%get3A, %get3A_67] {strides = array<i32>} : memref<80x128xf32, #tpu.memory_space<vmem>>, vector<1x16xf32>,
        %get3A_69 = vector.shape_cast %get3A_68 : vector<1x16xf32> to vector<16xf32>
        %get3A_70 = arith.constant 0 : i32
        %get3A_71 = arith.index_cast %get3A_70 : i32 to index
        %get3A_72 = arith.constant 0 : index
        %get3A_73 = tpu.vector_load %arg10[%get3A_71, %get3A_72] {strides = array<i32>} : memref<2x128xf32, #tpu.memory_space<vmem>>, vector<1x16xf32>,
        %get3A_74 = vector.shape_cast %get3A_73 : vector<1x16xf32> to vector<16xf32>
        %mul3A_75 = arith.mulf %get3A_69, %get3A_74 : vector<16xf32>
        %get3A_76 = arith.constant 1 : i32
        %get3A_77 = arith.index_cast %get3A_76 : i32 to index
        %get3A_78 = arith.constant 0 : index
        %get3A_79 = tpu.vector_load %arg10[%get3A_77, %get3A_78] {strides = array<i32>} : memref<2x128xf32, #tpu.memory_space<vmem>>, vector<1x16xf32>,
        %get3A_80 = vector.shape_cast %get3A_79 : vector<1x16xf32> to vector<16xf32>
        %add3A_81 = arith.addf %mul3A_75, %get3A_80 : vector<16xf32>
        %neg3A = arith.constant 0.000000e+00 : f32
        %neg3A_82 = vector.broadcast %neg3A : f32 to vector<16xf32>
        %neg3A_83 = arith.subf %neg3A_82, %add3A_81 : vector<16xf32>
        %exp3A = math.exp %neg3A_83 : vector<16xf32>
        %add3A_84 = arith.constant 1.000000e+00 : f32
        %add3A_85 = vector.broadcast %add3A_84 : f32 to vector<16xf32>
        %add3A_86 = arith.addf %add3A_85, %exp3A : vector<16xf32>
        %div3A = arith.constant 1.000000e+00 : f32
        %div3A_87 = vector.broadcast %div3A : f32 to vector<16xf32>
        %div3A_88 = arith.divf %div3A_87, %add3A_86 : vector<16xf32>
        %mul3A_89 = arith.mulf %add3A_81, %div3A_88 : vector<16xf32>
        %swap3A = arith.index_cast %scan3A_66 : i32 to index
        %swap3A_90 = arith.constant 0 : index
        %swap3A_91 = tpu.vector_load %arg8[%swap3A, %swap3A_90] {strides = array<i32>} : memref<80x128xf32, #tpu.memory_space<vmem>>, vector<1x16xf32>,
        %swap3A_92 = vector.shape_cast %swap3A_91 : vector<1x16xf32> to vector<16xf32>
        %swap3A_93 = vector.shape_cast %mul3A_89 : vector<16xf32> to vector<1x16xf32>
        tpu.vector_store %arg8[%swap3A, %swap3A_90], %swap3A_93 {strides = array<i32>} : memref<80x128xf32, #tpu.memory_space<vmem>>, vector<1x16xf32>,
        %neg3A_94 = arith.constant 0.000000e+00 : f32
        %neg3A_95 = vector.broadcast %neg3A_94 : f32 to vector<16xf32>
        %neg3A_96 = arith.subf %neg3A_95, %mul3A_89 : vector<16xf32>
        %exp3A_97 = math.exp %neg3A_96 : vector<16xf32>
        %add3A_98 = arith.constant 1.000000e+00 : f32
        %add3A_99 = vector.broadcast %add3A_98 : f32 to vector<16xf32>
        %add3A_100 = arith.addf %add3A_99, %exp3A_97 : vector<16xf32>
        %div3A_101 = arith.constant 1.000000e+00 : f32
        %div3A_102 = vector.broadcast %div3A_101 : f32 to vector<16xf32>
        %div3A_103 = arith.divf %div3A_102, %add3A_100 : vector<16xf32>
        %swap3A_104 = arith.index_cast %scan3A_66 : i32 to index
        %swap3A_105 = arith.constant 0 : index
        %swap3A_106 = tpu.vector_load %arg9[%swap3A_104, %swap3A_105] {strides = array<i32>} : memref<80x128xf32, #tpu.memory_space<vmem>>, vector<1x16xf32>,
        %swap3A_107 = vector.shape_cast %swap3A_106 : vector<1x16xf32> to vector<16xf32>
        %swap3A_108 = vector.shape_cast %div3A_103 : vector<16xf32> to vector<1x16xf32>
        tpu.vector_store %arg9[%swap3A_104, %swap3A_105], %swap3A_108 {strides = array<i32>} : memref<80x128xf32, #tpu.memory_space<vmem>>, vector<1x16xf32>,
        %get3A_109 = arith.index_cast %scan3A_66 : i32 to index
        %get3A_110 = arith.constant 16 : index
        %get3A_111 = tpu.vector_load %arg8[%get3A_109, %get3A_110] {strides = array<i32>} : memref<80x128xf32, #tpu.memory_space<vmem>>, vector<1x16xf32>,
        %get3A_112 = vector.shape_cast %get3A_111 : vector<1x16xf32> to vector<16xf32>
        %get3A_113 = arith.constant 0 : i32
        %get3A_114 = arith.index_cast %get3A_113 : i32 to index
        %get3A_115 = arith.constant 16 : index
        %get3A_116 = tpu.vector_load %arg10[%get3A_114, %get3A_115] {strides = array<i32>} : memref<2x128xf32, #tpu.memory_space<vmem>>, vector<1x16xf32>,
        %get3A_117 = vector.shape_cast %get3A_116 : vector<1x16xf32> to vector<16xf32>
        %mul3A_118 = arith.mulf %get3A_112, %get3A_117 : vector<16xf32>
        %get3A_119 = arith.constant 1 : i32
        %get3A_120 = arith.index_cast %get3A_119 : i32 to index
        %get3A_121 = arith.constant 16 : index
        %get3A_122 = tpu.vector_load %arg10[%get3A_120, %get3A_121] {strides = array<i32>} : memref<2x128xf32, #tpu.memory_space<vmem>>, vector<1x16xf32>,
        %get3A_123 = vector.shape_cast %get3A_122 : vector<1x16xf32> to vector<16xf32>
        %add3A_124 = arith.addf %mul3A_118, %get3A_123 : vector<16xf32>
        %neg3A_125 = arith.constant 0.000000e+00 : f32
        %neg3A_126 = vector.broadcast %neg3A_125 : f32 to vector<16xf32>
        %neg3A_127 = arith.subf %neg3A_126, %add3A_124 : vector<16xf32>
        %exp3A_128 = math.exp %neg3A_127 : vector<16xf32>
        %add3A_129 = arith.constant 1.000000e+00 : f32
        %add3A_130 = vector.broadcast %add3A_129 : f32 to vector<16xf32>
        %add3A_131 = arith.addf %add3A_130, %exp3A_128 : vector<16xf32>
        %div3A_132 = arith.constant 1.000000e+00 : f32
        %div3A_133 = vector.broadcast %div3A_132 : f32 to vector<16xf32>
        %div3A_134 = arith.divf %div3A_133, %add3A_131 : vector<16xf32>
        %mul3A_135 = arith.mulf %add3A_124, %div3A_134 : vector<16xf32>
        %swap3A_136 = arith.index_cast %scan3A_66 : i32 to index
        %swap3A_137 = arith.constant 16 : index
        %swap3A_138 = tpu.vector_load %arg8[%swap3A_136, %swap3A_137] {strides = array<i32>} : memref<80x128xf32, #tpu.memory_space<vmem>>, vector<1x16xf32>,
        %swap3A_139 = vector.shape_cast %swap3A_138 : vector<1x16xf32> to vector<16xf32>
        %swap3A_140 = vector.shape_cast %mul3A_135 : vector<16xf32> to vector<1x16xf32>
        tpu.vector_store %arg8[%swap3A_136, %swap3A_137], %swap3A_140 {strides = array<i32>} : memref<80x128xf32, #tpu.memory_space<vmem>>, vector<1x16xf32>,
        %neg3A_141 = arith.constant 0.000000e+00 : f32
        %neg3A_142 = vector.broadcast %neg3A_141 : f32 to vector<16xf32>
        %neg3A_143 = arith.subf %neg3A_142, %mul3A_135 : vector<16xf32>
        %exp3A_144 = math.exp %neg3A_143 : vector<16xf32>
        %add3A_145 = arith.constant 1.000000e+00 : f32
        %add3A_146 = vector.broadcast %add3A_145 : f32 to vector<16xf32>
        %add3A_147 = arith.addf %add3A_146, %exp3A_144 : vector<16xf32>
        %div3A_148 = arith.constant 1.000000e+00 : f32
        %div3A_149 = vector.broadcast %div3A_148 : f32 to vector<16xf32>
        %div3A_150 = arith.divf %div3A_149, %add3A_147 : vector<16xf32>
        %swap3A_151 = arith.index_cast %scan3A_66 : i32 to index
        %swap3A_152 = arith.constant 16 : index
        %swap3A_153 = tpu.vector_load %arg9[%swap3A_151, %swap3A_152] {strides = array<i32>} : memref<80x128xf32, #tpu.memory_space<vmem>>, vector<1x16xf32>,
        %swap3A_154 = vector.shape_cast %swap3A_153 : vector<1x16xf32> to vector<16xf32>
        %swap3A_155 = vector.shape_cast %div3A_150 : vector<16xf32> to vector<1x16xf32>
        tpu.vector_store %arg9[%swap3A_151, %swap3A_152], %swap3A_155 {strides = array<i32>} : memref<80x128xf32, #tpu.memory_space<vmem>>, vector<1x16xf32>,
        %get3A_156 = arith.index_cast %scan3A_66 : i32 to index
        %get3A_157 = arith.constant 32 : index
        %get3A_158 = tpu.vector_load %arg8[%get3A_156, %get3A_157] {strides = array<i32>} : memref<80x128xf32, #tpu.memory_space<vmem>>, vector<1x16xf32>,
        %get3A_159 = vector.shape_cast %get3A_158 : vector<1x16xf32> to vector<16xf32>
        %get3A_160 = arith.constant 0 : i32
        %get3A_161 = arith.index_cast %get3A_160 : i32 to index
        %get3A_162 = arith.constant 32 : index
        %get3A_163 = tpu.vector_load %arg10[%get3A_161, %get3A_162] {strides = array<i32>} : memref<2x128xf32, #tpu.memory_space<vmem>>, vector<1x16xf32>,
        %get3A_164 = vector.shape_cast %get3A_163 : vector<1x16xf32> to vector<16xf32>
        %mul3A_165 = arith.mulf %get3A_159, %get3A_164 : vector<16xf32>
        %get3A_166 = arith.constant 1 : i32
        %get3A_167 = arith.index_cast %get3A_166 : i32 to index
        %get3A_168 = arith.constant 32 : index
        %get3A_169 = tpu.vector_load %arg10[%get3A_167, %get3A_168] {strides = array<i32>} : memref<2x128xf32, #tpu.memory_space<vmem>>, vector<1x16xf32>,
        %get3A_170 = vector.shape_cast %get3A_169 : vector<1x16xf32> to vector<16xf32>
        %add3A_171 = arith.addf %mul3A_165, %get3A_170 : vector<16xf32>
        %neg3A_172 = arith.constant 0.000000e+00 : f32
        %neg3A_173 = vector.broadcast %neg3A_172 : f32 to vector<16xf32>
        %neg3A_174 = arith.subf %neg3A_173, %add3A_171 : vector<16xf32>
        %exp3A_175 = math.exp %neg3A_174 : vector<16xf32>
        %add3A_176 = arith.constant 1.000000e+00 : f32
        %add3A_177 = vector.broadcast %add3A_176 : f32 to vector<16xf32>
        %add3A_178 = arith.addf %add3A_177, %exp3A_175 : vector<16xf32>
        %div3A_179 = arith.constant 1.000000e+00 : f32
        %div3A_180 = vector.broadcast %div3A_179 : f32 to vector<16xf32>
        %div3A_181 = arith.divf %div3A_180, %add3A_178 : vector<16xf32>
        %mul3A_182 = arith.mulf %add3A_171, %div3A_181 : vector<16xf32>
        %swap3A_183 = arith.index_cast %scan3A_66 : i32 to index
        %swap3A_184 = arith.constant 32 : index
        %swap3A_185 = tpu.vector_load %arg8[%swap3A_183, %swap3A_184] {strides = array<i32>} : memref<80x128xf32, #tpu.memory_space<vmem>>, vector<1x16xf32>,
        %swap3A_186 = vector.shape_cast %swap3A_185 : vector<1x16xf32> to vector<16xf32>
        %swap3A_187 = vector.shape_cast %mul3A_182 : vector<16xf32> to vector<1x16xf32>
        tpu.vector_store %arg8[%swap3A_183, %swap3A_184], %swap3A_187 {strides = array<i32>} : memref<80x128xf32, #tpu.memory_space<vmem>>, vector<1x16xf32>,
        %neg3A_188 = arith.constant 0.000000e+00 : f32
        %neg3A_189 = vector.broadcast %neg3A_188 : f32 to vector<16xf32>
        %neg3A_190 = arith.subf %neg3A_189, %mul3A_182 : vector<16xf32>
        %exp3A_191 = math.exp %neg3A_190 : vector<16xf32>
        %add3A_192 = arith.constant 1.000000e+00 : f32
        %add3A_193 = vector.broadcast %add3A_192 : f32 to vector<16xf32>
        %add3A_194 = arith.addf %add3A_193, %exp3A_191 : vector<16xf32>
        %div3A_195 = arith.constant 1.000000e+00 : f32
        %div3A_196 = vector.broadcast %div3A_195 : f32 to vector<16xf32>
        %div3A_197 = arith.divf %div3A_196, %add3A_194 : vector<16xf32>
        %swap3A_198 = arith.index_cast %scan3A_66 : i32 to index
        %swap3A_199 = arith.constant 32 : index
        %swap3A_200 = tpu.vector_load %arg9[%swap3A_198, %swap3A_199] {strides = array<i32>} : memref<80x128xf32, #tpu.memory_space<vmem>>, vector<1x16xf32>,
        %swap3A_201 = vector.shape_cast %swap3A_200 : vector<1x16xf32> to vector<16xf32>
        %swap3A_202 = vector.shape_cast %div3A_197 : vector<16xf32> to vector<1x16xf32>
        tpu.vector_store %arg9[%swap3A_198, %swap3A_199], %swap3A_202 {strides = array<i32>} : memref<80x128xf32, #tpu.memory_space<vmem>>, vector<1x16xf32>,
        %get3A_203 = arith.index_cast %scan3A_66 : i32 to index
        %get3A_204 = arith.constant 48 : index
        %get3A_205 = tpu.vector_load %arg8[%get3A_203, %get3A_204] {strides = array<i32>} : memref<80x128xf32, #tpu.memory_space<vmem>>, vector<1x16xf32>,
        %get3A_206 = vector.shape_cast %get3A_205 : vector<1x16xf32> to vector<16xf32>
        %get3A_207 = arith.constant 0 : i32
        %get3A_208 = arith.index_cast %get3A_207 : i32 to index
        %get3A_209 = arith.constant 48 : index
        %get3A_210 = tpu.vector_load %arg10[%get3A_208, %get3A_209] {strides = array<i32>} : memref<2x128xf32, #tpu.memory_space<vmem>>, vector<1x16xf32>,
        %get3A_211 = vector.shape_cast %get3A_210 : vector<1x16xf32> to vector<16xf32>
        %mul3A_212 = arith.mulf %get3A_206, %get3A_211 : vector<16xf32>
        %get3A_213 = arith.constant 1 : i32
        %get3A_214 = arith.index_cast %get3A_213 : i32 to index
        %get3A_215 = arith.constant 48 : index
        %get3A_216 = tpu.vector_load %arg10[%get3A_214, %get3A_215] {strides = array<i32>} : memref<2x128xf32, #tpu.memory_space<vmem>>, vector<1x16xf32>,
        %get3A_217 = vector.shape_cast %get3A_216 : vector<1x16xf32> to vector<16xf32>
        %add3A_218 = arith.addf %mul3A_212, %get3A_217 : vector<16xf32>
        %neg3A_219 = arith.constant 0.000000e+00 : f32
        %neg3A_220 = vector.broadcast %neg3A_219 : f32 to vector<16xf32>
        %neg3A_221 = arith.subf %neg3A_220, %add3A_218 : vector<16xf32>
        %exp3A_222 = math.exp %neg3A_221 : vector<16xf32>
        %add3A_223 = arith.constant 1.000000e+00 : f32
        %add3A_224 = vector.broadcast %add3A_223 : f32 to vector<16xf32>
        %add3A_225 = arith.addf %add3A_224, %exp3A_222 : vector<16xf32>
        %div3A_226 = arith.constant 1.000000e+00 : f32
        %div3A_227 = vector.broadcast %div3A_226 : f32 to vector<16xf32>
        %div3A_228 = arith.divf %div3A_227, %add3A_225 : vector<16xf32>
        %mul3A_229 = arith.mulf %add3A_218, %div3A_228 : vector<16xf32>
        %swap3A_230 = arith.index_cast %scan3A_66 : i32 to index
        %swap3A_231 = arith.constant 48 : index
        %swap3A_232 = tpu.vector_load %arg8[%swap3A_230, %swap3A_231] {strides = array<i32>} : memref<80x128xf32, #tpu.memory_space<vmem>>, vector<1x16xf32>,
        %swap3A_233 = vector.shape_cast %swap3A_232 : vector<1x16xf32> to vector<16xf32>
        %swap3A_234 = vector.shape_cast %mul3A_229 : vector<16xf32> to vector<1x16xf32>
        tpu.vector_store %arg8[%swap3A_230, %swap3A_231], %swap3A_234 {strides = array<i32>} : memref<80x128xf32, #tpu.memory_space<vmem>>, vector<1x16xf32>,
        %neg3A_235 = arith.constant 0.000000e+00 : f32
        %neg3A_236 = vector.broadcast %neg3A_235 : f32 to vector<16xf32>
        %neg3A_237 = arith.subf %neg3A_236, %mul3A_229 : vector<16xf32>
        %exp3A_238 = math.exp %neg3A_237 : vector<16xf32>
        %add3A_239 = arith.constant 1.000000e+00 : f32
        %add3A_240 = vector.broadcast %add3A_239 : f32 to vector<16xf32>
        %add3A_241 = arith.addf %add3A_240, %exp3A_238 : vector<16xf32>
        %div3A_242 = arith.constant 1.000000e+00 : f32
        %div3A_243 = vector.broadcast %div3A_242 : f32 to vector<16xf32>
        %div3A_244 = arith.divf %div3A_243, %add3A_241 : vector<16xf32>
        %swap3A_245 = arith.index_cast %scan3A_66 : i32 to index
        %swap3A_246 = arith.constant 48 : index
        %swap3A_247 = tpu.vector_load %arg9[%swap3A_245, %swap3A_246] {strides = array<i32>} : memref<80x128xf32, #tpu.memory_space<vmem>>, vector<1x16xf32>,
        %swap3A_248 = vector.shape_cast %swap3A_247 : vector<1x16xf32> to vector<16xf32>
        %swap3A_249 = vector.shape_cast %div3A_244 : vector<16xf32> to vector<1x16xf32>
        tpu.vector_store %arg9[%swap3A_245, %swap3A_246], %swap3A_249 {strides = array<i32>} : memref<80x128xf32, #tpu.memory_space<vmem>>, vector<1x16xf32>,
        %get3A_250 = arith.index_cast %scan3A_66 : i32 to index
        %get3A_251 = arith.constant 64 : index
        %get3A_252 = tpu.vector_load %arg8[%get3A_250, %get3A_251] {strides = array<i32>} : memref<80x128xf32, #tpu.memory_space<vmem>>, vector<1x16xf32>,
        %get3A_253 = vector.shape_cast %get3A_252 : vector<1x16xf32> to vector<16xf32>
        %get3A_254 = arith.constant 0 : i32
        %get3A_255 = arith.index_cast %get3A_254 : i32 to index
        %get3A_256 = arith.constant 64 : index
        %get3A_257 = tpu.vector_load %arg10[%get3A_255, %get3A_256] {strides = array<i32>} : memref<2x128xf32, #tpu.memory_space<vmem>>, vector<1x16xf32>,
        %get3A_258 = vector.shape_cast %get3A_257 : vector<1x16xf32> to vector<16xf32>
        %mul3A_259 = arith.mulf %get3A_253, %get3A_258 : vector<16xf32>
        %get3A_260 = arith.constant 1 : i32
        %get3A_261 = arith.index_cast %get3A_260 : i32 to index
        %get3A_262 = arith.constant 64 : index
        %get3A_263 = tpu.vector_load %arg10[%get3A_261, %get3A_262] {strides = array<i32>} : memref<2x128xf32, #tpu.memory_space<vmem>>, vector<1x16xf32>,
        %get3A_264 = vector.shape_cast %get3A_263 : vector<1x16xf32> to vector<16xf32>
        %add3A_265 = arith.addf %mul3A_259, %get3A_264 : vector<16xf32>
        %neg3A_266 = arith.constant 0.000000e+00 : f32
        %neg3A_267 = vector.broadcast %neg3A_266 : f32 to vector<16xf32>
        %neg3A_268 = arith.subf %neg3A_267, %add3A_265 : vector<16xf32>
        %exp3A_269 = math.exp %neg3A_268 : vector<16xf32>
        %add3A_270 = arith.constant 1.000000e+00 : f32
        %add3A_271 = vector.broadcast %add3A_270 : f32 to vector<16xf32>
        %add3A_272 = arith.addf %add3A_271, %exp3A_269 : vector<16xf32>
        %div3A_273 = arith.constant 1.000000e+00 : f32
        %div3A_274 = vector.broadcast %div3A_273 : f32 to vector<16xf32>
        %div3A_275 = arith.divf %div3A_274, %add3A_272 : vector<16xf32>
        %mul3A_276 = arith.mulf %add3A_265, %div3A_275 : vector<16xf32>
        %swap3A_277 = arith.index_cast %scan3A_66 : i32 to index
        %swap3A_278 = arith.constant 64 : index
        %swap3A_279 = tpu.vector_load %arg8[%swap3A_277, %swap3A_278] {strides = array<i32>} : memref<80x128xf32, #tpu.memory_space<vmem>>, vector<1x16xf32>,
        %swap3A_280 = vector.shape_cast %swap3A_279 : vector<1x16xf32> to vector<16xf32>
        %swap3A_281 = vector.shape_cast %mul3A_276 : vector<16xf32> to vector<1x16xf32>
        tpu.vector_store %arg8[%swap3A_277, %swap3A_278], %swap3A_281 {strides = array<i32>} : memref<80x128xf32, #tpu.memory_space<vmem>>, vector<1x16xf32>,
        %neg3A_282 = arith.constant 0.000000e+00 : f32
        %neg3A_283 = vector.broadcast %neg3A_282 : f32 to vector<16xf32>
        %neg3A_284 = arith.subf %neg3A_283, %mul3A_276 : vector<16xf32>
        %exp3A_285 = math.exp %neg3A_284 : vector<16xf32>
        %add3A_286 = arith.constant 1.000000e+00 : f32
        %add3A_287 = vector.broadcast %add3A_286 : f32 to vector<16xf32>
        %add3A_288 = arith.addf %add3A_287, %exp3A_285 : vector<16xf32>
        %div3A_289 = arith.constant 1.000000e+00 : f32
        %div3A_290 = vector.broadcast %div3A_289 : f32 to vector<16xf32>
        %div3A_291 = arith.divf %div3A_290, %add3A_288 : vector<16xf32>
        %swap3A_292 = arith.index_cast %scan3A_66 : i32 to index
        %swap3A_293 = arith.constant 64 : index
        %swap3A_294 = tpu.vector_load %arg9[%swap3A_292, %swap3A_293] {strides = array<i32>} : memref<80x128xf32, #tpu.memory_space<vmem>>, vector<1x16xf32>,
        %swap3A_295 = vector.shape_cast %swap3A_294 : vector<1x16xf32> to vector<16xf32>
        %swap3A_296 = vector.shape_cast %div3A_291 : vector<16xf32> to vector<1x16xf32>
        tpu.vector_store %arg9[%swap3A_292, %swap3A_293], %swap3A_296 {strides = array<i32>} : memref<80x128xf32, #tpu.memory_space<vmem>>, vector<1x16xf32>,
        %get3A_297 = arith.index_cast %scan3A_66 : i32 to index
        %get3A_298 = arith.constant 80 : index
        %get3A_299 = tpu.vector_load %arg8[%get3A_297, %get3A_298] {strides = array<i32>} : memref<80x128xf32, #tpu.memory_space<vmem>>, vector<1x16xf32>,
        %get3A_300 = vector.shape_cast %get3A_299 : vector<1x16xf32> to vector<16xf32>
        %get3A_301 = arith.constant 0 : i32
        %get3A_302 = arith.index_cast %get3A_301 : i32 to index
        %get3A_303 = arith.constant 80 : index
        %get3A_304 = tpu.vector_load %arg10[%get3A_302, %get3A_303] {strides = array<i32>} : memref<2x128xf32, #tpu.memory_space<vmem>>, vector<1x16xf32>,
        %get3A_305 = vector.shape_cast %get3A_304 : vector<1x16xf32> to vector<16xf32>
        %mul3A_306 = arith.mulf %get3A_300, %get3A_305 : vector<16xf32>
        %get3A_307 = arith.constant 1 : i32
        %get3A_308 = arith.index_cast %get3A_307 : i32 to index
        %get3A_309 = arith.constant 80 : index
        %get3A_310 = tpu.vector_load %arg10[%get3A_308, %get3A_309] {strides = array<i32>} : memref<2x128xf32, #tpu.memory_space<vmem>>, vector<1x16xf32>,
        %get3A_311 = vector.shape_cast %get3A_310 : vector<1x16xf32> to vector<16xf32>
        %add3A_312 = arith.addf %mul3A_306, %get3A_311 : vector<16xf32>
        %neg3A_313 = arith.constant 0.000000e+00 : f32
        %neg3A_314 = vector.broadcast %neg3A_313 : f32 to vector<16xf32>
        %neg3A_315 = arith.subf %neg3A_314, %add3A_312 : vector<16xf32>
        %exp3A_316 = math.exp %neg3A_315 : vector<16xf32>
        %add3A_317 = arith.constant 1.000000e+00 : f32
        %add3A_318 = vector.broadcast %add3A_317 : f32 to vector<16xf32>
        %add3A_319 = arith.addf %add3A_318, %exp3A_316 : vector<16xf32>
        %div3A_320 = arith.constant 1.000000e+00 : f32
        %div3A_321 = vector.broadcast %div3A_320 : f32 to vector<16xf32>
        %div3A_322 = arith.divf %div3A_321, %add3A_319 : vector<16xf32>
        %mul3A_323 = arith.mulf %add3A_312, %div3A_322 : vector<16xf32>
        %swap3A_324 = arith.index_cast %scan3A_66 : i32 to index
        %swap3A_325 = arith.constant 80 : index
        %swap3A_326 = tpu.vector_load %arg8[%swap3A_324, %swap3A_325] {strides = array<i32>} : memref<80x128xf32, #tpu.memory_space<vmem>>, vector<1x16xf32>,
        %swap3A_327 = vector.shape_cast %swap3A_326 : vector<1x16xf32> to vector<16xf32>
        %swap3A_328 = vector.shape_cast %mul3A_323 : vector<16xf32> to vector<1x16xf32>
        tpu.vector_store %arg8[%swap3A_324, %swap3A_325], %swap3A_328 {strides = array<i32>} : memref<80x128xf32, #tpu.memory_space<vmem>>, vector<1x16xf32>,
        %neg3A_329 = arith.constant 0.000000e+00 : f32
        %neg3A_330 = vector.broadcast %neg3A_329 : f32 to vector<16xf32>
        %neg3A_331 = arith.subf %neg3A_330, %mul3A_323 : vector<16xf32>
        %exp3A_332 = math.exp %neg3A_331 : vector<16xf32>
        %add3A_333 = arith.constant 1.000000e+00 : f32
        %add3A_334 = vector.broadcast %add3A_333 : f32 to vector<16xf32>
        %add3A_335 = arith.addf %add3A_334, %exp3A_332 : vector<16xf32>
        %div3A_336 = arith.constant 1.000000e+00 : f32
        %div3A_337 = vector.broadcast %div3A_336 : f32 to vector<16xf32>
        %div3A_338 = arith.divf %div3A_337, %add3A_335 : vector<16xf32>
        %swap3A_339 = arith.index_cast %scan3A_66 : i32 to index
        %swap3A_340 = arith.constant 80 : index
        %swap3A_341 = tpu.vector_load %arg9[%swap3A_339, %swap3A_340] {strides = array<i32>} : memref<80x128xf32, #tpu.memory_space<vmem>>, vector<1x16xf32>,
        %swap3A_342 = vector.shape_cast %swap3A_341 : vector<1x16xf32> to vector<16xf32>
        %swap3A_343 = vector.shape_cast %div3A_338 : vector<16xf32> to vector<1x16xf32>
        tpu.vector_store %arg9[%swap3A_339, %swap3A_340], %swap3A_343 {strides = array<i32>} : memref<80x128xf32, #tpu.memory_space<vmem>>, vector<1x16xf32>,
        %get3A_344 = arith.index_cast %scan3A_66 : i32 to index
        %get3A_345 = arith.constant 96 : index
        %get3A_346 = tpu.vector_load %arg8[%get3A_344, %get3A_345] {strides = array<i32>} : memref<80x128xf32, #tpu.memory_space<vmem>>, vector<1x16xf32>,
        %get3A_347 = vector.shape_cast %get3A_346 : vector<1x16xf32> to vector<16xf32>
        %get3A_348 = arith.constant 0 : i32
        %get3A_349 = arith.index_cast %get3A_348 : i32 to index
        %get3A_350 = arith.constant 96 : index
        %get3A_351 = tpu.vector_load %arg10[%get3A_349, %get3A_350] {strides = array<i32>} : memref<2x128xf32, #tpu.memory_space<vmem>>, vector<1x16xf32>,
        %get3A_352 = vector.shape_cast %get3A_351 : vector<1x16xf32> to vector<16xf32>
        %mul3A_353 = arith.mulf %get3A_347, %get3A_352 : vector<16xf32>
        %get3A_354 = arith.constant 1 : i32
        %get3A_355 = arith.index_cast %get3A_354 : i32 to index
        %get3A_356 = arith.constant 96 : index
        %get3A_357 = tpu.vector_load %arg10[%get3A_355, %get3A_356] {strides = array<i32>} : memref<2x128xf32, #tpu.memory_space<vmem>>, vector<1x16xf32>,
        %get3A_358 = vector.shape_cast %get3A_357 : vector<1x16xf32> to vector<16xf32>
        %add3A_359 = arith.addf %mul3A_353, %get3A_358 : vector<16xf32>
        %neg3A_360 = arith.constant 0.000000e+00 : f32
        %neg3A_361 = vector.broadcast %neg3A_360 : f32 to vector<16xf32>
        %neg3A_362 = arith.subf %neg3A_361, %add3A_359 : vector<16xf32>
        %exp3A_363 = math.exp %neg3A_362 : vector<16xf32>
        %add3A_364 = arith.constant 1.000000e+00 : f32
        %add3A_365 = vector.broadcast %add3A_364 : f32 to vector<16xf32>
        %add3A_366 = arith.addf %add3A_365, %exp3A_363 : vector<16xf32>
        %div3A_367 = arith.constant 1.000000e+00 : f32
        %div3A_368 = vector.broadcast %div3A_367 : f32 to vector<16xf32>
        %div3A_369 = arith.divf %div3A_368, %add3A_366 : vector<16xf32>
        %mul3A_370 = arith.mulf %add3A_359, %div3A_369 : vector<16xf32>
        %swap3A_371 = arith.index_cast %scan3A_66 : i32 to index
        %swap3A_372 = arith.constant 96 : index
        %swap3A_373 = tpu.vector_load %arg8[%swap3A_371, %swap3A_372] {strides = array<i32>} : memref<80x128xf32, #tpu.memory_space<vmem>>, vector<1x16xf32>,
        %swap3A_374 = vector.shape_cast %swap3A_373 : vector<1x16xf32> to vector<16xf32>
        %swap3A_375 = vector.shape_cast %mul3A_370 : vector<16xf32> to vector<1x16xf32>
        tpu.vector_store %arg8[%swap3A_371, %swap3A_372], %swap3A_375 {strides = array<i32>} : memref<80x128xf32, #tpu.memory_space<vmem>>, vector<1x16xf32>,
        %neg3A_376 = arith.constant 0.000000e+00 : f32
        %neg3A_377 = vector.broadcast %neg3A_376 : f32 to vector<16xf32>
        %neg3A_378 = arith.subf %neg3A_377, %mul3A_370 : vector<16xf32>
        %exp3A_379 = math.exp %neg3A_378 : vector<16xf32>
        %add3A_380 = arith.constant 1.000000e+00 : f32
        %add3A_381 = vector.broadcast %add3A_380 : f32 to vector<16xf32>
        %add3A_382 = arith.addf %add3A_381, %exp3A_379 : vector<16xf32>
        %div3A_383 = arith.constant 1.000000e+00 : f32
        %div3A_384 = vector.broadcast %div3A_383 : f32 to vector<16xf32>
        %div3A_385 = arith.divf %div3A_384, %add3A_382 : vector<16xf32>
        %swap3A_386 = arith.index_cast %scan3A_66 : i32 to index
        %swap3A_387 = arith.constant 96 : index
        %swap3A_388 = tpu.vector_load %arg9[%swap3A_386, %swap3A_387] {strides = array<i32>} : memref<80x128xf32, #tpu.memory_space<vmem>>, vector<1x16xf32>,
        %swap3A_389 = vector.shape_cast %swap3A_388 : vector<1x16xf32> to vector<16xf32>
        %swap3A_390 = vector.shape_cast %div3A_385 : vector<16xf32> to vector<1x16xf32>
        tpu.vector_store %arg9[%swap3A_386, %swap3A_387], %swap3A_390 {strides = array<i32>} : memref<80x128xf32, #tpu.memory_space<vmem>>, vector<1x16xf32>,
        %get3A_391 = arith.index_cast %scan3A_66 : i32 to index
        %get3A_392 = arith.constant 112 : index
        %get3A_393 = tpu.vector_load %arg8[%get3A_391, %get3A_392] {strides = array<i32>} : memref<80x128xf32, #tpu.memory_space<vmem>>, vector<1x16xf32>,
        %get3A_394 = vector.shape_cast %get3A_393 : vector<1x16xf32> to vector<16xf32>
        %get3A_395 = arith.constant 0 : i32
        %get3A_396 = arith.index_cast %get3A_395 : i32 to index
        %get3A_397 = arith.constant 112 : index
        %get3A_398 = tpu.vector_load %arg10[%get3A_396, %get3A_397] {strides = array<i32>} : memref<2x128xf32, #tpu.memory_space<vmem>>, vector<1x16xf32>,
        %get3A_399 = vector.shape_cast %get3A_398 : vector<1x16xf32> to vector<16xf32>
        %mul3A_400 = arith.mulf %get3A_394, %get3A_399 : vector<16xf32>
        %get3A_401 = arith.constant 1 : i32
        %get3A_402 = arith.index_cast %get3A_401 : i32 to index
        %get3A_403 = arith.constant 112 : index
        %get3A_404 = tpu.vector_load %arg10[%get3A_402, %get3A_403] {strides = array<i32>} : memref<2x128xf32, #tpu.memory_space<vmem>>, vector<1x16xf32>,
        %get3A_405 = vector.shape_cast %get3A_404 : vector<1x16xf32> to vector<16xf32>
        %add3A_406 = arith.addf %mul3A_400, %get3A_405 : vector<16xf32>
        %neg3A_407 = arith.constant 0.000000e+00 : f32
        %neg3A_408 = vector.broadcast %neg3A_407 : f32 to vector<16xf32>
        %neg3A_409 = arith.subf %neg3A_408, %add3A_406 : vector<16xf32>
        %exp3A_410 = math.exp %neg3A_409 : vector<16xf32>
        %add3A_411 = arith.constant 1.000000e+00 : f32
        %add3A_412 = vector.broadcast %add3A_411 : f32 to vector<16xf32>
        %add3A_413 = arith.addf %add3A_412, %exp3A_410 : vector<16xf32>
        %div3A_414 = arith.constant 1.000000e+00 : f32
        %div3A_415 = vector.broadcast %div3A_414 : f32 to vector<16xf32>
        %div3A_416 = arith.divf %div3A_415, %add3A_413 : vector<16xf32>
        %mul3A_417 = arith.mulf %add3A_406, %div3A_416 : vector<16xf32>
        %swap3A_418 = arith.index_cast %scan3A_66 : i32 to index
        %swap3A_419 = arith.constant 112 : index
        %swap3A_420 = tpu.vector_load %arg8[%swap3A_418, %swap3A_419] {strides = array<i32>} : memref<80x128xf32, #tpu.memory_space<vmem>>, vector<1x16xf32>,
        %swap3A_421 = vector.shape_cast %swap3A_420 : vector<1x16xf32> to vector<16xf32>
        %swap3A_422 = vector.shape_cast %mul3A_417 : vector<16xf32> to vector<1x16xf32>
        tpu.vector_store %arg8[%swap3A_418, %swap3A_419], %swap3A_422 {strides = array<i32>} : memref<80x128xf32, #tpu.memory_space<vmem>>, vector<1x16xf32>,
        %neg3A_423 = arith.constant 0.000000e+00 : f32
        %neg3A_424 = vector.broadcast %neg3A_423 : f32 to vector<16xf32>
        %neg3A_425 = arith.subf %neg3A_424, %mul3A_417 : vector<16xf32>
        %exp3A_426 = math.exp %neg3A_425 : vector<16xf32>
        %add3A_427 = arith.constant 1.000000e+00 : f32
        %add3A_428 = vector.broadcast %add3A_427 : f32 to vector<16xf32>
        %add3A_429 = arith.addf %add3A_428, %exp3A_426 : vector<16xf32>
        %div3A_430 = arith.constant 1.000000e+00 : f32
        %div3A_431 = vector.broadcast %div3A_430 : f32 to vector<16xf32>
        %div3A_432 = arith.divf %div3A_431, %add3A_429 : vector<16xf32>
        %swap3A_433 = arith.index_cast %scan3A_66 : i32 to index
        %swap3A_434 = arith.constant 112 : index
        %swap3A_435 = tpu.vector_load %arg9[%swap3A_433, %swap3A_434] {strides = array<i32>} : memref<80x128xf32, #tpu.memory_space<vmem>>, vector<1x16xf32>,
        %swap3A_436 = vector.shape_cast %swap3A_435 : vector<1x16xf32> to vector<16xf32>
        %swap3A_437 = vector.shape_cast %div3A_432 : vector<16xf32> to vector<1x16xf32>
        tpu.vector_store %arg9[%swap3A_433, %swap3A_434], %swap3A_437 {strides = array<i32>} : memref<80x128xf32, #tpu.memory_space<vmem>>, vector<1x16xf32>,
      }
      %scan3A_65 = arith.constant 80 : i32
      "tpu.region"() ({
        %run_scoped3A = tpu.sem_alloc : memref<!tpu.dma_semaphore, #tpu.memory_space<semaphore_mem>>
        %dma_start3A = arith.constant 0 : i32
        %dma_start3A_66 = tpu.memref_slice %arg5[%add3A_59, %dma_start3A] : memref<320000x128xf32, #tpu.memory_space<hbm>> -> memref<80x128xf32, #tpu.memory_space<hbm>>
        %dma_start3A_67 = arith.constant 0 : i32
        %dma_start3A_68 = tpu.memref_slice %arg5[%add3A_59, %dma_start3A_67] : memref<320000x128xf32, #tpu.memory_space<hbm>> -> memref<80x128xf32, #tpu.memory_space<hbm>>
        tpu.enqueue_dma source(%arg8 : memref<80x128xf32, #tpu.memory_space<vmem>>) target(%dma_start3A_68 : memref<80x128xf32, #tpu.memory_space<hbm>>) target_semaphore(%run_scoped3A : memref<!tpu.dma_semaphore, #tpu.memory_space<semaphore_mem>>)
        %dma_wait3A = arith.constant 0 : i32
        %dma_wait3A_69 = tpu.memref_slice %arg5[%add3A_59, %dma_wait3A] : memref<320000x128xf32, #tpu.memory_space<hbm>> -> memref<80x128xf32, #tpu.memory_space<hbm>>
        %dma_wait3A_70 = arith.constant 0 : i32
        %dma_wait3A_71 = tpu.memref_slice %arg5[%add3A_59, %dma_wait3A_70] : memref<320000x128xf32, #tpu.memory_space<hbm>> -> memref<80x128xf32, #tpu.memory_space<hbm>>
        tpu.wait_dma2 semaphore(%run_scoped3A : memref<!tpu.dma_semaphore, #tpu.memory_space<semaphore_mem>>) src(%arg8 : memref<80x128xf32, #tpu.memory_space<vmem>>) dst(%dma_wait3A_71 : memref<80x128xf32, #tpu.memory_space<hbm>>)
        tpu.yield
      }) : () -> ()
      "tpu.region"() ({
        %run_scoped3A = tpu.sem_alloc : memref<!tpu.dma_semaphore, #tpu.memory_space<semaphore_mem>>
        %dma_start3A = arith.constant 0 : i32
        %dma_start3A_66 = arith.constant 0 : i32
        %dma_start3A_67 = tpu.memref_slice %arg12[%dma_start3A, %dma_start3A_66] : memref<10240x128xf32, #tpu.memory_space<vmem_shared>> -> memref<10240x128xf32, #tpu.memory_space<vmem_shared>>
        tpu.enqueue_indirect_dma source(%arg9 : memref<80x128xf32, #tpu.memory_space<vmem>>) target(%dma_start3A_67 : memref<10240x128xf32, #tpu.memory_space<vmem_shared>>) offsets(%arg7 : memref<80xi32, #tpu.memory_space<vmem>>) semaphore(%run_scoped3A : memref<!tpu.dma_semaphore, #tpu.memory_space<semaphore_mem>>) {add = true}
        %dma_wait3A = arith.constant 0 : i32
        %dma_wait3A_68 = arith.constant 0 : i32
        %dma_wait3A_69 = tpu.memref_slice %arg12[%dma_wait3A, %dma_wait3A_68] : memref<10240x128xf32, #tpu.memory_space<vmem_shared>> -> memref<10240x128xf32, #tpu.memory_space<vmem_shared>>
        tpu.wait_indirect_dma semaphore(%run_scoped3A : memref<!tpu.dma_semaphore, #tpu.memory_space<semaphore_mem>>) src(%arg9 : memref<80x128xf32, #tpu.memory_space<vmem>>) dst(%dma_wait3A_69 : memref<10240x128xf32, #tpu.memory_space<vmem_shared>>)
        tpu.yield
      }) : () -> ()
    }
    %scan3A_34 = arith.constant 125 : i32
    %barrier3A_35 = arith.constant 0 : index
    tpu.barrier barrier_id(%barrier3A_35)
    %mul3A_36 = arith.constant 640 : i32
    %mul3A_37 = arith.muli %arg1, %mul3A_36 : i32
    %add3A_38 = arith.constant 0 : i32
    %add3A_39 = arith.addi %mul3A_37, %add3A_38 : i32
    "tpu.region"() ({
      %run_scoped3A = tpu.sem_alloc : memref<!tpu.dma_semaphore, #tpu.memory_space<semaphore_mem>>
      %dma_start3A = arith.constant 0 : i32
      %dma_start3A_56 = tpu.memref_slice %arg6[%arg0, %add3A_39, %dma_start3A] : memref<2x10240x128xf32, #tpu.memory_space<hbm>> -> memref<1x128x128xf32, #tpu.memory_space<hbm>>
      %dma_start3A_57 = tpu.memref_squeeze %dma_start3A_56 : memref<1x128x128xf32, #tpu.memory_space<hbm>> -> memref<128x128xf32, #tpu.memory_space<hbm>>
      %dma_start3A_58 = arith.constant 0 : i32
      %dma_start3A_59 = tpu.memref_slice %arg12[%add3A_39, %dma_start3A_58] : memref<10240x128xf32, #tpu.memory_space<vmem_shared>> -> memref<128x128xf32, #tpu.memory_space<vmem_shared>>
      tpu.enqueue_dma source(%dma_start3A_59 : memref<128x128xf32, #tpu.memory_space<vmem_shared>>) target(%dma_start3A_57 : memref<128x128xf32, #tpu.memory_space<hbm>>) target_semaphore(%run_scoped3A : memref<!tpu.dma_semaphore, #tpu.memory_space<semaphore_mem>>)
      %dma_wait3A = arith.constant 0 : i32
      %dma_wait3A_60 = tpu.memref_slice %arg6[%arg0, %add3A_39, %dma_wait3A] : memref<2x10240x128xf32, #tpu.memory_space<hbm>> -> memref<1x128x128xf32, #tpu.memory_space<hbm>>
      %dma_wait3A_61 = tpu.memref_squeeze %dma_wait3A_60 : memref<1x128x128xf32, #tpu.memory_space<hbm>> -> memref<128x128xf32, #tpu.memory_space<hbm>>
      %dma_wait3A_62 = arith.constant 0 : i32
      %dma_wait3A_63 = tpu.memref_slice %arg12[%add3A_39, %dma_wait3A_62] : memref<10240x128xf32, #tpu.memory_space<vmem_shared>> -> memref<128x128xf32, #tpu.memory_space<vmem_shared>>
      tpu.wait_dma2 semaphore(%run_scoped3A : memref<!tpu.dma_semaphore, #tpu.memory_space<semaphore_mem>>) src(%dma_wait3A_63 : memref<128x128xf32, #tpu.memory_space<vmem_shared>>) dst(%dma_wait3A_61 : memref<128x128xf32, #tpu.memory_space<hbm>>)
      tpu.yield
    }) : () -> ()
    %mul3A_40 = arith.constant 640 : i32
    %mul3A_41 = arith.muli %arg1, %mul3A_40 : i32
    %add3A_42 = arith.constant 128 : i32
    %add3A_43 = arith.addi %mul3A_41, %add3A_42 : i32
    "tpu.region"() ({
      %run_scoped3A = tpu.sem_alloc : memref<!tpu.dma_semaphore, #tpu.memory_space<semaphore_mem>>
      %dma_start3A = arith.constant 0 : i32
      %dma_start3A_56 = tpu.memref_slice %arg6[%arg0, %add3A_43, %dma_start3A] : memref<2x10240x128xf32, #tpu.memory_space<hbm>> -> memref<1x128x128xf32, #tpu.memory_space<hbm>>
      %dma_start3A_57 = tpu.memref_squeeze %dma_start3A_56 : memref<1x128x128xf32, #tpu.memory_space<hbm>> -> memref<128x128xf32, #tpu.memory_space<hbm>>
      %dma_start3A_58 = arith.constant 0 : i32
      %dma_start3A_59 = tpu.memref_slice %arg12[%add3A_43, %dma_start3A_58] : memref<10240x128xf32, #tpu.memory_space<vmem_shared>> -> memref<128x128xf32, #tpu.memory_space<vmem_shared>>
      tpu.enqueue_dma source(%dma_start3A_59 : memref<128x128xf32, #tpu.memory_space<vmem_shared>>) target(%dma_start3A_57 : memref<128x128xf32, #tpu.memory_space<hbm>>) target_semaphore(%run_scoped3A : memref<!tpu.dma_semaphore, #tpu.memory_space<semaphore_mem>>)
      %dma_wait3A = arith.constant 0 : i32
      %dma_wait3A_60 = tpu.memref_slice %arg6[%arg0, %add3A_43, %dma_wait3A] : memref<2x10240x128xf32, #tpu.memory_space<hbm>> -> memref<1x128x128xf32, #tpu.memory_space<hbm>>
      %dma_wait3A_61 = tpu.memref_squeeze %dma_wait3A_60 : memref<1x128x128xf32, #tpu.memory_space<hbm>> -> memref<128x128xf32, #tpu.memory_space<hbm>>
      %dma_wait3A_62 = arith.constant 0 : i32
      %dma_wait3A_63 = tpu.memref_slice %arg12[%add3A_43, %dma_wait3A_62] : memref<10240x128xf32, #tpu.memory_space<vmem_shared>> -> memref<128x128xf32, #tpu.memory_space<vmem_shared>>
      tpu.wait_dma2 semaphore(%run_scoped3A : memref<!tpu.dma_semaphore, #tpu.memory_space<semaphore_mem>>) src(%dma_wait3A_63 : memref<128x128xf32, #tpu.memory_space<vmem_shared>>) dst(%dma_wait3A_61 : memref<128x128xf32, #tpu.memory_space<hbm>>)
      tpu.yield
    }) : () -> ()
    %mul3A_44 = arith.constant 640 : i32
    %mul3A_45 = arith.muli %arg1, %mul3A_44 : i32
    %add3A_46 = arith.constant 256 : i32
    %add3A_47 = arith.addi %mul3A_45, %add3A_46 : i32
    "tpu.region"() ({
      %run_scoped3A = tpu.sem_alloc : memref<!tpu.dma_semaphore, #tpu.memory_space<semaphore_mem>>
      %dma_start3A = arith.constant 0 : i32
      %dma_start3A_56 = tpu.memref_slice %arg6[%arg0, %add3A_47, %dma_start3A] : memref<2x10240x128xf32, #tpu.memory_space<hbm>> -> memref<1x128x128xf32, #tpu.memory_space<hbm>>
      %dma_start3A_57 = tpu.memref_squeeze %dma_start3A_56 : memref<1x128x128xf32, #tpu.memory_space<hbm>> -> memref<128x128xf32, #tpu.memory_space<hbm>>
      %dma_start3A_58 = arith.constant 0 : i32
      %dma_start3A_59 = tpu.memref_slice %arg12[%add3A_47, %dma_start3A_58] : memref<10240x128xf32, #tpu.memory_space<vmem_shared>> -> memref<128x128xf32, #tpu.memory_space<vmem_shared>>
      tpu.enqueue_dma source(%dma_start3A_59 : memref<128x128xf32, #tpu.memory_space<vmem_shared>>) target(%dma_start3A_57 : memref<128x128xf32, #tpu.memory_space<hbm>>) target_semaphore(%run_scoped3A : memref<!tpu.dma_semaphore, #tpu.memory_space<semaphore_mem>>)
      %dma_wait3A = arith.constant 0 : i32
      %dma_wait3A_60 = tpu.memref_slice %arg6[%arg0, %add3A_47, %dma_wait3A] : memref<2x10240x128xf32, #tpu.memory_space<hbm>> -> memref<1x128x128xf32, #tpu.memory_space<hbm>>
      %dma_wait3A_61 = tpu.memref_squeeze %dma_wait3A_60 : memref<1x128x128xf32, #tpu.memory_space<hbm>> -> memref<128x128xf32, #tpu.memory_space<hbm>>
      %dma_wait3A_62 = arith.constant 0 : i32
      %dma_wait3A_63 = tpu.memref_slice %arg12[%add3A_47, %dma_wait3A_62] : memref<10240x128xf32, #tpu.memory_space<vmem_shared>> -> memref<128x128xf32, #tpu.memory_space<vmem_shared>>
      tpu.wait_dma2 semaphore(%run_scoped3A : memref<!tpu.dma_semaphore, #tpu.memory_space<semaphore_mem>>) src(%dma_wait3A_63 : memref<128x128xf32, #tpu.memory_space<vmem_shared>>) dst(%dma_wait3A_61 : memref<128x128xf32, #tpu.memory_space<hbm>>)
      tpu.yield
    }) : () -> ()
    %mul3A_48 = arith.constant 640 : i32
    %mul3A_49 = arith.muli %arg1, %mul3A_48 : i32
    %add3A_50 = arith.constant 384 : i32
    %add3A_51 = arith.addi %mul3A_49, %add3A_50 : i32
    "tpu.region"() ({
      %run_scoped3A = tpu.sem_alloc : memref<!tpu.dma_semaphore, #tpu.memory_space<semaphore_mem>>
      %dma_start3A = arith.constant 0 : i32
      %dma_start3A_56 = tpu.memref_slice %arg6[%arg0, %add3A_51, %dma_start3A] : memref<2x10240x128xf32, #tpu.memory_space<hbm>> -> memref<1x128x128xf32, #tpu.memory_space<hbm>>
      %dma_start3A_57 = tpu.memref_squeeze %dma_start3A_56 : memref<1x128x128xf32, #tpu.memory_space<hbm>> -> memref<128x128xf32, #tpu.memory_space<hbm>>
      %dma_start3A_58 = arith.constant 0 : i32
      %dma_start3A_59 = tpu.memref_slice %arg12[%add3A_51, %dma_start3A_58] : memref<10240x128xf32, #tpu.memory_space<vmem_shared>> -> memref<128x128xf32, #tpu.memory_space<vmem_shared>>
      tpu.enqueue_dma source(%dma_start3A_59 : memref<128x128xf32, #tpu.memory_space<vmem_shared>>) target(%dma_start3A_57 : memref<128x128xf32, #tpu.memory_space<hbm>>) target_semaphore(%run_scoped3A : memref<!tpu.dma_semaphore, #tpu.memory_space<semaphore_mem>>)
      %dma_wait3A = arith.constant 0 : i32
      %dma_wait3A_60 = tpu.memref_slice %arg6[%arg0, %add3A_51, %dma_wait3A] : memref<2x10240x128xf32, #tpu.memory_space<hbm>> -> memref<1x128x128xf32, #tpu.memory_space<hbm>>
      %dma_wait3A_61 = tpu.memref_squeeze %dma_wait3A_60 : memref<1x128x128xf32, #tpu.memory_space<hbm>> -> memref<128x128xf32, #tpu.memory_space<hbm>>
      %dma_wait3A_62 = arith.constant 0 : i32
      %dma_wait3A_63 = tpu.memref_slice %arg12[%add3A_51, %dma_wait3A_62] : memref<10240x128xf32, #tpu.memory_space<vmem_shared>> -> memref<128x128xf32, #tpu.memory_space<vmem_shared>>
      tpu.wait_dma2 semaphore(%run_scoped3A : memref<!tpu.dma_semaphore, #tpu.memory_space<semaphore_mem>>) src(%dma_wait3A_63 : memref<128x128xf32, #tpu.memory_space<vmem_shared>>) dst(%dma_wait3A_61 : memref<128x128xf32, #tpu.memory_space<hbm>>)
      tpu.yield
    }) : () -> ()
    %mul3A_52 = arith.constant 640 : i32
    %mul3A_53 = arith.muli %arg1, %mul3A_52 : i32
    %add3A_54 = arith.constant 512 : i32
    %add3A_55 = arith.addi %mul3A_53, %add3A_54 : i32
    "tpu.region"() ({
      %run_scoped3A = tpu.sem_alloc : memref<!tpu.dma_semaphore, #tpu.memory_space<semaphore_mem>>
      %dma_start3A = arith.constant 0 : i32
      %dma_start3A_56 = tpu.memref_slice %arg6[%arg0, %add3A_55, %dma_start3A] : memref<2x10240x128xf32, #tpu.memory_space<hbm>> -> memref<1x128x128xf32, #tpu.memory_space<hbm>>
      %dma_start3A_57 = tpu.memref_squeeze %dma_start3A_56 : memref<1x128x128xf32, #tpu.memory_space<hbm>> -> memref<128x128xf32, #tpu.memory_space<hbm>>
      %dma_start3A_58 = arith.constant 0 : i32
      %dma_start3A_59 = tpu.memref_slice %arg12[%add3A_55, %dma_start3A_58] : memref<10240x128xf32, #tpu.memory_space<vmem_shared>> -> memref<128x128xf32, #tpu.memory_space<vmem_shared>>
      tpu.enqueue_dma source(%dma_start3A_59 : memref<128x128xf32, #tpu.memory_space<vmem_shared>>) target(%dma_start3A_57 : memref<128x128xf32, #tpu.memory_space<hbm>>) target_semaphore(%run_scoped3A : memref<!tpu.dma_semaphore, #tpu.memory_space<semaphore_mem>>)
      %dma_wait3A = arith.constant 0 : i32
      %dma_wait3A_60 = tpu.memref_slice %arg6[%arg0, %add3A_55, %dma_wait3A] : memref<2x10240x128xf32, #tpu.memory_space<hbm>> -> memref<1x128x128xf32, #tpu.memory_space<hbm>>
      %dma_wait3A_61 = tpu.memref_squeeze %dma_wait3A_60 : memref<1x128x128xf32, #tpu.memory_space<hbm>> -> memref<128x128xf32, #tpu.memory_space<hbm>>
      %dma_wait3A_62 = arith.constant 0 : i32
      %dma_wait3A_63 = tpu.memref_slice %arg12[%add3A_55, %dma_wait3A_62] : memref<10240x128xf32, #tpu.memory_space<vmem_shared>> -> memref<128x128xf32, #tpu.memory_space<vmem_shared>>
      tpu.wait_dma2 semaphore(%run_scoped3A : memref<!tpu.dma_semaphore, #tpu.memory_space<semaphore_mem>>) src(%dma_wait3A_63 : memref<128x128xf32, #tpu.memory_space<vmem_shared>>) dst(%dma_wait3A_61 : memref<128x128xf32, #tpu.memory_space<hbm>>)
      tpu.yield
    }) : () -> ()
    return
  }
}

#map = affine_map<(d0, d1) -> (0)>
#map1 = affine_map<(d0, d1) -> (0, 0)>
#map2 = affine_map<(d0, d1) -> (0, 0, 0)>
module attributes {stable_mosaic.version = 14 : i64} {
  func.func @_s3(%arg0: i32, %arg1: i32, %arg2: memref<320000xi32, #tpu.memory_space<hbm>>, %arg3: memref<320000xi32, #tpu.memory_space<hbm>>, %arg4: memref<320000x128xf32, #tpu.memory_space<hbm>>, %arg5: memref<10000x128xf32, #tpu.memory_space<hbm>>, %arg6: memref<2x10240x128xf32, #tpu.memory_space<hbm>>, %arg7: memref<80xi32, #tpu.memory_space<vmem>>, %arg8: memref<80xi32, #tpu.memory_space<vmem>>, %arg9: memref<80x128xf32, #tpu.memory_space<vmem>>, %arg10: memref<80x128xf32, #tpu.memory_space<vmem>>, %arg11: memref<128x128xf32, #tpu.memory_space<vmem>>, %arg12: memref<10240x128xf32, #tpu.memory_space<vmem_shared>>, %arg13: memref<!tpu.dma_semaphore, #tpu.memory_space<semaphore_mem>>, %arg14: memref<!tpu.dma_semaphore, #tpu.memory_space<semaphore_mem>>) attributes {dimension_semantics = [#tpu.dimension_semantics<core_parallel>, #tpu.dimension_semantics<subcore_parallel>], iteration_bounds = array<i64: 2, 16>, scalar_prefetch = 0 : i64, scratch_operands = 8 : i64, tpu.core_type = #tpu.core_type<sc_vector_subcore>, window_params = [{transform_indices = #map}, {transform_indices = #map}, {transform_indices = #map1}, {transform_indices = #map1}, {transform_indices = #map2}]} {
    %mul3A = arith.constant 16 : i32
    %mul3A_0 = arith.muli %arg0, %mul3A : i32
    %add3A = arith.addi %mul3A_0, %arg1 : i32
    %mul3A_1 = arith.constant 10000 : i32
    %mul3A_2 = arith.muli %add3A, %mul3A_1 : i32
    %broadcast_in_dim3A = arith.constant 0.000000e+00 : f32
    %broadcast_in_dim3A_3 = vector.broadcast %broadcast_in_dim3A : f32 to vector<16xf32>
    %scan3A = arith.constant 0 : i32
    %scan3A_4 = arith.constant 0 : i32
    %scan3A_5 = arith.constant 128 : i32
    %scan3A_6 = arith.addi %scan3A_4, %scan3A_5 : i32
    %scan3A_7 = arith.constant 1 : i32
    scf.for %scan3A_56 = %scan3A_4 to %scan3A_6 step %scan3A_7  : i32 {
      %swap3A = arith.index_cast %scan3A_56 : i32 to index
      %swap3A_57 = arith.constant 0 : index
      %swap3A_58 = tpu.vector_load %arg11[%swap3A, %swap3A_57] {strides = array<i32>} : memref<128x128xf32, #tpu.memory_space<vmem>>, vector<1x16xf32>,
      %swap3A_59 = vector.shape_cast %swap3A_58 : vector<1x16xf32> to vector<16xf32>
      %swap3A_60 = vector.shape_cast %broadcast_in_dim3A_3 : vector<16xf32> to vector<1x16xf32>
      tpu.vector_store %arg11[%swap3A, %swap3A_57], %swap3A_60 {strides = array<i32>} : memref<128x128xf32, #tpu.memory_space<vmem>>, vector<1x16xf32>,
      %swap3A_61 = arith.index_cast %scan3A_56 : i32 to index
      %swap3A_62 = arith.constant 16 : index
      %swap3A_63 = tpu.vector_load %arg11[%swap3A_61, %swap3A_62] {strides = array<i32>} : memref<128x128xf32, #tpu.memory_space<vmem>>, vector<1x16xf32>,
      %swap3A_64 = vector.shape_cast %swap3A_63 : vector<1x16xf32> to vector<16xf32>
      %swap3A_65 = vector.shape_cast %broadcast_in_dim3A_3 : vector<16xf32> to vector<1x16xf32>
      tpu.vector_store %arg11[%swap3A_61, %swap3A_62], %swap3A_65 {strides = array<i32>} : memref<128x128xf32, #tpu.memory_space<vmem>>, vector<1x16xf32>,
      %swap3A_66 = arith.index_cast %scan3A_56 : i32 to index
      %swap3A_67 = arith.constant 32 : index
      %swap3A_68 = tpu.vector_load %arg11[%swap3A_66, %swap3A_67] {strides = array<i32>} : memref<128x128xf32, #tpu.memory_space<vmem>>, vector<1x16xf32>,
      %swap3A_69 = vector.shape_cast %swap3A_68 : vector<1x16xf32> to vector<16xf32>
      %swap3A_70 = vector.shape_cast %broadcast_in_dim3A_3 : vector<16xf32> to vector<1x16xf32>
      tpu.vector_store %arg11[%swap3A_66, %swap3A_67], %swap3A_70 {strides = array<i32>} : memref<128x128xf32, #tpu.memory_space<vmem>>, vector<1x16xf32>,
      %swap3A_71 = arith.index_cast %scan3A_56 : i32 to index
      %swap3A_72 = arith.constant 48 : index
      %swap3A_73 = tpu.vector_load %arg11[%swap3A_71, %swap3A_72] {strides = array<i32>} : memref<128x128xf32, #tpu.memory_space<vmem>>, vector<1x16xf32>,
      %swap3A_74 = vector.shape_cast %swap3A_73 : vector<1x16xf32> to vector<16xf32>
      %swap3A_75 = vector.shape_cast %broadcast_in_dim3A_3 : vector<16xf32> to vector<1x16xf32>
      tpu.vector_store %arg11[%swap3A_71, %swap3A_72], %swap3A_75 {strides = array<i32>} : memref<128x128xf32, #tpu.memory_space<vmem>>, vector<1x16xf32>,
      %swap3A_76 = arith.index_cast %scan3A_56 : i32 to index
      %swap3A_77 = arith.constant 64 : index
      %swap3A_78 = tpu.vector_load %arg11[%swap3A_76, %swap3A_77] {strides = array<i32>} : memref<128x128xf32, #tpu.memory_space<vmem>>, vector<1x16xf32>,
      %swap3A_79 = vector.shape_cast %swap3A_78 : vector<1x16xf32> to vector<16xf32>
      %swap3A_80 = vector.shape_cast %broadcast_in_dim3A_3 : vector<16xf32> to vector<1x16xf32>
      tpu.vector_store %arg11[%swap3A_76, %swap3A_77], %swap3A_80 {strides = array<i32>} : memref<128x128xf32, #tpu.memory_space<vmem>>, vector<1x16xf32>,
      %swap3A_81 = arith.index_cast %scan3A_56 : i32 to index
      %swap3A_82 = arith.constant 80 : index
      %swap3A_83 = tpu.vector_load %arg11[%swap3A_81, %swap3A_82] {strides = array<i32>} : memref<128x128xf32, #tpu.memory_space<vmem>>, vector<1x16xf32>,
      %swap3A_84 = vector.shape_cast %swap3A_83 : vector<1x16xf32> to vector<16xf32>
      %swap3A_85 = vector.shape_cast %broadcast_in_dim3A_3 : vector<16xf32> to vector<1x16xf32>
      tpu.vector_store %arg11[%swap3A_81, %swap3A_82], %swap3A_85 {strides = array<i32>} : memref<128x128xf32, #tpu.memory_space<vmem>>, vector<1x16xf32>,
      %swap3A_86 = arith.index_cast %scan3A_56 : i32 to index
      %swap3A_87 = arith.constant 96 : index
      %swap3A_88 = tpu.vector_load %arg11[%swap3A_86, %swap3A_87] {strides = array<i32>} : memref<128x128xf32, #tpu.memory_space<vmem>>, vector<1x16xf32>,
      %swap3A_89 = vector.shape_cast %swap3A_88 : vector<1x16xf32> to vector<16xf32>
      %swap3A_90 = vector.shape_cast %broadcast_in_dim3A_3 : vector<16xf32> to vector<1x16xf32>
      tpu.vector_store %arg11[%swap3A_86, %swap3A_87], %swap3A_90 {strides = array<i32>} : memref<128x128xf32, #tpu.memory_space<vmem>>, vector<1x16xf32>,
      %swap3A_91 = arith.index_cast %scan3A_56 : i32 to index
      %swap3A_92 = arith.constant 112 : index
      %swap3A_93 = tpu.vector_load %arg11[%swap3A_91, %swap3A_92] {strides = array<i32>} : memref<128x128xf32, #tpu.memory_space<vmem>>, vector<1x16xf32>,
      %swap3A_94 = vector.shape_cast %swap3A_93 : vector<1x16xf32> to vector<16xf32>
      %swap3A_95 = vector.shape_cast %broadcast_in_dim3A_3 : vector<16xf32> to vector<1x16xf32>
      tpu.vector_store %arg11[%swap3A_91, %swap3A_92], %swap3A_95 {strides = array<i32>} : memref<128x128xf32, #tpu.memory_space<vmem>>, vector<1x16xf32>,
    }
    %scan3A_8 = arith.constant 128 : i32
    %mul3A_9 = arith.constant 640 : i32
    %mul3A_10 = arith.muli %arg1, %mul3A_9 : i32
    %add3A_11 = arith.constant 0 : i32
    %add3A_12 = arith.addi %mul3A_10, %add3A_11 : i32
    "tpu.region"() ({
      %run_scoped3A = tpu.sem_alloc : memref<!tpu.dma_semaphore, #tpu.memory_space<semaphore_mem>>
      %dma_start3A = arith.constant 0 : i32
      %dma_start3A_56 = tpu.memref_slice %arg12[%add3A_12, %dma_start3A] : memref<10240x128xf32, #tpu.memory_space<vmem_shared>> -> memref<128x128xf32, #tpu.memory_space<vmem_shared>>
      %dma_start3A_57 = arith.constant 0 : i32
      %dma_start3A_58 = tpu.memref_slice %arg12[%add3A_12, %dma_start3A_57] : memref<10240x128xf32, #tpu.memory_space<vmem_shared>> -> memref<128x128xf32, #tpu.memory_space<vmem_shared>>
      tpu.enqueue_dma source(%arg11 : memref<128x128xf32, #tpu.memory_space<vmem>>) target(%dma_start3A_58 : memref<128x128xf32, #tpu.memory_space<vmem_shared>>) target_semaphore(%run_scoped3A : memref<!tpu.dma_semaphore, #tpu.memory_space<semaphore_mem>>)
      %dma_wait3A = arith.constant 0 : i32
      %dma_wait3A_59 = tpu.memref_slice %arg12[%add3A_12, %dma_wait3A] : memref<10240x128xf32, #tpu.memory_space<vmem_shared>> -> memref<128x128xf32, #tpu.memory_space<vmem_shared>>
      %dma_wait3A_60 = arith.constant 0 : i32
      %dma_wait3A_61 = tpu.memref_slice %arg12[%add3A_12, %dma_wait3A_60] : memref<10240x128xf32, #tpu.memory_space<vmem_shared>> -> memref<128x128xf32, #tpu.memory_space<vmem_shared>>
      tpu.wait_dma2 semaphore(%run_scoped3A : memref<!tpu.dma_semaphore, #tpu.memory_space<semaphore_mem>>) src(%arg11 : memref<128x128xf32, #tpu.memory_space<vmem>>) dst(%dma_wait3A_61 : memref<128x128xf32, #tpu.memory_space<vmem_shared>>)
      tpu.yield
    }) : () -> ()
    %mul3A_13 = arith.constant 640 : i32
    %mul3A_14 = arith.muli %arg1, %mul3A_13 : i32
    %add3A_15 = arith.constant 128 : i32
    %add3A_16 = arith.addi %mul3A_14, %add3A_15 : i32
    "tpu.region"() ({
      %run_scoped3A = tpu.sem_alloc : memref<!tpu.dma_semaphore, #tpu.memory_space<semaphore_mem>>
      %dma_start3A = arith.constant 0 : i32
      %dma_start3A_56 = tpu.memref_slice %arg12[%add3A_16, %dma_start3A] : memref<10240x128xf32, #tpu.memory_space<vmem_shared>> -> memref<128x128xf32, #tpu.memory_space<vmem_shared>>
      %dma_start3A_57 = arith.constant 0 : i32
      %dma_start3A_58 = tpu.memref_slice %arg12[%add3A_16, %dma_start3A_57] : memref<10240x128xf32, #tpu.memory_space<vmem_shared>> -> memref<128x128xf32, #tpu.memory_space<vmem_shared>>
      tpu.enqueue_dma source(%arg11 : memref<128x128xf32, #tpu.memory_space<vmem>>) target(%dma_start3A_58 : memref<128x128xf32, #tpu.memory_space<vmem_shared>>) target_semaphore(%run_scoped3A : memref<!tpu.dma_semaphore, #tpu.memory_space<semaphore_mem>>)
      %dma_wait3A = arith.constant 0 : i32
      %dma_wait3A_59 = tpu.memref_slice %arg12[%add3A_16, %dma_wait3A] : memref<10240x128xf32, #tpu.memory_space<vmem_shared>> -> memref<128x128xf32, #tpu.memory_space<vmem_shared>>
      %dma_wait3A_60 = arith.constant 0 : i32
      %dma_wait3A_61 = tpu.memref_slice %arg12[%add3A_16, %dma_wait3A_60] : memref<10240x128xf32, #tpu.memory_space<vmem_shared>> -> memref<128x128xf32, #tpu.memory_space<vmem_shared>>
      tpu.wait_dma2 semaphore(%run_scoped3A : memref<!tpu.dma_semaphore, #tpu.memory_space<semaphore_mem>>) src(%arg11 : memref<128x128xf32, #tpu.memory_space<vmem>>) dst(%dma_wait3A_61 : memref<128x128xf32, #tpu.memory_space<vmem_shared>>)
      tpu.yield
    }) : () -> ()
    %mul3A_17 = arith.constant 640 : i32
    %mul3A_18 = arith.muli %arg1, %mul3A_17 : i32
    %add3A_19 = arith.constant 256 : i32
    %add3A_20 = arith.addi %mul3A_18, %add3A_19 : i32
    "tpu.region"() ({
      %run_scoped3A = tpu.sem_alloc : memref<!tpu.dma_semaphore, #tpu.memory_space<semaphore_mem>>
      %dma_start3A = arith.constant 0 : i32
      %dma_start3A_56 = tpu.memref_slice %arg12[%add3A_20, %dma_start3A] : memref<10240x128xf32, #tpu.memory_space<vmem_shared>> -> memref<128x128xf32, #tpu.memory_space<vmem_shared>>
      %dma_start3A_57 = arith.constant 0 : i32
      %dma_start3A_58 = tpu.memref_slice %arg12[%add3A_20, %dma_start3A_57] : memref<10240x128xf32, #tpu.memory_space<vmem_shared>> -> memref<128x128xf32, #tpu.memory_space<vmem_shared>>
      tpu.enqueue_dma source(%arg11 : memref<128x128xf32, #tpu.memory_space<vmem>>) target(%dma_start3A_58 : memref<128x128xf32, #tpu.memory_space<vmem_shared>>) target_semaphore(%run_scoped3A : memref<!tpu.dma_semaphore, #tpu.memory_space<semaphore_mem>>)
      %dma_wait3A = arith.constant 0 : i32
      %dma_wait3A_59 = tpu.memref_slice %arg12[%add3A_20, %dma_wait3A] : memref<10240x128xf32, #tpu.memory_space<vmem_shared>> -> memref<128x128xf32, #tpu.memory_space<vmem_shared>>
      %dma_wait3A_60 = arith.constant 0 : i32
      %dma_wait3A_61 = tpu.memref_slice %arg12[%add3A_20, %dma_wait3A_60] : memref<10240x128xf32, #tpu.memory_space<vmem_shared>> -> memref<128x128xf32, #tpu.memory_space<vmem_shared>>
      tpu.wait_dma2 semaphore(%run_scoped3A : memref<!tpu.dma_semaphore, #tpu.memory_space<semaphore_mem>>) src(%arg11 : memref<128x128xf32, #tpu.memory_space<vmem>>) dst(%dma_wait3A_61 : memref<128x128xf32, #tpu.memory_space<vmem_shared>>)
      tpu.yield
    }) : () -> ()
    %mul3A_21 = arith.constant 640 : i32
    %mul3A_22 = arith.muli %arg1, %mul3A_21 : i32
    %add3A_23 = arith.constant 384 : i32
    %add3A_24 = arith.addi %mul3A_22, %add3A_23 : i32
    "tpu.region"() ({
      %run_scoped3A = tpu.sem_alloc : memref<!tpu.dma_semaphore, #tpu.memory_space<semaphore_mem>>
      %dma_start3A = arith.constant 0 : i32
      %dma_start3A_56 = tpu.memref_slice %arg12[%add3A_24, %dma_start3A] : memref<10240x128xf32, #tpu.memory_space<vmem_shared>> -> memref<128x128xf32, #tpu.memory_space<vmem_shared>>
      %dma_start3A_57 = arith.constant 0 : i32
      %dma_start3A_58 = tpu.memref_slice %arg12[%add3A_24, %dma_start3A_57] : memref<10240x128xf32, #tpu.memory_space<vmem_shared>> -> memref<128x128xf32, #tpu.memory_space<vmem_shared>>
      tpu.enqueue_dma source(%arg11 : memref<128x128xf32, #tpu.memory_space<vmem>>) target(%dma_start3A_58 : memref<128x128xf32, #tpu.memory_space<vmem_shared>>) target_semaphore(%run_scoped3A : memref<!tpu.dma_semaphore, #tpu.memory_space<semaphore_mem>>)
      %dma_wait3A = arith.constant 0 : i32
      %dma_wait3A_59 = tpu.memref_slice %arg12[%add3A_24, %dma_wait3A] : memref<10240x128xf32, #tpu.memory_space<vmem_shared>> -> memref<128x128xf32, #tpu.memory_space<vmem_shared>>
      %dma_wait3A_60 = arith.constant 0 : i32
      %dma_wait3A_61 = tpu.memref_slice %arg12[%add3A_24, %dma_wait3A_60] : memref<10240x128xf32, #tpu.memory_space<vmem_shared>> -> memref<128x128xf32, #tpu.memory_space<vmem_shared>>
      tpu.wait_dma2 semaphore(%run_scoped3A : memref<!tpu.dma_semaphore, #tpu.memory_space<semaphore_mem>>) src(%arg11 : memref<128x128xf32, #tpu.memory_space<vmem>>) dst(%dma_wait3A_61 : memref<128x128xf32, #tpu.memory_space<vmem_shared>>)
      tpu.yield
    }) : () -> ()
    %mul3A_25 = arith.constant 640 : i32
    %mul3A_26 = arith.muli %arg1, %mul3A_25 : i32
    %add3A_27 = arith.constant 512 : i32
    %add3A_28 = arith.addi %mul3A_26, %add3A_27 : i32
    "tpu.region"() ({
      %run_scoped3A = tpu.sem_alloc : memref<!tpu.dma_semaphore, #tpu.memory_space<semaphore_mem>>
      %dma_start3A = arith.constant 0 : i32
      %dma_start3A_56 = tpu.memref_slice %arg12[%add3A_28, %dma_start3A] : memref<10240x128xf32, #tpu.memory_space<vmem_shared>> -> memref<128x128xf32, #tpu.memory_space<vmem_shared>>
      %dma_start3A_57 = arith.constant 0 : i32
      %dma_start3A_58 = tpu.memref_slice %arg12[%add3A_28, %dma_start3A_57] : memref<10240x128xf32, #tpu.memory_space<vmem_shared>> -> memref<128x128xf32, #tpu.memory_space<vmem_shared>>
      tpu.enqueue_dma source(%arg11 : memref<128x128xf32, #tpu.memory_space<vmem>>) target(%dma_start3A_58 : memref<128x128xf32, #tpu.memory_space<vmem_shared>>) target_semaphore(%run_scoped3A : memref<!tpu.dma_semaphore, #tpu.memory_space<semaphore_mem>>)
      %dma_wait3A = arith.constant 0 : i32
      %dma_wait3A_59 = tpu.memref_slice %arg12[%add3A_28, %dma_wait3A] : memref<10240x128xf32, #tpu.memory_space<vmem_shared>> -> memref<128x128xf32, #tpu.memory_space<vmem_shared>>
      %dma_wait3A_60 = arith.constant 0 : i32
      %dma_wait3A_61 = tpu.memref_slice %arg12[%add3A_28, %dma_wait3A_60] : memref<10240x128xf32, #tpu.memory_space<vmem_shared>> -> memref<128x128xf32, #tpu.memory_space<vmem_shared>>
      tpu.wait_dma2 semaphore(%run_scoped3A : memref<!tpu.dma_semaphore, #tpu.memory_space<semaphore_mem>>) src(%arg11 : memref<128x128xf32, #tpu.memory_space<vmem>>) dst(%dma_wait3A_61 : memref<128x128xf32, #tpu.memory_space<vmem_shared>>)
      tpu.yield
    }) : () -> ()
    %barrier3A = arith.constant 0 : index
    tpu.barrier barrier_id(%barrier3A)
    %scan3A_29 = arith.constant 0 : i32
    %scan3A_30 = arith.constant 0 : i32
    %scan3A_31 = arith.constant 125 : i32
    %scan3A_32 = arith.addi %scan3A_30, %scan3A_31 : i32
    %scan3A_33 = arith.constant 1 : i32
    scf.for %scan3A_56 = %scan3A_30 to %scan3A_32 step %scan3A_33  : i32 {
      %mul3A_57 = arith.constant 80 : i32
      %mul3A_58 = arith.muli %scan3A_56, %mul3A_57 : i32
      %add3A_59 = arith.addi %mul3A_2, %mul3A_58 : i32
      "tpu.region"() ({
        %run_scoped3A = tpu.sem_alloc : memref<!tpu.dma_semaphore, #tpu.memory_space<semaphore_mem>>
        %dma_start3A_78 = tpu.memref_slice %arg2[%add3A_59] : memref<320000xi32, #tpu.memory_space<hbm>> -> memref<80xi32, #tpu.memory_space<hbm>>
        %dma_start3A_79 = tpu.memref_slice %arg2[%add3A_59] : memref<320000xi32, #tpu.memory_space<hbm>> -> memref<80xi32, #tpu.memory_space<hbm>>
        tpu.enqueue_dma source(%dma_start3A_79 : memref<80xi32, #tpu.memory_space<hbm>>) target(%arg7 : memref<80xi32, #tpu.memory_space<vmem>>) target_semaphore(%run_scoped3A : memref<!tpu.dma_semaphore, #tpu.memory_space<semaphore_mem>>)
        %dma_wait3A_80 = tpu.memref_slice %arg2[%add3A_59] : memref<320000xi32, #tpu.memory_space<hbm>> -> memref<80xi32, #tpu.memory_space<hbm>>
        %dma_wait3A_81 = tpu.memref_slice %arg2[%add3A_59] : memref<320000xi32, #tpu.memory_space<hbm>> -> memref<80xi32, #tpu.memory_space<hbm>>
        tpu.wait_dma2 semaphore(%run_scoped3A : memref<!tpu.dma_semaphore, #tpu.memory_space<semaphore_mem>>) src(%dma_wait3A_81 : memref<80xi32, #tpu.memory_space<hbm>>) dst(%arg7 : memref<80xi32, #tpu.memory_space<vmem>>)
        tpu.yield
      }) : () -> ()
      "tpu.region"() ({
        %run_scoped3A = tpu.sem_alloc : memref<!tpu.dma_semaphore, #tpu.memory_space<semaphore_mem>>
        %dma_start3A_78 = tpu.memref_slice %arg3[%add3A_59] : memref<320000xi32, #tpu.memory_space<hbm>> -> memref<80xi32, #tpu.memory_space<hbm>>
        %dma_start3A_79 = tpu.memref_slice %arg3[%add3A_59] : memref<320000xi32, #tpu.memory_space<hbm>> -> memref<80xi32, #tpu.memory_space<hbm>>
        tpu.enqueue_dma source(%dma_start3A_79 : memref<80xi32, #tpu.memory_space<hbm>>) target(%arg8 : memref<80xi32, #tpu.memory_space<vmem>>) target_semaphore(%run_scoped3A : memref<!tpu.dma_semaphore, #tpu.memory_space<semaphore_mem>>)
        %dma_wait3A_80 = tpu.memref_slice %arg3[%add3A_59] : memref<320000xi32, #tpu.memory_space<hbm>> -> memref<80xi32, #tpu.memory_space<hbm>>
        %dma_wait3A_81 = tpu.memref_slice %arg3[%add3A_59] : memref<320000xi32, #tpu.memory_space<hbm>> -> memref<80xi32, #tpu.memory_space<hbm>>
        tpu.wait_dma2 semaphore(%run_scoped3A : memref<!tpu.dma_semaphore, #tpu.memory_space<semaphore_mem>>) src(%dma_wait3A_81 : memref<80xi32, #tpu.memory_space<hbm>>) dst(%arg8 : memref<80xi32, #tpu.memory_space<vmem>>)
        tpu.yield
      }) : () -> ()
      %dma_start3A = arith.constant 0 : i32
      %dma_start3A_60 = tpu.memref_slice %arg4[%add3A_59, %dma_start3A] : memref<320000x128xf32, #tpu.memory_space<hbm>> -> memref<80x128xf32, #tpu.memory_space<hbm>>
      %dma_start3A_61 = arith.constant 0 : i32
      %dma_start3A_62 = tpu.memref_slice %arg4[%add3A_59, %dma_start3A_61] : memref<320000x128xf32, #tpu.memory_space<hbm>> -> memref<80x128xf32, #tpu.memory_space<hbm>>
      tpu.enqueue_dma source(%dma_start3A_62 : memref<80x128xf32, #tpu.memory_space<hbm>>) target(%arg9 : memref<80x128xf32, #tpu.memory_space<vmem>>) target_semaphore(%arg13 : memref<!tpu.dma_semaphore, #tpu.memory_space<semaphore_mem>>)
      %dma_start3A_63 = arith.constant 0 : i32
      %dma_start3A_64 = arith.constant 0 : i32
      %dma_start3A_65 = tpu.memref_slice %arg5[%dma_start3A_63, %dma_start3A_64] : memref<10000x128xf32, #tpu.memory_space<hbm>> -> memref<10000x128xf32, #tpu.memory_space<hbm>>
      tpu.enqueue_indirect_dma source(%dma_start3A_65 : memref<10000x128xf32, #tpu.memory_space<hbm>>) target(%arg10 : memref<80x128xf32, #tpu.memory_space<vmem>>) offsets(%arg8 : memref<80xi32, #tpu.memory_space<vmem>>) semaphore(%arg14 : memref<!tpu.dma_semaphore, #tpu.memory_space<semaphore_mem>>)
      %dma_wait3A = arith.constant 0 : i32
      %dma_wait3A_66 = tpu.memref_slice %arg4[%add3A_59, %dma_wait3A] : memref<320000x128xf32, #tpu.memory_space<hbm>> -> memref<80x128xf32, #tpu.memory_space<hbm>>
      %dma_wait3A_67 = arith.constant 0 : i32
      %dma_wait3A_68 = tpu.memref_slice %arg4[%add3A_59, %dma_wait3A_67] : memref<320000x128xf32, #tpu.memory_space<hbm>> -> memref<80x128xf32, #tpu.memory_space<hbm>>
      tpu.wait_dma2 semaphore(%arg13 : memref<!tpu.dma_semaphore, #tpu.memory_space<semaphore_mem>>) src(%dma_wait3A_68 : memref<80x128xf32, #tpu.memory_space<hbm>>) dst(%arg9 : memref<80x128xf32, #tpu.memory_space<vmem>>)
      %dma_wait3A_69 = arith.constant 0 : i32
      %dma_wait3A_70 = arith.constant 0 : i32
      %dma_wait3A_71 = tpu.memref_slice %arg5[%dma_wait3A_69, %dma_wait3A_70] : memref<10000x128xf32, #tpu.memory_space<hbm>> -> memref<10000x128xf32, #tpu.memory_space<hbm>>
      tpu.wait_indirect_dma semaphore(%arg14 : memref<!tpu.dma_semaphore, #tpu.memory_space<semaphore_mem>>) src(%dma_wait3A_71 : memref<10000x128xf32, #tpu.memory_space<hbm>>) dst(%arg10 : memref<80x128xf32, #tpu.memory_space<vmem>>)
      %scan3A_72 = arith.constant 0 : i32
      %scan3A_73 = arith.constant 0 : i32
      %scan3A_74 = arith.constant 80 : i32
      %scan3A_75 = arith.addi %scan3A_73, %scan3A_74 : i32
      %scan3A_76 = arith.constant 1 : i32
      scf.for %scan3A_78 = %scan3A_73 to %scan3A_75 step %scan3A_76  : i32 {
        %get3A = arith.index_cast %scan3A_78 : i32 to index
        %get3A_79 = arith.constant 0 : index
        %get3A_80 = tpu.vector_load %arg9[%get3A, %get3A_79] {strides = array<i32>} : memref<80x128xf32, #tpu.memory_space<vmem>>, vector<1x16xf32>,
        %get3A_81 = vector.shape_cast %get3A_80 : vector<1x16xf32> to vector<16xf32>
        %neg3A = arith.constant 0.000000e+00 : f32
        %neg3A_82 = vector.broadcast %neg3A : f32 to vector<16xf32>
        %neg3A_83 = arith.subf %neg3A_82, %get3A_81 : vector<16xf32>
        %exp3A = math.exp %neg3A_83 : vector<16xf32>
        %add3A_84 = arith.constant 1.000000e+00 : f32
        %add3A_85 = vector.broadcast %add3A_84 : f32 to vector<16xf32>
        %add3A_86 = arith.addf %add3A_85, %exp3A : vector<16xf32>
        %div3A = arith.constant 1.000000e+00 : f32
        %div3A_87 = vector.broadcast %div3A : f32 to vector<16xf32>
        %div3A_88 = arith.divf %div3A_87, %add3A_86 : vector<16xf32>
        %get3A_89 = arith.index_cast %scan3A_78 : i32 to index
        %get3A_90 = arith.constant 0 : index
        %get3A_91 = tpu.vector_load %arg10[%get3A_89, %get3A_90] {strides = array<i32>} : memref<80x128xf32, #tpu.memory_space<vmem>>, vector<1x16xf32>,
        %get3A_92 = vector.shape_cast %get3A_91 : vector<1x16xf32> to vector<16xf32>
        %mul3A_93 = arith.mulf %div3A_88, %get3A_92 : vector<16xf32>
        %swap3A = arith.index_cast %scan3A_78 : i32 to index
        %swap3A_94 = arith.constant 0 : index
        %swap3A_95 = tpu.vector_load %arg9[%swap3A, %swap3A_94] {strides = array<i32>} : memref<80x128xf32, #tpu.memory_space<vmem>>, vector<1x16xf32>,
        %swap3A_96 = vector.shape_cast %swap3A_95 : vector<1x16xf32> to vector<16xf32>
        %swap3A_97 = vector.shape_cast %mul3A_93 : vector<16xf32> to vector<1x16xf32>
        tpu.vector_store %arg9[%swap3A, %swap3A_94], %swap3A_97 {strides = array<i32>} : memref<80x128xf32, #tpu.memory_space<vmem>>, vector<1x16xf32>,
        %get3A_98 = arith.index_cast %scan3A_78 : i32 to index
        %get3A_99 = arith.constant 16 : index
        %get3A_100 = tpu.vector_load %arg9[%get3A_98, %get3A_99] {strides = array<i32>} : memref<80x128xf32, #tpu.memory_space<vmem>>, vector<1x16xf32>,
        %get3A_101 = vector.shape_cast %get3A_100 : vector<1x16xf32> to vector<16xf32>
        %neg3A_102 = arith.constant 0.000000e+00 : f32
        %neg3A_103 = vector.broadcast %neg3A_102 : f32 to vector<16xf32>
        %neg3A_104 = arith.subf %neg3A_103, %get3A_101 : vector<16xf32>
        %exp3A_105 = math.exp %neg3A_104 : vector<16xf32>
        %add3A_106 = arith.constant 1.000000e+00 : f32
        %add3A_107 = vector.broadcast %add3A_106 : f32 to vector<16xf32>
        %add3A_108 = arith.addf %add3A_107, %exp3A_105 : vector<16xf32>
        %div3A_109 = arith.constant 1.000000e+00 : f32
        %div3A_110 = vector.broadcast %div3A_109 : f32 to vector<16xf32>
        %div3A_111 = arith.divf %div3A_110, %add3A_108 : vector<16xf32>
        %get3A_112 = arith.index_cast %scan3A_78 : i32 to index
        %get3A_113 = arith.constant 16 : index
        %get3A_114 = tpu.vector_load %arg10[%get3A_112, %get3A_113] {strides = array<i32>} : memref<80x128xf32, #tpu.memory_space<vmem>>, vector<1x16xf32>,
        %get3A_115 = vector.shape_cast %get3A_114 : vector<1x16xf32> to vector<16xf32>
        %mul3A_116 = arith.mulf %div3A_111, %get3A_115 : vector<16xf32>
        %swap3A_117 = arith.index_cast %scan3A_78 : i32 to index
        %swap3A_118 = arith.constant 16 : index
        %swap3A_119 = tpu.vector_load %arg9[%swap3A_117, %swap3A_118] {strides = array<i32>} : memref<80x128xf32, #tpu.memory_space<vmem>>, vector<1x16xf32>,
        %swap3A_120 = vector.shape_cast %swap3A_119 : vector<1x16xf32> to vector<16xf32>
        %swap3A_121 = vector.shape_cast %mul3A_116 : vector<16xf32> to vector<1x16xf32>
        tpu.vector_store %arg9[%swap3A_117, %swap3A_118], %swap3A_121 {strides = array<i32>} : memref<80x128xf32, #tpu.memory_space<vmem>>, vector<1x16xf32>,
        %get3A_122 = arith.index_cast %scan3A_78 : i32 to index
        %get3A_123 = arith.constant 32 : index
        %get3A_124 = tpu.vector_load %arg9[%get3A_122, %get3A_123] {strides = array<i32>} : memref<80x128xf32, #tpu.memory_space<vmem>>, vector<1x16xf32>,
        %get3A_125 = vector.shape_cast %get3A_124 : vector<1x16xf32> to vector<16xf32>
        %neg3A_126 = arith.constant 0.000000e+00 : f32
        %neg3A_127 = vector.broadcast %neg3A_126 : f32 to vector<16xf32>
        %neg3A_128 = arith.subf %neg3A_127, %get3A_125 : vector<16xf32>
        %exp3A_129 = math.exp %neg3A_128 : vector<16xf32>
        %add3A_130 = arith.constant 1.000000e+00 : f32
        %add3A_131 = vector.broadcast %add3A_130 : f32 to vector<16xf32>
        %add3A_132 = arith.addf %add3A_131, %exp3A_129 : vector<16xf32>
        %div3A_133 = arith.constant 1.000000e+00 : f32
        %div3A_134 = vector.broadcast %div3A_133 : f32 to vector<16xf32>
        %div3A_135 = arith.divf %div3A_134, %add3A_132 : vector<16xf32>
        %get3A_136 = arith.index_cast %scan3A_78 : i32 to index
        %get3A_137 = arith.constant 32 : index
        %get3A_138 = tpu.vector_load %arg10[%get3A_136, %get3A_137] {strides = array<i32>} : memref<80x128xf32, #tpu.memory_space<vmem>>, vector<1x16xf32>,
        %get3A_139 = vector.shape_cast %get3A_138 : vector<1x16xf32> to vector<16xf32>
        %mul3A_140 = arith.mulf %div3A_135, %get3A_139 : vector<16xf32>
        %swap3A_141 = arith.index_cast %scan3A_78 : i32 to index
        %swap3A_142 = arith.constant 32 : index
        %swap3A_143 = tpu.vector_load %arg9[%swap3A_141, %swap3A_142] {strides = array<i32>} : memref<80x128xf32, #tpu.memory_space<vmem>>, vector<1x16xf32>,
        %swap3A_144 = vector.shape_cast %swap3A_143 : vector<1x16xf32> to vector<16xf32>
        %swap3A_145 = vector.shape_cast %mul3A_140 : vector<16xf32> to vector<1x16xf32>
        tpu.vector_store %arg9[%swap3A_141, %swap3A_142], %swap3A_145 {strides = array<i32>} : memref<80x128xf32, #tpu.memory_space<vmem>>, vector<1x16xf32>,
        %get3A_146 = arith.index_cast %scan3A_78 : i32 to index
        %get3A_147 = arith.constant 48 : index
        %get3A_148 = tpu.vector_load %arg9[%get3A_146, %get3A_147] {strides = array<i32>} : memref<80x128xf32, #tpu.memory_space<vmem>>, vector<1x16xf32>,
        %get3A_149 = vector.shape_cast %get3A_148 : vector<1x16xf32> to vector<16xf32>
        %neg3A_150 = arith.constant 0.000000e+00 : f32
        %neg3A_151 = vector.broadcast %neg3A_150 : f32 to vector<16xf32>
        %neg3A_152 = arith.subf %neg3A_151, %get3A_149 : vector<16xf32>
        %exp3A_153 = math.exp %neg3A_152 : vector<16xf32>
        %add3A_154 = arith.constant 1.000000e+00 : f32
        %add3A_155 = vector.broadcast %add3A_154 : f32 to vector<16xf32>
        %add3A_156 = arith.addf %add3A_155, %exp3A_153 : vector<16xf32>
        %div3A_157 = arith.constant 1.000000e+00 : f32
        %div3A_158 = vector.broadcast %div3A_157 : f32 to vector<16xf32>
        %div3A_159 = arith.divf %div3A_158, %add3A_156 : vector<16xf32>
        %get3A_160 = arith.index_cast %scan3A_78 : i32 to index
        %get3A_161 = arith.constant 48 : index
        %get3A_162 = tpu.vector_load %arg10[%get3A_160, %get3A_161] {strides = array<i32>} : memref<80x128xf32, #tpu.memory_space<vmem>>, vector<1x16xf32>,
        %get3A_163 = vector.shape_cast %get3A_162 : vector<1x16xf32> to vector<16xf32>
        %mul3A_164 = arith.mulf %div3A_159, %get3A_163 : vector<16xf32>
        %swap3A_165 = arith.index_cast %scan3A_78 : i32 to index
        %swap3A_166 = arith.constant 48 : index
        %swap3A_167 = tpu.vector_load %arg9[%swap3A_165, %swap3A_166] {strides = array<i32>} : memref<80x128xf32, #tpu.memory_space<vmem>>, vector<1x16xf32>,
        %swap3A_168 = vector.shape_cast %swap3A_167 : vector<1x16xf32> to vector<16xf32>
        %swap3A_169 = vector.shape_cast %mul3A_164 : vector<16xf32> to vector<1x16xf32>
        tpu.vector_store %arg9[%swap3A_165, %swap3A_166], %swap3A_169 {strides = array<i32>} : memref<80x128xf32, #tpu.memory_space<vmem>>, vector<1x16xf32>,
        %get3A_170 = arith.index_cast %scan3A_78 : i32 to index
        %get3A_171 = arith.constant 64 : index
        %get3A_172 = tpu.vector_load %arg9[%get3A_170, %get3A_171] {strides = array<i32>} : memref<80x128xf32, #tpu.memory_space<vmem>>, vector<1x16xf32>,
        %get3A_173 = vector.shape_cast %get3A_172 : vector<1x16xf32> to vector<16xf32>
        %neg3A_174 = arith.constant 0.000000e+00 : f32
        %neg3A_175 = vector.broadcast %neg3A_174 : f32 to vector<16xf32>
        %neg3A_176 = arith.subf %neg3A_175, %get3A_173 : vector<16xf32>
        %exp3A_177 = math.exp %neg3A_176 : vector<16xf32>
        %add3A_178 = arith.constant 1.000000e+00 : f32
        %add3A_179 = vector.broadcast %add3A_178 : f32 to vector<16xf32>
        %add3A_180 = arith.addf %add3A_179, %exp3A_177 : vector<16xf32>
        %div3A_181 = arith.constant 1.000000e+00 : f32
        %div3A_182 = vector.broadcast %div3A_181 : f32 to vector<16xf32>
        %div3A_183 = arith.divf %div3A_182, %add3A_180 : vector<16xf32>
        %get3A_184 = arith.index_cast %scan3A_78 : i32 to index
        %get3A_185 = arith.constant 64 : index
        %get3A_186 = tpu.vector_load %arg10[%get3A_184, %get3A_185] {strides = array<i32>} : memref<80x128xf32, #tpu.memory_space<vmem>>, vector<1x16xf32>,
        %get3A_187 = vector.shape_cast %get3A_186 : vector<1x16xf32> to vector<16xf32>
        %mul3A_188 = arith.mulf %div3A_183, %get3A_187 : vector<16xf32>
        %swap3A_189 = arith.index_cast %scan3A_78 : i32 to index
        %swap3A_190 = arith.constant 64 : index
        %swap3A_191 = tpu.vector_load %arg9[%swap3A_189, %swap3A_190] {strides = array<i32>} : memref<80x128xf32, #tpu.memory_space<vmem>>, vector<1x16xf32>,
        %swap3A_192 = vector.shape_cast %swap3A_191 : vector<1x16xf32> to vector<16xf32>
        %swap3A_193 = vector.shape_cast %mul3A_188 : vector<16xf32> to vector<1x16xf32>
        tpu.vector_store %arg9[%swap3A_189, %swap3A_190], %swap3A_193 {strides = array<i32>} : memref<80x128xf32, #tpu.memory_space<vmem>>, vector<1x16xf32>,
        %get3A_194 = arith.index_cast %scan3A_78 : i32 to index
        %get3A_195 = arith.constant 80 : index
        %get3A_196 = tpu.vector_load %arg9[%get3A_194, %get3A_195] {strides = array<i32>} : memref<80x128xf32, #tpu.memory_space<vmem>>, vector<1x16xf32>,
        %get3A_197 = vector.shape_cast %get3A_196 : vector<1x16xf32> to vector<16xf32>
        %neg3A_198 = arith.constant 0.000000e+00 : f32
        %neg3A_199 = vector.broadcast %neg3A_198 : f32 to vector<16xf32>
        %neg3A_200 = arith.subf %neg3A_199, %get3A_197 : vector<16xf32>
        %exp3A_201 = math.exp %neg3A_200 : vector<16xf32>
        %add3A_202 = arith.constant 1.000000e+00 : f32
        %add3A_203 = vector.broadcast %add3A_202 : f32 to vector<16xf32>
        %add3A_204 = arith.addf %add3A_203, %exp3A_201 : vector<16xf32>
        %div3A_205 = arith.constant 1.000000e+00 : f32
        %div3A_206 = vector.broadcast %div3A_205 : f32 to vector<16xf32>
        %div3A_207 = arith.divf %div3A_206, %add3A_204 : vector<16xf32>
        %get3A_208 = arith.index_cast %scan3A_78 : i32 to index
        %get3A_209 = arith.constant 80 : index
        %get3A_210 = tpu.vector_load %arg10[%get3A_208, %get3A_209] {strides = array<i32>} : memref<80x128xf32, #tpu.memory_space<vmem>>, vector<1x16xf32>,
        %get3A_211 = vector.shape_cast %get3A_210 : vector<1x16xf32> to vector<16xf32>
        %mul3A_212 = arith.mulf %div3A_207, %get3A_211 : vector<16xf32>
        %swap3A_213 = arith.index_cast %scan3A_78 : i32 to index
        %swap3A_214 = arith.constant 80 : index
        %swap3A_215 = tpu.vector_load %arg9[%swap3A_213, %swap3A_214] {strides = array<i32>} : memref<80x128xf32, #tpu.memory_space<vmem>>, vector<1x16xf32>,
        %swap3A_216 = vector.shape_cast %swap3A_215 : vector<1x16xf32> to vector<16xf32>
        %swap3A_217 = vector.shape_cast %mul3A_212 : vector<16xf32> to vector<1x16xf32>
        tpu.vector_store %arg9[%swap3A_213, %swap3A_214], %swap3A_217 {strides = array<i32>} : memref<80x128xf32, #tpu.memory_space<vmem>>, vector<1x16xf32>,
        %get3A_218 = arith.index_cast %scan3A_78 : i32 to index
        %get3A_219 = arith.constant 96 : index
        %get3A_220 = tpu.vector_load %arg9[%get3A_218, %get3A_219] {strides = array<i32>} : memref<80x128xf32, #tpu.memory_space<vmem>>, vector<1x16xf32>,
        %get3A_221 = vector.shape_cast %get3A_220 : vector<1x16xf32> to vector<16xf32>
        %neg3A_222 = arith.constant 0.000000e+00 : f32
        %neg3A_223 = vector.broadcast %neg3A_222 : f32 to vector<16xf32>
        %neg3A_224 = arith.subf %neg3A_223, %get3A_221 : vector<16xf32>
        %exp3A_225 = math.exp %neg3A_224 : vector<16xf32>
        %add3A_226 = arith.constant 1.000000e+00 : f32
        %add3A_227 = vector.broadcast %add3A_226 : f32 to vector<16xf32>
        %add3A_228 = arith.addf %add3A_227, %exp3A_225 : vector<16xf32>
        %div3A_229 = arith.constant 1.000000e+00 : f32
        %div3A_230 = vector.broadcast %div3A_229 : f32 to vector<16xf32>
        %div3A_231 = arith.divf %div3A_230, %add3A_228 : vector<16xf32>
        %get3A_232 = arith.index_cast %scan3A_78 : i32 to index
        %get3A_233 = arith.constant 96 : index
        %get3A_234 = tpu.vector_load %arg10[%get3A_232, %get3A_233] {strides = array<i32>} : memref<80x128xf32, #tpu.memory_space<vmem>>, vector<1x16xf32>,
        %get3A_235 = vector.shape_cast %get3A_234 : vector<1x16xf32> to vector<16xf32>
        %mul3A_236 = arith.mulf %div3A_231, %get3A_235 : vector<16xf32>
        %swap3A_237 = arith.index_cast %scan3A_78 : i32 to index
        %swap3A_238 = arith.constant 96 : index
        %swap3A_239 = tpu.vector_load %arg9[%swap3A_237, %swap3A_238] {strides = array<i32>} : memref<80x128xf32, #tpu.memory_space<vmem>>, vector<1x16xf32>,
        %swap3A_240 = vector.shape_cast %swap3A_239 : vector<1x16xf32> to vector<16xf32>
        %swap3A_241 = vector.shape_cast %mul3A_236 : vector<16xf32> to vector<1x16xf32>
        tpu.vector_store %arg9[%swap3A_237, %swap3A_238], %swap3A_241 {strides = array<i32>} : memref<80x128xf32, #tpu.memory_space<vmem>>, vector<1x16xf32>,
        %get3A_242 = arith.index_cast %scan3A_78 : i32 to index
        %get3A_243 = arith.constant 112 : index
        %get3A_244 = tpu.vector_load %arg9[%get3A_242, %get3A_243] {strides = array<i32>} : memref<80x128xf32, #tpu.memory_space<vmem>>, vector<1x16xf32>,
        %get3A_245 = vector.shape_cast %get3A_244 : vector<1x16xf32> to vector<16xf32>
        %neg3A_246 = arith.constant 0.000000e+00 : f32
        %neg3A_247 = vector.broadcast %neg3A_246 : f32 to vector<16xf32>
        %neg3A_248 = arith.subf %neg3A_247, %get3A_245 : vector<16xf32>
        %exp3A_249 = math.exp %neg3A_248 : vector<16xf32>
        %add3A_250 = arith.constant 1.000000e+00 : f32
        %add3A_251 = vector.broadcast %add3A_250 : f32 to vector<16xf32>
        %add3A_252 = arith.addf %add3A_251, %exp3A_249 : vector<16xf32>
        %div3A_253 = arith.constant 1.000000e+00 : f32
        %div3A_254 = vector.broadcast %div3A_253 : f32 to vector<16xf32>
        %div3A_255 = arith.divf %div3A_254, %add3A_252 : vector<16xf32>
        %get3A_256 = arith.index_cast %scan3A_78 : i32 to index
        %get3A_257 = arith.constant 112 : index
        %get3A_258 = tpu.vector_load %arg10[%get3A_256, %get3A_257] {strides = array<i32>} : memref<80x128xf32, #tpu.memory_space<vmem>>, vector<1x16xf32>,
        %get3A_259 = vector.shape_cast %get3A_258 : vector<1x16xf32> to vector<16xf32>
        %mul3A_260 = arith.mulf %div3A_255, %get3A_259 : vector<16xf32>
        %swap3A_261 = arith.index_cast %scan3A_78 : i32 to index
        %swap3A_262 = arith.constant 112 : index
        %swap3A_263 = tpu.vector_load %arg9[%swap3A_261, %swap3A_262] {strides = array<i32>} : memref<80x128xf32, #tpu.memory_space<vmem>>, vector<1x16xf32>,
        %swap3A_264 = vector.shape_cast %swap3A_263 : vector<1x16xf32> to vector<16xf32>
        %swap3A_265 = vector.shape_cast %mul3A_260 : vector<16xf32> to vector<1x16xf32>
        tpu.vector_store %arg9[%swap3A_261, %swap3A_262], %swap3A_265 {strides = array<i32>} : memref<80x128xf32, #tpu.memory_space<vmem>>, vector<1x16xf32>,
      }
      %scan3A_77 = arith.constant 80 : i32
      "tpu.region"() ({
        %run_scoped3A = tpu.sem_alloc : memref<!tpu.dma_semaphore, #tpu.memory_space<semaphore_mem>>
        %dma_start3A_78 = arith.constant 0 : i32
        %dma_start3A_79 = arith.constant 0 : i32
        %dma_start3A_80 = tpu.memref_slice %arg12[%dma_start3A_78, %dma_start3A_79] : memref<10240x128xf32, #tpu.memory_space<vmem_shared>> -> memref<10240x128xf32, #tpu.memory_space<vmem_shared>>
        tpu.enqueue_indirect_dma source(%arg9 : memref<80x128xf32, #tpu.memory_space<vmem>>) target(%dma_start3A_80 : memref<10240x128xf32, #tpu.memory_space<vmem_shared>>) offsets(%arg7 : memref<80xi32, #tpu.memory_space<vmem>>) semaphore(%run_scoped3A : memref<!tpu.dma_semaphore, #tpu.memory_space<semaphore_mem>>) {add = true}
        %dma_wait3A_81 = arith.constant 0 : i32
        %dma_wait3A_82 = arith.constant 0 : i32
        %dma_wait3A_83 = tpu.memref_slice %arg12[%dma_wait3A_81, %dma_wait3A_82] : memref<10240x128xf32, #tpu.memory_space<vmem_shared>> -> memref<10240x128xf32, #tpu.memory_space<vmem_shared>>
        tpu.wait_indirect_dma semaphore(%run_scoped3A : memref<!tpu.dma_semaphore, #tpu.memory_space<semaphore_mem>>) src(%arg9 : memref<80x128xf32, #tpu.memory_space<vmem>>) dst(%dma_wait3A_83 : memref<10240x128xf32, #tpu.memory_space<vmem_shared>>)
        tpu.yield
      }) : () -> ()
    }
    %scan3A_34 = arith.constant 125 : i32
    %barrier3A_35 = arith.constant 0 : index
    tpu.barrier barrier_id(%barrier3A_35)
    %mul3A_36 = arith.constant 640 : i32
    %mul3A_37 = arith.muli %arg1, %mul3A_36 : i32
    %add3A_38 = arith.constant 0 : i32
    %add3A_39 = arith.addi %mul3A_37, %add3A_38 : i32
    "tpu.region"() ({
      %run_scoped3A = tpu.sem_alloc : memref<!tpu.dma_semaphore, #tpu.memory_space<semaphore_mem>>
      %dma_start3A = arith.constant 0 : i32
      %dma_start3A_56 = tpu.memref_slice %arg6[%arg0, %add3A_39, %dma_start3A] : memref<2x10240x128xf32, #tpu.memory_space<hbm>> -> memref<1x128x128xf32, #tpu.memory_space<hbm>>
      %dma_start3A_57 = tpu.memref_squeeze %dma_start3A_56 : memref<1x128x128xf32, #tpu.memory_space<hbm>> -> memref<128x128xf32, #tpu.memory_space<hbm>>
      %dma_start3A_58 = arith.constant 0 : i32
      %dma_start3A_59 = tpu.memref_slice %arg12[%add3A_39, %dma_start3A_58] : memref<10240x128xf32, #tpu.memory_space<vmem_shared>> -> memref<128x128xf32, #tpu.memory_space<vmem_shared>>
      tpu.enqueue_dma source(%dma_start3A_59 : memref<128x128xf32, #tpu.memory_space<vmem_shared>>) target(%dma_start3A_57 : memref<128x128xf32, #tpu.memory_space<hbm>>) target_semaphore(%run_scoped3A : memref<!tpu.dma_semaphore, #tpu.memory_space<semaphore_mem>>)
      %dma_wait3A = arith.constant 0 : i32
      %dma_wait3A_60 = tpu.memref_slice %arg6[%arg0, %add3A_39, %dma_wait3A] : memref<2x10240x128xf32, #tpu.memory_space<hbm>> -> memref<1x128x128xf32, #tpu.memory_space<hbm>>
      %dma_wait3A_61 = tpu.memref_squeeze %dma_wait3A_60 : memref<1x128x128xf32, #tpu.memory_space<hbm>> -> memref<128x128xf32, #tpu.memory_space<hbm>>
      %dma_wait3A_62 = arith.constant 0 : i32
      %dma_wait3A_63 = tpu.memref_slice %arg12[%add3A_39, %dma_wait3A_62] : memref<10240x128xf32, #tpu.memory_space<vmem_shared>> -> memref<128x128xf32, #tpu.memory_space<vmem_shared>>
      tpu.wait_dma2 semaphore(%run_scoped3A : memref<!tpu.dma_semaphore, #tpu.memory_space<semaphore_mem>>) src(%dma_wait3A_63 : memref<128x128xf32, #tpu.memory_space<vmem_shared>>) dst(%dma_wait3A_61 : memref<128x128xf32, #tpu.memory_space<hbm>>)
      tpu.yield
    }) : () -> ()
    %mul3A_40 = arith.constant 640 : i32
    %mul3A_41 = arith.muli %arg1, %mul3A_40 : i32
    %add3A_42 = arith.constant 128 : i32
    %add3A_43 = arith.addi %mul3A_41, %add3A_42 : i32
    "tpu.region"() ({
      %run_scoped3A = tpu.sem_alloc : memref<!tpu.dma_semaphore, #tpu.memory_space<semaphore_mem>>
      %dma_start3A = arith.constant 0 : i32
      %dma_start3A_56 = tpu.memref_slice %arg6[%arg0, %add3A_43, %dma_start3A] : memref<2x10240x128xf32, #tpu.memory_space<hbm>> -> memref<1x128x128xf32, #tpu.memory_space<hbm>>
      %dma_start3A_57 = tpu.memref_squeeze %dma_start3A_56 : memref<1x128x128xf32, #tpu.memory_space<hbm>> -> memref<128x128xf32, #tpu.memory_space<hbm>>
      %dma_start3A_58 = arith.constant 0 : i32
      %dma_start3A_59 = tpu.memref_slice %arg12[%add3A_43, %dma_start3A_58] : memref<10240x128xf32, #tpu.memory_space<vmem_shared>> -> memref<128x128xf32, #tpu.memory_space<vmem_shared>>
      tpu.enqueue_dma source(%dma_start3A_59 : memref<128x128xf32, #tpu.memory_space<vmem_shared>>) target(%dma_start3A_57 : memref<128x128xf32, #tpu.memory_space<hbm>>) target_semaphore(%run_scoped3A : memref<!tpu.dma_semaphore, #tpu.memory_space<semaphore_mem>>)
      %dma_wait3A = arith.constant 0 : i32
      %dma_wait3A_60 = tpu.memref_slice %arg6[%arg0, %add3A_43, %dma_wait3A] : memref<2x10240x128xf32, #tpu.memory_space<hbm>> -> memref<1x128x128xf32, #tpu.memory_space<hbm>>
      %dma_wait3A_61 = tpu.memref_squeeze %dma_wait3A_60 : memref<1x128x128xf32, #tpu.memory_space<hbm>> -> memref<128x128xf32, #tpu.memory_space<hbm>>
      %dma_wait3A_62 = arith.constant 0 : i32
      %dma_wait3A_63 = tpu.memref_slice %arg12[%add3A_43, %dma_wait3A_62] : memref<10240x128xf32, #tpu.memory_space<vmem_shared>> -> memref<128x128xf32, #tpu.memory_space<vmem_shared>>
      tpu.wait_dma2 semaphore(%run_scoped3A : memref<!tpu.dma_semaphore, #tpu.memory_space<semaphore_mem>>) src(%dma_wait3A_63 : memref<128x128xf32, #tpu.memory_space<vmem_shared>>) dst(%dma_wait3A_61 : memref<128x128xf32, #tpu.memory_space<hbm>>)
      tpu.yield
    }) : () -> ()
    %mul3A_44 = arith.constant 640 : i32
    %mul3A_45 = arith.muli %arg1, %mul3A_44 : i32
    %add3A_46 = arith.constant 256 : i32
    %add3A_47 = arith.addi %mul3A_45, %add3A_46 : i32
    "tpu.region"() ({
      %run_scoped3A = tpu.sem_alloc : memref<!tpu.dma_semaphore, #tpu.memory_space<semaphore_mem>>
      %dma_start3A = arith.constant 0 : i32
      %dma_start3A_56 = tpu.memref_slice %arg6[%arg0, %add3A_47, %dma_start3A] : memref<2x10240x128xf32, #tpu.memory_space<hbm>> -> memref<1x128x128xf32, #tpu.memory_space<hbm>>
      %dma_start3A_57 = tpu.memref_squeeze %dma_start3A_56 : memref<1x128x128xf32, #tpu.memory_space<hbm>> -> memref<128x128xf32, #tpu.memory_space<hbm>>
      %dma_start3A_58 = arith.constant 0 : i32
      %dma_start3A_59 = tpu.memref_slice %arg12[%add3A_47, %dma_start3A_58] : memref<10240x128xf32, #tpu.memory_space<vmem_shared>> -> memref<128x128xf32, #tpu.memory_space<vmem_shared>>
      tpu.enqueue_dma source(%dma_start3A_59 : memref<128x128xf32, #tpu.memory_space<vmem_shared>>) target(%dma_start3A_57 : memref<128x128xf32, #tpu.memory_space<hbm>>) target_semaphore(%run_scoped3A : memref<!tpu.dma_semaphore, #tpu.memory_space<semaphore_mem>>)
      %dma_wait3A = arith.constant 0 : i32
      %dma_wait3A_60 = tpu.memref_slice %arg6[%arg0, %add3A_47, %dma_wait3A] : memref<2x10240x128xf32, #tpu.memory_space<hbm>> -> memref<1x128x128xf32, #tpu.memory_space<hbm>>
      %dma_wait3A_61 = tpu.memref_squeeze %dma_wait3A_60 : memref<1x128x128xf32, #tpu.memory_space<hbm>> -> memref<128x128xf32, #tpu.memory_space<hbm>>
      %dma_wait3A_62 = arith.constant 0 : i32
      %dma_wait3A_63 = tpu.memref_slice %arg12[%add3A_47, %dma_wait3A_62] : memref<10240x128xf32, #tpu.memory_space<vmem_shared>> -> memref<128x128xf32, #tpu.memory_space<vmem_shared>>
      tpu.wait_dma2 semaphore(%run_scoped3A : memref<!tpu.dma_semaphore, #tpu.memory_space<semaphore_mem>>) src(%dma_wait3A_63 : memref<128x128xf32, #tpu.memory_space<vmem_shared>>) dst(%dma_wait3A_61 : memref<128x128xf32, #tpu.memory_space<hbm>>)
      tpu.yield
    }) : () -> ()
    %mul3A_48 = arith.constant 640 : i32
    %mul3A_49 = arith.muli %arg1, %mul3A_48 : i32
    %add3A_50 = arith.constant 384 : i32
    %add3A_51 = arith.addi %mul3A_49, %add3A_50 : i32
    "tpu.region"() ({
      %run_scoped3A = tpu.sem_alloc : memref<!tpu.dma_semaphore, #tpu.memory_space<semaphore_mem>>
      %dma_start3A = arith.constant 0 : i32
      %dma_start3A_56 = tpu.memref_slice %arg6[%arg0, %add3A_51, %dma_start3A] : memref<2x10240x128xf32, #tpu.memory_space<hbm>> -> memref<1x128x128xf32, #tpu.memory_space<hbm>>
      %dma_start3A_57 = tpu.memref_squeeze %dma_start3A_56 : memref<1x128x128xf32, #tpu.memory_space<hbm>> -> memref<128x128xf32, #tpu.memory_space<hbm>>
      %dma_start3A_58 = arith.constant 0 : i32
      %dma_start3A_59 = tpu.memref_slice %arg12[%add3A_51, %dma_start3A_58] : memref<10240x128xf32, #tpu.memory_space<vmem_shared>> -> memref<128x128xf32, #tpu.memory_space<vmem_shared>>
      tpu.enqueue_dma source(%dma_start3A_59 : memref<128x128xf32, #tpu.memory_space<vmem_shared>>) target(%dma_start3A_57 : memref<128x128xf32, #tpu.memory_space<hbm>>) target_semaphore(%run_scoped3A : memref<!tpu.dma_semaphore, #tpu.memory_space<semaphore_mem>>)
      %dma_wait3A = arith.constant 0 : i32
      %dma_wait3A_60 = tpu.memref_slice %arg6[%arg0, %add3A_51, %dma_wait3A] : memref<2x10240x128xf32, #tpu.memory_space<hbm>> -> memref<1x128x128xf32, #tpu.memory_space<hbm>>
      %dma_wait3A_61 = tpu.memref_squeeze %dma_wait3A_60 : memref<1x128x128xf32, #tpu.memory_space<hbm>> -> memref<128x128xf32, #tpu.memory_space<hbm>>
      %dma_wait3A_62 = arith.constant 0 : i32
      %dma_wait3A_63 = tpu.memref_slice %arg12[%add3A_51, %dma_wait3A_62] : memref<10240x128xf32, #tpu.memory_space<vmem_shared>> -> memref<128x128xf32, #tpu.memory_space<vmem_shared>>
      tpu.wait_dma2 semaphore(%run_scoped3A : memref<!tpu.dma_semaphore, #tpu.memory_space<semaphore_mem>>) src(%dma_wait3A_63 : memref<128x128xf32, #tpu.memory_space<vmem_shared>>) dst(%dma_wait3A_61 : memref<128x128xf32, #tpu.memory_space<hbm>>)
      tpu.yield
    }) : () -> ()
    %mul3A_52 = arith.constant 640 : i32
    %mul3A_53 = arith.muli %arg1, %mul3A_52 : i32
    %add3A_54 = arith.constant 512 : i32
    %add3A_55 = arith.addi %mul3A_53, %add3A_54 : i32
    "tpu.region"() ({
      %run_scoped3A = tpu.sem_alloc : memref<!tpu.dma_semaphore, #tpu.memory_space<semaphore_mem>>
      %dma_start3A = arith.constant 0 : i32
      %dma_start3A_56 = tpu.memref_slice %arg6[%arg0, %add3A_55, %dma_start3A] : memref<2x10240x128xf32, #tpu.memory_space<hbm>> -> memref<1x128x128xf32, #tpu.memory_space<hbm>>
      %dma_start3A_57 = tpu.memref_squeeze %dma_start3A_56 : memref<1x128x128xf32, #tpu.memory_space<hbm>> -> memref<128x128xf32, #tpu.memory_space<hbm>>
      %dma_start3A_58 = arith.constant 0 : i32
      %dma_start3A_59 = tpu.memref_slice %arg12[%add3A_55, %dma_start3A_58] : memref<10240x128xf32, #tpu.memory_space<vmem_shared>> -> memref<128x128xf32, #tpu.memory_space<vmem_shared>>
      tpu.enqueue_dma source(%dma_start3A_59 : memref<128x128xf32, #tpu.memory_space<vmem_shared>>) target(%dma_start3A_57 : memref<128x128xf32, #tpu.memory_space<hbm>>) target_semaphore(%run_scoped3A : memref<!tpu.dma_semaphore, #tpu.memory_space<semaphore_mem>>)
      %dma_wait3A = arith.constant 0 : i32
      %dma_wait3A_60 = tpu.memref_slice %arg6[%arg0, %add3A_55, %dma_wait3A] : memref<2x10240x128xf32, #tpu.memory_space<hbm>> -> memref<1x128x128xf32, #tpu.memory_space<hbm>>
      %dma_wait3A_61 = tpu.memref_squeeze %dma_wait3A_60 : memref<1x128x128xf32, #tpu.memory_space<hbm>> -> memref<128x128xf32, #tpu.memory_space<hbm>>
      %dma_wait3A_62 = arith.constant 0 : i32
      %dma_wait3A_63 = tpu.memref_slice %arg12[%add3A_55, %dma_wait3A_62] : memref<10240x128xf32, #tpu.memory_space<vmem_shared>> -> memref<128x128xf32, #tpu.memory_space<vmem_shared>>
      tpu.wait_dma2 semaphore(%run_scoped3A : memref<!tpu.dma_semaphore, #tpu.memory_space<semaphore_mem>>) src(%dma_wait3A_63 : memref<128x128xf32, #tpu.memory_space<vmem_shared>>) dst(%dma_wait3A_61 : memref<128x128xf32, #tpu.memory_space<hbm>>)
      tpu.yield
    }) : () -> ()
    return
  }
}

module attributes {stable_mosaic.version = 14 : i64} {
  func.func @_mm_body(%arg0: i32, %arg1: memref<1000x128xf32, #tpu.memory_space<vmem>>, %arg2: memref<128x512xf32, #tpu.memory_space<vmem>>, %arg3: memref<1x512xf32, #tpu.memory_space<vmem>>, %arg4: memref<1000x512xf32, #tpu.memory_space<vmem>>) attributes {dimension_semantics = [#tpu.dimension_semantics<arbitrary>], iteration_bounds = array<i64: 10>, scalar_prefetch = 0 : i64, scratch_operands = 0 : i64, tpu.core_type = #tpu.core_type<tc>, window_params = [{transform_indices = @transform_0, window_bounds = array<i64: 1000, 128>}, {pipeline_mode = #tpu.pipeline_mode<synchronous>, transform_indices = @transform_1, window_bounds = array<i64: 128, 512>}, {pipeline_mode = #tpu.pipeline_mode<synchronous>, transform_indices = @transform_2, window_bounds = array<i64: 1, 512>}, {transform_indices = @transform_3, window_bounds = array<i64: 1000, 512>}]} {
    %get3A = arith.constant 0 : index
    %get3A_0 = arith.constant 0 : index
    %get3A_1 = vector.load %arg1[%get3A, %get3A_0] : memref<1000x128xf32, #tpu.memory_space<vmem>>, vector<1000x128xf32>
    %get3A_2 = arith.constant 0 : index
    %get3A_3 = arith.constant 0 : index
    %get3A_4 = vector.load %arg2[%get3A_2, %get3A_3] : memref<128x512xf32, #tpu.memory_space<vmem>>, vector<128x512xf32>
    %dot_general3A = arith.constant dense<0.000000e+00> : vector<1000x512xf32>
    %dot_general3A_5 = tpu.matmul %get3A_1, %get3A_4, %dot_general3A {dimension_numbers = #tpu.dot_dimension_numbers<[1], [0], [0], [1], [0, 0, 1, 1], [], []>, transpose_lhs_hint = false} : vector<1000x128xf32>, vector<128x512xf32>, vector<1000x512xf32> -> vector<1000x512xf32>
    %get3A_6 = arith.constant 0 : index
    %get3A_7 = arith.constant 0 : index
    %get3A_8 = vector.load %arg3[%get3A_6, %get3A_7] : memref<1x512xf32, #tpu.memory_space<vmem>>, vector<1x512xf32>
    %add3A = vector.broadcast %get3A_8 : vector<1x512xf32> to vector<1000x512xf32>
    %add3A_9 = arith.addf %dot_general3A_5, %add3A : vector<1000x512xf32>
    %swap3A = arith.constant 0 : index
    %swap3A_10 = arith.constant 0 : index
    %swap3A_11 = vector.load %arg4[%swap3A, %swap3A_10] : memref<1000x512xf32, #tpu.memory_space<vmem>>, vector<1000x512xf32>
    tpu.vector_store %arg4[%swap3A, %swap3A_10], %add3A_9 {strides = array<i32>} : memref<1000x512xf32, #tpu.memory_space<vmem>>, vector<1000x512xf32>,
    return
  }
  func.func @transform_0(%arg0: i32) -> (i32, i32) {
    %c0_i32 = arith.constant 0 : i32
    %c0_i32_0 = arith.constant 0 : i32
    return %arg0, %c0_i32 : i32, i32
  }
  func.func @transform_1(%arg0: i32) -> (i32, i32) {
    %c0_i32 = arith.constant 0 : i32
    %c0_i32_0 = arith.constant 0 : i32
    %c0_i32_1 = arith.constant 0 : i32
    return %c0_i32, %c0_i32_0 : i32, i32
  }
  func.func @transform_2(%arg0: i32) -> (i32, i32) {
    %c0_i32 = arith.constant 0 : i32
    %c0_i32_0 = arith.constant 0 : i32
    %c0_i32_1 = arith.constant 0 : i32
    return %c0_i32, %c0_i32_0 : i32, i32
  }
  func.func @transform_3(%arg0: i32) -> (i32, i32) {
    %c0_i32 = arith.constant 0 : i32
    %c0_i32_0 = arith.constant 0 : i32
    return %arg0, %c0_i32 : i32, i32
  }
}

module attributes {stable_mosaic.version = 14 : i64} {
  func.func @_mm_body(%arg0: i32, %arg1: memref<2000x128xf32, #tpu.memory_space<vmem>>, %arg2: memref<128x128xf32, #tpu.memory_space<vmem>>, %arg3: memref<1x128xf32, #tpu.memory_space<vmem>>, %arg4: memref<2000x128xf32, #tpu.memory_space<vmem>>) attributes {dimension_semantics = [#tpu.dimension_semantics<arbitrary>], iteration_bounds = array<i64: 160>, scalar_prefetch = 0 : i64, scratch_operands = 0 : i64, tpu.core_type = #tpu.core_type<tc>, window_params = [{transform_indices = @transform_0, window_bounds = array<i64: 2000, 128>}, {pipeline_mode = #tpu.pipeline_mode<synchronous>, transform_indices = @transform_1, window_bounds = array<i64: 128, 128>}, {pipeline_mode = #tpu.pipeline_mode<synchronous>, transform_indices = @transform_2, window_bounds = array<i64: 1, 128>}, {transform_indices = @transform_3, window_bounds = array<i64: 2000, 128>}]} {
    %get3A = arith.constant 0 : index
    %get3A_0 = arith.constant 0 : index
    %get3A_1 = vector.load %arg1[%get3A, %get3A_0] : memref<2000x128xf32, #tpu.memory_space<vmem>>, vector<2000x128xf32>
    %get3A_2 = arith.constant 0 : index
    %get3A_3 = arith.constant 0 : index
    %get3A_4 = vector.load %arg2[%get3A_2, %get3A_3] : memref<128x128xf32, #tpu.memory_space<vmem>>, vector<128x128xf32>
    %dot_general3A = arith.constant dense<0.000000e+00> : vector<2000x128xf32>
    %dot_general3A_5 = tpu.matmul %get3A_1, %get3A_4, %dot_general3A {dimension_numbers = #tpu.dot_dimension_numbers<[1], [0], [0], [1], [0, 0, 1, 1], [], []>, transpose_lhs_hint = false} : vector<2000x128xf32>, vector<128x128xf32>, vector<2000x128xf32> -> vector<2000x128xf32>
    %get3A_6 = arith.constant 0 : index
    %get3A_7 = arith.constant 0 : index
    %get3A_8 = vector.load %arg3[%get3A_6, %get3A_7] : memref<1x128xf32, #tpu.memory_space<vmem>>, vector<1x128xf32>
    %add3A = vector.broadcast %get3A_8 : vector<1x128xf32> to vector<2000x128xf32>
    %add3A_9 = arith.addf %dot_general3A_5, %add3A : vector<2000x128xf32>
    %swap3A = arith.constant 0 : index
    %swap3A_10 = arith.constant 0 : index
    %swap3A_11 = vector.load %arg4[%swap3A, %swap3A_10] : memref<2000x128xf32, #tpu.memory_space<vmem>>, vector<2000x128xf32>
    tpu.vector_store %arg4[%swap3A, %swap3A_10], %add3A_9 {strides = array<i32>} : memref<2000x128xf32, #tpu.memory_space<vmem>>, vector<2000x128xf32>,
    return
  }
  func.func @transform_0(%arg0: i32) -> (i32, i32) {
    %c0_i32 = arith.constant 0 : i32
    %c0_i32_0 = arith.constant 0 : i32
    return %arg0, %c0_i32 : i32, i32
  }
  func.func @transform_1(%arg0: i32) -> (i32, i32) {
    %c0_i32 = arith.constant 0 : i32
    %c0_i32_0 = arith.constant 0 : i32
    %c0_i32_1 = arith.constant 0 : i32
    return %c0_i32, %c0_i32_0 : i32, i32
  }
  func.func @transform_2(%arg0: i32) -> (i32, i32) {
    %c0_i32 = arith.constant 0 : i32
    %c0_i32_0 = arith.constant 0 : i32
    %c0_i32_1 = arith.constant 0 : i32
    return %c0_i32, %c0_i32_0 : i32, i32
  }
  func.func @transform_3(%arg0: i32) -> (i32, i32) {
    %c0_i32 = arith.constant 0 : i32
    %c0_i32_0 = arith.constant 0 : i32
    return %arg0, %c0_i32 : i32, i32
  }
}

module attributes {stable_mosaic.version = 14 : i64} {
  func.func @_bn1_body(%arg0: memref<32x16x16xf32, #tpu.memory_space<vmem>>, %arg1: memref<8x16xf32, #tpu.memory_space<vmem>>, %arg2: memref<8x16xf32, #tpu.memory_space<vmem>>, %arg3: memref<16x16xf32, #tpu.memory_space<vmem>>) attributes {dimension_semantics = [], scalar_prefetch = 0 : i64, scratch_operands = 0 : i64, tpu.core_type = #tpu.core_type<tc>} {
    %get3A = arith.constant 0 : index
    %get3A_0 = arith.constant 0 : index
    %get3A_1 = arith.constant 0 : index
    %get3A_2 = vector.load %arg0[%get3A, %get3A_0, %get3A_1] : memref<32x16x16xf32, #tpu.memory_space<vmem>>, vector<32x16x16xf32>
    %reduce_sum3A = arith.constant dense<0.000000e+00> : vector<16x16xf32>
    %reduce_sum3A_3 = vector.multi_reduction <add>, %get3A_2, %reduce_sum3A [0] : vector<32x16x16xf32> to vector<16x16xf32>
    %slice3A = vector.extract_strided_slice %reduce_sum3A_3 {offsets = [0, 0], sizes = [8, 16], strides = [1, 1]} : vector<16x16xf32> to vector<8x16xf32>
    %div3A = arith.constant 3.200000e+05 : f32
    %div3A_4 = vector.broadcast %div3A : f32 to vector<8x16xf32>
    %div3A_5 = arith.divf %slice3A, %div3A_4 : vector<8x16xf32>
    %slice3A_6 = vector.extract_strided_slice %reduce_sum3A_3 {offsets = [8, 0], sizes = [8, 16], strides = [1, 1]} : vector<16x16xf32> to vector<8x16xf32>
    %div3A_7 = arith.constant 3.200000e+05 : f32
    %div3A_8 = vector.broadcast %div3A_7 : f32 to vector<8x16xf32>
    %div3A_9 = arith.divf %slice3A_6, %div3A_8 : vector<8x16xf32>
    %mul3A = arith.mulf %div3A_5, %div3A_5 : vector<8x16xf32>
    %sub3A = arith.subf %div3A_9, %mul3A : vector<8x16xf32>
    %get3A_10 = arith.constant 0 : index
    %get3A_11 = arith.constant 0 : index
    %get3A_12 = vector.load %arg1[%get3A_10, %get3A_11] : memref<8x16xf32, #tpu.memory_space<vmem>>, vector<8x16xf32>
    %add3A = arith.constant 9.99999974E-6 : f32
    %add3A_13 = vector.broadcast %add3A : f32 to vector<8x16xf32>
    %add3A_14 = arith.addf %sub3A, %add3A_13 : vector<8x16xf32>
    %rsqrt3A = math.rsqrt %add3A_14 : vector<8x16xf32>
    %mul3A_15 = arith.mulf %get3A_12, %rsqrt3A : vector<8x16xf32>
    %get3A_16 = arith.constant 0 : index
    %get3A_17 = arith.constant 0 : index
    %get3A_18 = vector.load %arg2[%get3A_16, %get3A_17] : memref<8x16xf32, #tpu.memory_space<vmem>>, vector<8x16xf32>
    %mul3A_19 = arith.mulf %div3A_5, %mul3A_15 : vector<8x16xf32>
    %sub3A_20 = arith.subf %get3A_18, %mul3A_19 : vector<8x16xf32>
    %swap3A = arith.constant 0 : index
    %swap3A_21 = arith.constant 0 : index
    %swap3A_22 = vector.load %arg3[%swap3A, %swap3A_21] : memref<16x16xf32, #tpu.memory_space<vmem>>, vector<8x16xf32>
    tpu.vector_store %arg3[%swap3A, %swap3A_21], %mul3A_15 {strides = array<i32>} : memref<16x16xf32, #tpu.memory_space<vmem>>, vector<8x16xf32>,
    %swap3A_23 = arith.constant 8 : index
    %swap3A_24 = arith.constant 0 : index
    %swap3A_25 = vector.load %arg3[%swap3A_23, %swap3A_24] : memref<16x16xf32, #tpu.memory_space<vmem>>, vector<8x16xf32>
    tpu.vector_store %arg3[%swap3A_23, %swap3A_24], %sub3A_20 {strides = array<i32>} : memref<16x16xf32, #tpu.memory_space<vmem>>, vector<8x16xf32>,
    return
  }
}

module attributes {stable_mosaic.version = 14 : i64} {
  func.func @_post_body(%arg0: memref<10000x128xf32, #tpu.memory_space<vmem>>, %arg1: memref<10000x128xf32, #tpu.memory_space<vmem>>, %arg2: memref<2x10240x128xf32, #tpu.memory_space<vmem>>, %arg3: memref<2x10240x128xf32, #tpu.memory_space<vmem>>, %arg4: memref<1x128xf32, #tpu.memory_space<vmem>>, %arg5: memref<1x128xf32, #tpu.memory_space<vmem>>, %arg6: memref<10000x128xf32, #tpu.memory_space<vmem>>) attributes {dimension_semantics = [], scalar_prefetch = 0 : i64, scratch_operands = 0 : i64, tpu.core_type = #tpu.core_type<tc>} {
    %get3A = arith.constant 0 : index
    %get3A_0 = arith.constant 0 : index
    %get3A_1 = arith.constant 0 : index
    %get3A_2 = vector.load %arg2[%get3A, %get3A_0, %get3A_1] : memref<2x10240x128xf32, #tpu.memory_space<vmem>>, vector<1x10000x128xf32>
    %get3A_3 = vector.shape_cast %get3A_2 : vector<1x10000x128xf32> to vector<10000x128xf32>
    %get3A_4 = arith.constant 1 : index
    %get3A_5 = arith.constant 0 : index
    %get3A_6 = arith.constant 0 : index
    %get3A_7 = vector.load %arg2[%get3A_4, %get3A_5, %get3A_6] : memref<2x10240x128xf32, #tpu.memory_space<vmem>>, vector<1x10000x128xf32>
    %get3A_8 = vector.shape_cast %get3A_7 : vector<1x10000x128xf32> to vector<10000x128xf32>
    %add3A = arith.addf %get3A_3, %get3A_8 : vector<10000x128xf32>
    %add3A_9 = arith.constant 9.99999997E-7 : f32
    %add3A_10 = vector.broadcast %add3A_9 : f32 to vector<10000x128xf32>
    %add3A_11 = arith.addf %add3A, %add3A_10 : vector<10000x128xf32>
    %get3A_12 = arith.constant 0 : index
    %get3A_13 = arith.constant 0 : index
    %get3A_14 = arith.constant 0 : index
    %get3A_15 = vector.load %arg3[%get3A_12, %get3A_13, %get3A_14] : memref<2x10240x128xf32, #tpu.memory_space<vmem>>, vector<1x10000x128xf32>
    %get3A_16 = vector.shape_cast %get3A_15 : vector<1x10000x128xf32> to vector<10000x128xf32>
    %get3A_17 = arith.constant 1 : index
    %get3A_18 = arith.constant 0 : index
    %get3A_19 = arith.constant 0 : index
    %get3A_20 = vector.load %arg3[%get3A_17, %get3A_18, %get3A_19] : memref<2x10240x128xf32, #tpu.memory_space<vmem>>, vector<1x10000x128xf32>
    %get3A_21 = vector.shape_cast %get3A_20 : vector<1x10000x128xf32> to vector<10000x128xf32>
    %add3A_22 = arith.addf %get3A_16, %get3A_21 : vector<10000x128xf32>
    %get3A_23 = arith.constant 0 : index
    %get3A_24 = arith.constant 0 : index
    %get3A_25 = vector.load %arg1[%get3A_23, %get3A_24] : memref<10000x128xf32, #tpu.memory_space<vmem>>, vector<10000x128xf32>
    %div3A = arith.divf %add3A_22, %add3A_11 : vector<10000x128xf32>
    %add3A_26 = arith.addf %get3A_25, %div3A : vector<10000x128xf32>
    %reduce_sum3A = arith.constant dense<0.000000e+00> : vector<128xf32>
    %reduce_sum3A_27 = vector.multi_reduction <add>, %add3A_26, %reduce_sum3A [0] : vector<10000x128xf32> to vector<128xf32>
    %broadcast_in_dim3A = vector.shape_cast %reduce_sum3A_27 : vector<128xf32> to vector<1x128xf32>
    %div3A_28 = arith.constant 1.000000e+04 : f32
    %div3A_29 = vector.broadcast %div3A_28 : f32 to vector<1x128xf32>
    %div3A_30 = arith.divf %broadcast_in_dim3A, %div3A_29 : vector<1x128xf32>
    %mul3A = arith.mulf %add3A_26, %add3A_26 : vector<10000x128xf32>
    %reduce_sum3A_31 = arith.constant dense<0.000000e+00> : vector<128xf32>
    %reduce_sum3A_32 = vector.multi_reduction <add>, %mul3A, %reduce_sum3A_31 [0] : vector<10000x128xf32> to vector<128xf32>
    %broadcast_in_dim3A_33 = vector.shape_cast %reduce_sum3A_32 : vector<128xf32> to vector<1x128xf32>
    %div3A_34 = arith.constant 1.000000e+04 : f32
    %div3A_35 = vector.broadcast %div3A_34 : f32 to vector<1x128xf32>
    %div3A_36 = arith.divf %broadcast_in_dim3A_33, %div3A_35 : vector<1x128xf32>
    %mul3A_37 = arith.mulf %div3A_30, %div3A_30 : vector<1x128xf32>
    %sub3A = arith.subf %div3A_36, %mul3A_37 : vector<1x128xf32>
    %sub3A_38 = vector.broadcast %div3A_30 : vector<1x128xf32> to vector<10000x128xf32>
    %sub3A_39 = arith.subf %add3A_26, %sub3A_38 : vector<10000x128xf32>
    %add3A_40 = arith.constant 9.99999974E-6 : f32
    %add3A_41 = vector.broadcast %add3A_40 : f32 to vector<1x128xf32>
    %add3A_42 = arith.addf %sub3A, %add3A_41 : vector<1x128xf32>
    %rsqrt3A = math.rsqrt %add3A_42 : vector<1x128xf32>
    %mul3A_43 = vector.broadcast %rsqrt3A : vector<1x128xf32> to vector<10000x128xf32>
    %mul3A_44 = arith.mulf %sub3A_39, %mul3A_43 : vector<10000x128xf32>
    %get3A_45 = arith.constant 0 : index
    %get3A_46 = arith.constant 0 : index
    %get3A_47 = vector.load %arg4[%get3A_45, %get3A_46] : memref<1x128xf32, #tpu.memory_space<vmem>>, vector<1x128xf32>
    %mul3A_48 = vector.broadcast %get3A_47 : vector<1x128xf32> to vector<10000x128xf32>
    %mul3A_49 = arith.mulf %mul3A_44, %mul3A_48 : vector<10000x128xf32>
    %get3A_50 = arith.constant 0 : index
    %get3A_51 = arith.constant 0 : index
    %get3A_52 = vector.load %arg5[%get3A_50, %get3A_51] : memref<1x128xf32, #tpu.memory_space<vmem>>, vector<1x128xf32>
    %add3A_53 = vector.broadcast %get3A_52 : vector<1x128xf32> to vector<10000x128xf32>
    %add3A_54 = arith.addf %mul3A_49, %add3A_53 : vector<10000x128xf32>
    %get3A_55 = arith.constant 0 : index
    %get3A_56 = arith.constant 0 : index
    %get3A_57 = vector.load %arg0[%get3A_55, %get3A_56] : memref<10000x128xf32, #tpu.memory_space<vmem>>, vector<10000x128xf32>
    %neg3A = arith.constant 0.000000e+00 : f32
    %neg3A_58 = vector.broadcast %neg3A : f32 to vector<10000x128xf32>
    %neg3A_59 = arith.subf %neg3A_58, %add3A_54 : vector<10000x128xf32>
    %exp3A = math.exp %neg3A_59 : vector<10000x128xf32>
    %add3A_60 = arith.constant 1.000000e+00 : f32
    %add3A_61 = vector.broadcast %add3A_60 : f32 to vector<10000x128xf32>
    %add3A_62 = arith.addf %add3A_61, %exp3A : vector<10000x128xf32>
    %div3A_63 = arith.constant 1.000000e+00 : f32
    %div3A_64 = vector.broadcast %div3A_63 : f32 to vector<10000x128xf32>
    %div3A_65 = arith.divf %div3A_64, %add3A_62 : vector<10000x128xf32>
    %mul3A_66 = arith.mulf %add3A_54, %div3A_65 : vector<10000x128xf32>
    %add3A_67 = arith.addf %get3A_57, %mul3A_66 : vector<10000x128xf32>
    %swap3A = arith.constant 0 : index
    %swap3A_68 = arith.constant 0 : index
    %swap3A_69 = vector.load %arg6[%swap3A, %swap3A_68] : memref<10000x128xf32, #tpu.memory_space<vmem>>, vector<10000x128xf32>
    tpu.vector_store %arg6[%swap3A, %swap3A_68], %add3A_67 {strides = array<i32>} : memref<10000x128xf32, #tpu.memory_space<vmem>>, vector<10000x128xf32>,
    return
  }
}

</mosaic_0001>

<sc_bundles>
// kernel: kernel.12.cloned.1.call-start
scs
__scs_entry_jumppad:
0x0: {  	(pc) =	sbr.rel $0x88, $3  }
0x1: {  	(tag) =	ssettag $0x0;
	lr =	simm.s32 $0x1  }
0x2: {  	[smem:$0x3F94] =	sst lr;
	_ =	strace $0xD0000000  }
0x3: {  	_ = 	snop  }
0x4: {  	_ = 	snop  }
0x5: {  	_ = 	snop  }
0x6: {  	_ = 	snop  }
0x7: {  	_ = 	snop  }
__scs_overlays_trampoline_lowered:
0x8: {  	[smem:$0x3FA3] =	sst s0  }
0x9: {  	[smem:$0x3FA4] =	sst s1  }
0xa: {  	[smem:$0x3FA5] =	sst s2  }
0xb: {  	[smem:$0x3FA6] =	sst s3  }
0xc: {  	[smem:$0x3FA7] =	sst s4  }
0xd: {  	[smem:$0x3FA8] =	sst s5  }
0xe: {  	[smem:$0x3FA9] =	sst s6  }
0xf: {  	[smem:$0x3FAA] =	sst s7  }
0x10: {  	[smem:$0x3FAB] =	sst s8  }
0x11: {  	[smem:$0x3FAC] =	sst s9;
	s0 =	simm.s32 @!p0 $0x0  }
0x12: {  	s1 =	sld [smem:$0x3F92];
	s0 =	simm.s32 @p0 $0x1  }
0x13: {  	[smem:$0x3FAD] =	sst s0;
	s0 =	simm.s32 @!p1 $0x0  }
0x14: {  	s2 =	sld [smem:$0x3F91];
	s0 =	simm.s32 @p1 $0x1  }
0x15: {  	[smem:$0x3FAE] =	sst s0;
	s0 =	simm.s32 @!p2 $0x0  }
0x16: {  	s3 =	sld [smem:$0x3FDB];
	s0 =	simm.s32 @p2 $0x1  }
0x17: {  	s4 =	simm.s32 $0x1BF5;
	[smem:$0x3FB0] =	sst s0  }
0x18: {  	s0 =	sld [smem:$0x3F93];
	_ =	swait.ge [sflag:s4], $0x0  }
0x19: {  	s7 =	sld [smem:$0x3F94]  }
0x1a: {  	s8 =	sadd.s32 $0xFFFFE003, lr  }
0x1b: {  	s9 =	sadd.s32 $0xFFFFFEF7, lr;
	s5 =	simm.s32 $0xFFFFFFFF;
	p2 =	slt.u32 s8, $0xFFFFF086  }
0x1c: {  	p1 =	slt.u32 s9, $0xF7A;
	s5 =	simm.s32 @!p2 $0x0  }
0x1d: {  	s5 =	simm.s32 @p1 $0x1;
	p0 =	seq.s32 s7, s2  }
0x1e: {  	s7 =	smul.u32 @!p0 $0xF7A, s2;
	p2 =	seq.s32 @!p0 s5, $0x0  }
0x1f: {  	s9 =	smul.u32 $0xF7A, s1;
	s8 =	simm.s32 @!p0 $0x1BF5;
	p2 =	por !p2, p0  }
0x20: {  	[sflag:s8] =	ssyncset.s32 @!p0 $0xFFFFF086;
	s6 =	sadd.s32 @!p0 s3, s7;
	s7 =	simm.s32 @!p0 $0x108  }
0x21: {  	s3 =	sadd.s32 s3, s9;
	s6 =	sadd.s32 @!p0 $0x88, s6;
	s7 =	simm.s32 @p2 $0x1082  }
0x22: {  	[simem:s7], [sflag:s8] =	dma.local @!p0 [hbm:s6], $0xF7A  }
0x23: {  	s9 =	sor.u32 $0xD0000000, s2;
	s6 =	simm.s32 $0x108;
	_ =	swait.ge @!p0 [sflag:s8], $0x0  }
0x24: {  	s3 =	sadd.s32 $0x88, s3;
	s6 =	simm.s32 @!p1 $0x1082;
	[sflag:s4] =	ssyncset.s32 $0xFFFFF086  }
0x25: {  	[simem:s6], [sflag:s4] =	dma.local [hbm:s3], $0xF7A  }
0x26: {  	[smem:$0x3F94] =	sst s1;
	(tag) =	ssettag s2;
	_ =	strace s9  }
0x27: {  	s1 =	sld [smem:$0x3FA4]  }
0x28: {  	s2 =	sld [smem:$0x3FA5]  }
0x29: {  	s4 =	sld [smem:$0x3FA7]  }
0x2a: {  	p0 =	seq.s32 s5, $0x0;
	s5 =	sld [smem:$0x3FA8]  }
0x2b: {  	s6 =	sld [smem:$0x3FA9]  }
0x2c: {  	s7 =	sld [smem:$0x3FAA]  }
0x2d: {  	s3 =	simm.s32 $0x108;
	s8 =	sld [smem:$0x3FAB]  }
0x2e: {  	s3 =	simm.s32 @!p0 $0x1082;
	s9 =	sld [smem:$0x3FAC]  }
0x2f: {  	lr =	sadd.s32 s0, s3;
	s0 =	sld [smem:$0x3FA3]  }
0x30: {  	s3 =	sld [smem:$0x3FA6]  }
0x31: {  	[smem:$0x3FAF] =	sst s10  }
0x32: {  	s10 =	sld [smem:$0x3FAD];
	_ =	sdelay $0x3  }
0x33: {  	p0 =	seq.s32 s10, $0x1;
	s10 =	sld [smem:$0x3FAF];
	_ =	sdelay $0x3  }
0x34: {  	[smem:$0x3FAF] =	sst s10  }
0x35: {  	s10 =	sld [smem:$0x3FAE];
	_ =	sdelay $0x3  }
0x36: {  	p1 =	seq.s32 s10, $0x1;
	s10 =	sld [smem:$0x3FAF];
	_ =	sdelay $0x3  }
0x37: {  	[smem:$0x3FAF] =	sst s10  }
0x38: {  	s10 =	sld [smem:$0x3FB0]  }
0x39: {  	_ = 	snop;
	(pc) =	sbr.ind lr, $3  }
0x3a: {  	_ = 	snop  }
0x3b: {  	_ = 	snop  }
0x3c: {  	p2 =	seq.s32 s10, $0x1;
	s10 =	sld [smem:$0x3FAF]  }
0x3d: {  	_ =	shalt  }
0x3e: {  	_ =	shalt  }
0x3f: {  	_ =	shalt  }
0x40: {  	_ =	shalt  }
0x41: {  	_ =	shalt  }
0x42: {  	_ =	shalt  }
0x43: {  	_ =	shalt  }
0x44: {  	_ =	shalt  }
0x45: {  	_ =	shalt  }
0x46: {  	_ =	shalt  }
0x47: {  	_ =	shalt  }
0x48: {  	_ =	shalt  }
0x49: {  	_ =	shalt  }
0x4a: {  	_ =	shalt  }
0x4b: {  	_ =	shalt  }
0x4c: {  	_ =	shalt  }
0x4d: {  	_ =	shalt  }
0x4e: {  	_ =	shalt  }
0x4f: {  	_ =	shalt  }
0x50: {  	_ =	shalt  }
0x51: {  	_ =	shalt  }
0x52: {  	_ =	shalt  }
0x53: {  	_ =	shalt  }
0x54: {  	_ =	shalt  }
0x55: {  	_ =	shalt  }
0x56: {  	_ =	shalt  }
0x57: {  	_ =	shalt  }
0x58: {  	_ =	shalt  }
0x59: {  	_ =	shalt  }
0x5a: {  	_ =	shalt  }
0x5b: {  	_ =	shalt  }
0x5c: {  	_ =	shalt  }
0x5d: {  	_ =	shalt  }
0x5e: {  	_ =	shalt  }
0x5f: {  	_ =	shalt  }
0x60: {  	_ =	shalt  }
0x61: {  	_ =	shalt  }
0x62: {  	_ =	shalt  }
0x63: {  	_ =	shalt  }
0x64: {  	_ =	shalt  }
0x65: {  	_ =	shalt  }
0x66: {  	_ =	shalt  }
0x67: {  	_ =	shalt  }
0x68: {  	_ =	shalt  }
0x69: {  	_ =	shalt  }
0x6a: {  	_ =	shalt  }
0x6b: {  	_ =	shalt  }
0x6c: {  	_ =	shalt  }
0x6d: {  	_ =	shalt  }
0x6e: {  	_ =	shalt  }
0x6f: {  	_ =	shalt  }
0x70: {  	_ =	shalt  }
0x71: {  	_ =	shalt  }
0x72: {  	_ =	shalt  }
0x73: {  	_ =	shalt  }
0x74: {  	_ =	shalt  }
0x75: {  	_ =	shalt  }
0x76: {  	_ =	shalt  }
0x77: {  	_ =	shalt  }
0x78: {  	_ =	shalt  }
0x79: {  	_ =	shalt  }
0x7a: {  	_ =	shalt  }
0x7b: {  	_ =	shalt  }
0x7c: {  	_ =	shalt  }
0x7d: {  	_ =	shalt  }
0x7e: {  	_ =	shalt  }
0x7f: {  	_ =	shalt  }
0x80: {  	_ =	shalt  }
0x81: {  	_ =	shalt  }
0x82: {  	_ =	shalt  }
0x83: {  	_ =	shalt  }
0x84: {  	_ =	shalt  }
0x85: {  	_ =	shalt  }
0x86: {  	_ =	shalt  }
0x87: {  	_ =	shalt  }
.Lfunc_end0:
.L_simem_size_0:
called_computation.1_lowered:
.L_overlay_start_0:
0x88: {  	s2 =	sld [smem:$0x3FD9]  }
0x89: {  	s3 =	sld [smem:$0x3FFE];
	_ =	sdelay $0x1  }
0x8a: {  	s1 =	srdreg.scid  }
0x8b: {  	s0 =	sand.u32 $0x1, s1  }
0x8c: {  	s14 =	sshll.u32 s0, $0xA;
	s2 =	sadd.s32 s3, s2  }
0x8d: {  	s2 =	sadd.s32 s2, s14  }
0x8e: {  	[smem:$0x3FBB] =	sst s2  }
0x8f: {  	_ = 	snop  }
0x90: {  	s2 =	sld [smem:$0x3FD0];
	_ =	sdelay $0x2  }
0x91: {  	s15 =	simm.s32 $0xA;
	s4 =	simm.s32 $0x10  }
0x92: {  	[smem:s4], [sflag:s15] =	dma.local [hbm:s2], $0x1  }
0x93: {  	_ =	swait.eq [sflag:s15], $0x1  }
0x94: {  	[sflag:s15] =	ssyncset.done $0x0  }
0x95: {  	[sflag:s15] =	ssyncadd.s32 $0xFFFFFFFF  }
0x96: {  	s16 =	sld [smem:$0x11];
	(tm) =	ssettm $0x1  }
0x97: {  	s17 =	sld [smem:$0x3FFB];
	_ =	sdelay $0x3  }
0x98: {  	_ =	strace s17  }
0x99: {  	s3 =	sld [smem:$0x3FFC];
	_ =	sdelay $0x3  }
0x9a: {  	_ =	strace s3  }
0x9b: {  	s3 =	sld [smem:$0x3FFD];
	_ =	sdelay $0x3  }
0x9c: {  	_ =	strace s3  }
0x9d: {  	_ =	strace $0x8FFFFFFF  }
0x9e: {  	s18 =	sld [smem:$0x3FDB];
	_ =	sdelay $0x1  }
0x9f: {  	s19 =	simm.s32 $_scs_section_size  }
0xa0: {  	s5 =	simm.s32 $_size__tile_overlayer_lowered;
	s6 =	simm.s32 $_tile_overlayer_lowered  }
0xa1: {  	s22 =	simm.s32 $0x1BFF;
	s21 =	sshll.u32 s6, $0x1;
	s3 =	sadd.s32 s19, s18  }
0xa2: {  	s7 =	simm.s32 $0x0;
	s20 =	sshll.u32 s5, $0x1;
	s5 =	sadd.s32 s21, s3  }
0xa3: {  	[timem:s7], [sflag:s22] =	dma.local [hbm:s5], s20  }
0xa4: {  	_ =	swait.ge [sflag:s22], s20  }
0xa5: {  	s4 =	ssub.s32 $0x0, s20;
	[sflag:s22] =	ssyncset.done $0x0  }
0xa6: {  	[sflag:s22] =	ssyncadd.s32 s4;
	_ =	sdelay $0x1  }
0xa7: {  	s23 =	simm.s32 $0x1B8B  }
0xa8: {  	_ =	swait.ge [sflag:s23], $0x1  }
0xa9: {  	[sflag:s23] =	ssyncset.done $0x0  }
0xaa: {  	s25 =	simm.s32 $0x1B8E;
	s24 =	sld [smem:$0x3FFE];
	[sflag:s23] =	ssyncadd.s32 $0xFFFFFFFF  }
0xab: {  	s26 =	simm.s32 $execute0_lowered;
	[smem:$0x3FD2] =	sst s25  }
0xac: {  	s5 =	sshll.u32 s26, $0x1;
	_ =	strace $0x80000049;
	[dreg:$0x1] =	wrdreg $0xFFFFFFFF  }
0xad: {  	s28 =	simm.s32 $_size_execute0_lowered;
	s3 =	sadd.s32 s3, s5;
	[dreg:$0x0] =	wrdreg $0x0  }
0xae: {  	s5 =	sshll.u32 s28, $0x1;
	[dreg:$0x2] =	wrdreg s3  }
0xaf: {  	[dreg:$0x3] =	wrdreg s5  }
0xb0: {  	[dreg:$0x4] =	wrdreg $0xC0  }
0xb1: {  	_ =	task [dreg:s7], $0x5FFFF  }
0xb2: {  	[dreg:$0x1] =	wrdreg $0xFFFFFFFF  }
0xb3: {  	[dreg:$0x0] =	wrdreg $0x60  }
0xb4: {  	[dreg:$0x2] =	wrdreg s24  }
0xb5: {  	[dreg:$0x3] =	wrdreg s16  }
0xb6: {  	[dreg:$0x4] =	wrdreg $0x91800  }
0xb7: {  	[dreg:$0x5] =	wrdreg $0x9  }
0xb8: {  	_ =	task.clear_ibuf [dreg:s7], $0x6FFFF;
	_ =	strace $0x90000049  }
0xb9: {  	s29 =	simm.s32 $0x9;
	_ =	strace $0x8000004B  }
0xba: {  	_ =	swait.ge [sflag:s29], $0x1  }
0xbb: {  	[sflag:s29] =	ssyncadd.s32 $0xFFFFFFFF  }
0xbc: {  	_ =	strace $0x9000004B  }
0xbd: {  	_ =	sfence  }
0xbe: {  	s30 =	sld [smem:$0x0];
	_ =	sdelay $0x2  }
0xbf: {  	s31 =	sshll.u32 s1, $0xD;
	s1 =	sshrl.u32 s1, $0x2  }
0xc0: {  	s3 =	sand.u32 $0x4000, s31;
	s1 =	sadd.s32 s1, s30  }
0xc1: {  	s0 =	sor.u32 s3, s0;
	s1 =	sshll.u32 s1, $0x11  }
0xc2: {  	s0 =	sor.u32 s1, s0  }
0xc3: {  	s0 =	sadd.s32 $0x8F2B, s0  }
0xc4: {  	[sflag:s0] =	ssyncadd.remote.s32 $0x1  }
0xc5: {  	_ =	sfence.sel $0xFFFF  }
0xc6: {  	[dreg:$0x0] =	wrdreg $0xFFFFFFFF;
	(pc) =	sbr.abs _section_cstart, $3  }
0xc7: {  	[dreg:$0x1] =	wrdreg $0xFFFFFFFF  }
0xc8: {  	_ =	task.clear_ibuf [dreg:s7], $0x2FFFF;
	_ =	strace $0x9FFFFFFF  }
0xc9: {  	(tm) =	ssettm $0x7FFFFFFF  }
tec
execute0_lowered:
.L_overlay_start_1:
0x0: {  	(tag) =	ssettag $0x1  }
0x1: {  	s0 =	rddreg [dreg:$0x0]  }
0x2: {  	s1 =	rddreg [dreg:$0x1]  }
0x3: {  	s2 =	rddreg [dreg:$0x2];
	s3 =	simm.s32 $0x0  }
0x4: {  	s8 =	srdreg.scid;
	s5 =	stileid.u32;
	s22 =	simm.s32 $0x5080  }
0x5: {  	s23 =	simm.s32 $0x80;
	s24 =	simm.s32 $0x50;
	s25 =	simm.s32 $0x2880  }
0x6: {  	s26 =	simm.s32 $0x0;
	[smem:$0x7FF] =	sst s3;
	s4 =	sadd.s32 $0x81A00, s0  }
0x7: {  	s6 =	sadd.s32 $0x8D800, s0;
	s7 =	sadd.s32 $0x8B800, s0;
	s11 =	smul.u32 $0x50000, s5  }
0x8: {  	s0 =	sadd.s32 $0x56F800, s0;
	s10 =	sand.u32 $0x1, s8;
	s13 =	smul.u32 $0x14000, s5  }
0x9: {  	_ =	strace $0x8000004A;
	s8 =	ssub.s32 $0x2, s10;
	s9 =	sshll.u32 s10, $0x4  }
0xa: {  	s16 =	smul.u32 $0x140000, s10;
	s12 =	sshrl.u32 s8, $0x1;
	s9 =	sor.u32 s5, s9  }
0xb: {  	s29 =	sshrl.u32 s11, $0x2;
	s14 =	sadd.s32 $0x4000, s13;
	s17 =	sadd.s32 $0x8000, s13  }
0xc: {  	s18 =	sadd.s32 $0xC000, s13;
	s20 =	sadd.s32 $0x10000, s13;
	s19 =	ssub.s32 s8, s12  }
0xd: {  	s8 =	smul.u32 $0x2710, s9;
	s9 =	sadd.s32 s29, s2;
	s10 =	sadd.s32 s14, s2  }
0xe: {  	s11 =	sadd.s32 s17, s2;
	s12 =	sadd.s32 s18, s2;
	s15 =	sadd.s32 s13, s16  }
0xf: {  	s21 =	sadd.s32 s16, s14;
	s13 =	sadd.s32 s20, s2;
	s17 =	sadd.s32 s16, s17  }
0x10: {  	s18 =	sadd.s32 s16, s18;
	s20 =	sadd.s32 s16, s20;
	s15 =	sshrl.u32 s15, $0x3  }
0x11: {  	s30 =	sshrl.u32 s21, $0x3;
	s17 =	sshrl.u32 s17, $0x3;
	s18 =	sshrl.u32 s18, $0x3  }
0x12: {  	s31 =	sshrl.u32 s20, $0x3;
	s19 =	smax.u32 s19, $0x1;
	s20 =	simm.s32 $0x5180  }
0x13: {  	s21 =	simm.s32 $0x1;
	s14 =	sadd.s32 s0, s15;
	s15 =	sadd.s32 s0, s30  }
0x14: {  	v0 =	vimm.f32 $0.0e+00;
	s16 =	sadd.s32 s0, s17;
	s17 =	sadd.s32 s0, s18;
	s18 =	sadd.s32 s0, s31  }
.LBB2_1:
0x15: {  	s0 =	simm.s32 $0x0;
	s28 =	simm.s32 $0x200  }
.LBB2_2:
0x16: {  	p0 =	sne.s32 s28, $0xFE00;
	[tilespmem:s0+$0x51F0] =	vst v0  }
0x17: {  	[tilespmem:s0+$0x5180] =	vst v0  }
0x18: {  	[tilespmem:s0+$0x5190] =	vst v0  }
.Ltmp0:
0x19: {  	[tilespmem:s0+$0x51A0] =	vst v0;
	(pc) =	sbr.rel @p0 .LBB2_2-.Ltmp0, $4  }
0x1a: {  	[tilespmem:s0+$0x51B0] =	vst v0  }
0x1b: {  	[tilespmem:s0+$0x51C0] =	vst v0  }
0x1c: {  	[tilespmem:s0+$0x51D0] =	vst v0  }
0x1d: {  	[tilespmem:s0+$0x51E0] =	vst v0;
	s0 =	sshra.s32 s28, $0x2;
	s28 =	sadd.s32 $0x200, s28  }
0x1e: {  	[tilespmem:s0+$0x51F0] =	vst v0  }
0x1f: {  	[tilespmem:s0+$0x5180] =	vst v0  }
0x20: {  	[tilespmem:s0+$0x5190] =	vst v0  }
0x21: {  	[tilespmem:s0+$0x51A0] =	vst v0  }
0x22: {  	[tilespmem:s0+$0x51B0] =	vst v0  }
0x23: {  	[tilespmem:s0+$0x51C0] =	vst v0  }
0x24: {  	[tilespmem:s0+$0x51D0] =	vst v0  }
0x25: {  	[tilespmem:s0+$0x51E0] =	vst v0  }
0x26: {  	[spmem:s9] =	stream.linear.scatter [tilespmem:s20], [sflag:$0x1], $0x4000, $0x38;
	[tilespmem:$0x1D180] =	vst v63  }
0x27: {  	_ =	swait.ge [sflag:s21], $0x4000  }
0x28: {  	[sflag:s21] =	ssyncset.done $0x0  }
0x29: {  	[sflag:s21] =	ssyncadd.s32 $0xFFFFC000  }
0x2a: {  	[spmem:s10] =	stream.linear.scatter [tilespmem:s20], [sflag:$0x1], $0x4000, $0x38;
	[tilespmem:$0x1D180] =	vst v63  }
0x2b: {  	_ =	swait.ge [sflag:s21], $0x4000  }
0x2c: {  	[sflag:s21] =	ssyncset.done $0x0  }
0x2d: {  	[sflag:s21] =	ssyncadd.s32 $0xFFFFC000  }
0x2e: {  	[spmem:s11] =	stream.linear.scatter [tilespmem:s20], [sflag:$0x1], $0x4000, $0x38;
	[tilespmem:$0x1D180] =	vst v63  }
0x2f: {  	_ =	swait.ge [sflag:s21], $0x4000  }
0x30: {  	[sflag:s21] =	ssyncset.done $0x0  }
0x31: {  	[sflag:s21] =	ssyncadd.s32 $0xFFFFC000  }
0x32: {  	[spmem:s12] =	stream.linear.scatter [tilespmem:s20], [sflag:$0x1], $0x4000, $0x38;
	[tilespmem:$0x1D180] =	vst v63  }
0x33: {  	_ =	swait.ge [sflag:s21], $0x4000  }
0x34: {  	[sflag:s21] =	ssyncset.done $0x0  }
0x35: {  	[sflag:s21] =	ssyncadd.s32 $0xFFFFC000  }
0x36: {  	[spmem:s13] =	stream.linear.scatter [tilespmem:s20], [sflag:$0x1], $0x4000, $0x38;
	[tilespmem:$0x1D180] =	vst v63  }
0x37: {  	_ =	swait.ge [sflag:s21], $0x4000  }
0x38: {  	[sflag:s21] =	ssyncset.done $0x0  }
0x39: {  	s28 =	simm.s32 $0x0;
	[sflag:s21] =	ssyncadd.s32 $0xFFFFC000  }
0x3a: {  	[tilespmem:s22], [sflag:$0x1] =	stream.linear.gather [hbm4b:s7+s28], $0x100, $0x38;
	[tilespmem:$0x1D180] =	vst v63  }
0x3b: {  	_ =	swait.ge [sflag:s21], $0x100  }
0x3c: {  	[sflag:s21] =	ssyncset.done $0x0  }
0x3d: {  	[sflag:s21] =	ssyncadd.s32 $0xFFFFFF00  }
0x3e: {  	s29 =	simm.s32 $0x0;
	[bflag:$0x0] =	sbarrier.arrive $0xFFFF  }
.LBB2_4:
0x3f: {  	s0 =	smul.u32 $0x50, s29;
	_ =	sdelay $0x1  }
0x40: {  	s0 =	sadd.s32 s8, s0  }
0x41: {  	s30 =	sshrl.u32 s0, $0x3  }
0x42: {  	s30 =	sadd.s32 s4, s30  }
0x43: {  	[tilespmem:s28], [sflag:$0x1] =	stream.linear.gather [hbm4b:s30+s28], $0x50, $0x38;
	[tilespmem:$0x1D180] =	vst v63  }
0x44: {  	_ =	swait.ge [sflag:s21], $0x50  }
0x45: {  	s30 =	sshll.u32 s0, $0x4;
	[sflag:s21] =	ssyncset.done $0x0  }
0x46: {  	s0 =	sadd.s32 s6, s30;
	[sflag:s21] =	ssyncadd.s32 $0xFFFFFFB0  }
0x47: {  	[tilespmem:s23], [sflag:$0x1] =	stream.linear.gather [hbm4b:s0+s28], $0x2800, $0x38;
	[tilespmem:$0x1D180] =	vst v63  }
0x48: {  	_ =	swait.ge [sflag:s21], $0x2800  }
0x49: {  	[sflag:s21] =	ssyncset.done $0x0  }
0x4a: {  	s31 =	simm.s32 $0x0;
	[sflag:s21] =	ssyncadd.s32 $0xFFFFD800  }
.LBB2_5:
0x4b: {  	s0 =	sshra.s32 s31, $0x2;
	v2 =	vld [tilespmem:$0x5080]  }
0x4c: {  	v1 =	vld [tilespmem:s0+$0x80];
	_ =	sdelay $0x1  }
0x4d: {  	v3 =	vld [tilespmem:$0x5100];
	_ =	sdelay $0x2  }
0x4e: {  	v1 =	vmul.f32 v2, v1;
	_ =	sdelay $0x1  }
0x4f: {  	v1 =	vadd.f32 v3, v1;
	_ =	sdelay $0x1  }
0x50: {  	v2 =	vsub.f32 $0.0e+00, v1;
	_ =	sdelay $0x1  }
0x51: {  	v2 =	vmul.f32 $1.442695020e+00, v2;
	_ =	sdelay $0x1  }
0x52: {  	(erf) = vpow2.f32 v2;
	_ =	sdelay $0x8  }
0x53: {  	v2 =	vpop (erf)  }
0x54: {  	v2 =	vadd.f32 $1.000000000e+00, v2;
	_ =	sdelay $0x1  }
0x55: {  	(erf) = vrcp.f32 v2;
	_ =	sdelay $0x8  }
0x56: {  	v2 =	vpop (erf)  }
0x57: {  	v1 =	vmul.f32 v2, v1;
	_ =	sdelay $0x1  }
0x58: {  	v2 =	vsub.f32 $0.0e+00, v1;
	_ =	sdelay $0x1  }
0x59: {  	v2 =	vmul.f32 $1.442695020e+00, v2;
	_ =	sdelay $0x1  }
0x5a: {  	(erf) = vpow2.f32 v2;
	_ =	sdelay $0x8  }
0x5b: {  	v2 =	vpop (erf)  }
0x5c: {  	v2 =	vadd.f32 $1.000000000e+00, v2;
	_ =	sdelay $0x1  }
0x5d: {  	(erf) = vrcp.f32 v2;
	_ =	sdelay $0x8  }
0x5e: {  	[tilespmem:s0+$0x80] =	vst v1;
	v1 =	vpop (erf)  }
0x5f: {  	[tilespmem:s0+$0x2880] =	vst v1;
	v1 =	vld [tilespmem:s0+$0x90]  }
0x60: {  	v2 =	vld [tilespmem:$0x5090];
	_ =	sdelay $0x1  }
0x61: {  	v3 =	vld [tilespmem:$0x5110];
	_ =	sdelay $0x2  }
0x62: {  	v1 =	vmul.f32 v2, v1;
	_ =	sdelay $0x1  }
0x63: {  	v1 =	vadd.f32 v3, v1;
	_ =	sdelay $0x1  }
0x64: {  	v2 =	vsub.f32 $0.0e+00, v1;
	_ =	sdelay $0x1  }
0x65: {  	v2 =	vmul.f32 $1.442695020e+00, v2;
	_ =	sdelay $0x1  }
0x66: {  	(erf) = vpow2.f32 v2;
	_ =	sdelay $0x8  }
0x67: {  	v2 =	vpop (erf)  }
0x68: {  	v2 =	vadd.f32 $1.000000000e+00, v2;
	_ =	sdelay $0x1  }
0x69: {  	(erf) = vrcp.f32 v2;
	_ =	sdelay $0x8  }
0x6a: {  	v2 =	vpop (erf)  }
0x6b: {  	v1 =	vmul.f32 v2, v1;
	_ =	sdelay $0x1  }
0x6c: {  	v2 =	vsub.f32 $0.0e+00, v1;
	_ =	sdelay $0x1  }
0x6d: {  	v2 =	vmul.f32 $1.442695020e+00, v2;
	_ =	sdelay $0x1  }
0x6e: {  	(erf) = vpow2.f32 v2;
	_ =	sdelay $0x8  }
0x6f: {  	v2 =	vpop (erf)  }
0x70: {  	v2 =	vadd.f32 $1.000000000e+00, v2;
	_ =	sdelay $0x1  }
0x71: {  	(erf) = vrcp.f32 v2;
	_ =	sdelay $0x8  }
0x72: {  	[tilespmem:s0+$0x90] =	vst v1;
	v1 =	vpop (erf)  }
0x73: {  	[tilespmem:s0+$0x2890] =	vst v1;
	v1 =	vld [tilespmem:s0+$0xA0]  }
0x74: {  	v2 =	vld [tilespmem:$0x50A0];
	_ =	sdelay $0x1  }
0x75: {  	v3 =	vld [tilespmem:$0x5120];
	_ =	sdelay $0x2  }
0x76: {  	v1 =	vmul.f32 v2, v1;
	_ =	sdelay $0x1  }
0x77: {  	v1 =	vadd.f32 v3, v1;
	_ =	sdelay $0x1  }
0x78: {  	v2 =	vsub.f32 $0.0e+00, v1;
	_ =	sdelay $0x1  }
0x79: {  	v2 =	vmul.f32 $1.442695020e+00, v2;
	_ =	sdelay $0x1  }
0x7a: {  	(erf) = vpow2.f32 v2;
	_ =	sdelay $0x8  }
0x7b: {  	v2 =	vpop (erf)  }
0x7c: {  	v2 =	vadd.f32 $1.000000000e+00, v2;
	_ =	sdelay $0x1  }
0x7d: {  	(erf) = vrcp.f32 v2;
	_ =	sdelay $0x8  }
0x7e: {  	v2 =	vpop (erf)  }
0x7f: {  	v1 =	vmul.f32 v2, v1;
	_ =	sdelay $0x1  }
0x80: {  	v2 =	vsub.f32 $0.0e+00, v1;
	_ =	sdelay $0x1  }
0x81: {  	v2 =	vmul.f32 $1.442695020e+00, v2;
	_ =	sdelay $0x1  }
0x82: {  	(erf) = vpow2.f32 v2;
	_ =	sdelay $0x8  }
0x83: {  	v2 =	vpop (erf)  }
0x84: {  	v2 =	vadd.f32 $1.000000000e+00, v2;
	_ =	sdelay $0x1  }
0x85: {  	(erf) = vrcp.f32 v2;
	_ =	sdelay $0x8  }
0x86: {  	[tilespmem:s0+$0xA0] =	vst v1;
	v1 =	vpop (erf)  }
0x87: {  	[tilespmem:s0+$0x28A0] =	vst v1;
	v1 =	vld [tilespmem:s0+$0xB0]  }
0x88: {  	v2 =	vld [tilespmem:$0x50B0];
	_ =	sdelay $0x1  }
0x89: {  	v3 =	vld [tilespmem:$0x5130];
	_ =	sdelay $0x2  }
0x8a: {  	v1 =	vmul.f32 v2, v1;
	_ =	sdelay $0x1  }
0x8b: {  	v1 =	vadd.f32 v3, v1;
	_ =	sdelay $0x1  }
0x8c: {  	v2 =	vsub.f32 $0.0e+00, v1;
	_ =	sdelay $0x1  }
0x8d: {  	v2 =	vmul.f32 $1.442695020e+00, v2;
	_ =	sdelay $0x1  }
0x8e: {  	(erf) = vpow2.f32 v2;
	_ =	sdelay $0x8  }
0x8f: {  	v2 =	vpop (erf)  }
0x90: {  	v2 =	vadd.f32 $1.000000000e+00, v2;
	_ =	sdelay $0x1  }
0x91: {  	(erf) = vrcp.f32 v2;
	_ =	sdelay $0x8  }
0x92: {  	v2 =	vpop (erf)  }
0x93: {  	v1 =	vmul.f32 v2, v1;
	_ =	sdelay $0x1  }
0x94: {  	v2 =	vsub.f32 $0.0e+00, v1;
	_ =	sdelay $0x1  }
0x95: {  	v2 =	vmul.f32 $1.442695020e+00, v2;
	_ =	sdelay $0x1  }
0x96: {  	(erf) = vpow2.f32 v2;
	_ =	sdelay $0x8  }
0x97: {  	v2 =	vpop (erf)  }
0x98: {  	v2 =	vadd.f32 $1.000000000e+00, v2;
	_ =	sdelay $0x1  }
0x99: {  	(erf) = vrcp.f32 v2;
	_ =	sdelay $0x8  }
0x9a: {  	[tilespmem:s0+$0xB0] =	vst v1;
	v1 =	vpop (erf)  }
0x9b: {  	[tilespmem:s0+$0x28B0] =	vst v1;
	v1 =	vld [tilespmem:s0+$0xC0]  }
0x9c: {  	v2 =	vld [tilespmem:$0x50C0];
	_ =	sdelay $0x1  }
0x9d: {  	v3 =	vld [tilespmem:$0x5140];
	_ =	sdelay $0x2  }
0x9e: {  	v1 =	vmul.f32 v2, v1;
	_ =	sdelay $0x1  }
0x9f: {  	v1 =	vadd.f32 v3, v1;
	_ =	sdelay $0x1  }
0xa0: {  	v2 =	vsub.f32 $0.0e+00, v1;
	_ =	sdelay $0x1  }
0xa1: {  	v2 =	vmul.f32 $1.442695020e+00, v2;
	_ =	sdelay $0x1  }
0xa2: {  	(erf) = vpow2.f32 v2;
	_ =	sdelay $0x8  }
0xa3: {  	v2 =	vpop (erf)  }
0xa4: {  	v2 =	vadd.f32 $1.000000000e+00, v2;
	_ =	sdelay $0x1  }
0xa5: {  	(erf) = vrcp.f32 v2;
	_ =	sdelay $0x8  }
0xa6: {  	v2 =	vpop (erf)  }
0xa7: {  	v1 =	vmul.f32 v2, v1;
	_ =	sdelay $0x1  }
0xa8: {  	v2 =	vsub.f32 $0.0e+00, v1;
	_ =	sdelay $0x1  }
0xa9: {  	v2 =	vmul.f32 $1.442695020e+00, v2;
	_ =	sdelay $0x1  }
0xaa: {  	(erf) = vpow2.f32 v2;
	_ =	sdelay $0x8  }
0xab: {  	v2 =	vpop (erf)  }
0xac: {  	v2 =	vadd.f32 $1.000000000e+00, v2;
	_ =	sdelay $0x1  }
0xad: {  	(erf) = vrcp.f32 v2;
	_ =	sdelay $0x8  }
0xae: {  	[tilespmem:s0+$0xC0] =	vst v1;
	v1 =	vpop (erf)  }
0xaf: {  	[tilespmem:s0+$0x28C0] =	vst v1;
	v1 =	vld [tilespmem:s0+$0xD0]  }
0xb0: {  	v2 =	vld [tilespmem:$0x50D0];
	_ =	sdelay $0x1  }
0xb1: {  	v3 =	vld [tilespmem:$0x5150];
	_ =	sdelay $0x2  }
0xb2: {  	v1 =	vmul.f32 v2, v1;
	_ =	sdelay $0x1  }
0xb3: {  	v1 =	vadd.f32 v3, v1;
	_ =	sdelay $0x1  }
0xb4: {  	v2 =	vsub.f32 $0.0e+00, v1;
	_ =	sdelay $0x1  }
0xb5: {  	v2 =	vmul.f32 $1.442695020e+00, v2;
	_ =	sdelay $0x1  }
0xb6: {  	(erf) = vpow2.f32 v2;
	_ =	sdelay $0x8  }
0xb7: {  	v2 =	vpop (erf)  }
0xb8: {  	v2 =	vadd.f32 $1.000000000e+00, v2;
	_ =	sdelay $0x1  }
0xb9: {  	(erf) = vrcp.f32 v2;
	_ =	sdelay $0x8  }
0xba: {  	v2 =	vpop (erf)  }
0xbb: {  	v1 =	vmul.f32 v2, v1;
	_ =	sdelay $0x1  }
0xbc: {  	v2 =	vsub.f32 $0.0e+00, v1;
	_ =	sdelay $0x1  }
0xbd: {  	v2 =	vmul.f32 $1.442695020e+00, v2;
	_ =	sdelay $0x1  }
0xbe: {  	(erf) = vpow2.f32 v2;
	_ =	sdelay $0x8  }
0xbf: {  	v2 =	vpop (erf)  }
0xc0: {  	v2 =	vadd.f32 $1.000000000e+00, v2;
	_ =	sdelay $0x1  }
0xc1: {  	(erf) = vrcp.f32 v2;
	_ =	sdelay $0x8  }
0xc2: {  	[tilespmem:s0+$0xD0] =	vst v1;
	v1 =	vpop (erf)  }
0xc3: {  	[tilespmem:s0+$0x28D0] =	vst v1;
	v1 =	vld [tilespmem:s0+$0xE0]  }
0xc4: {  	v2 =	vld [tilespmem:$0x50E0];
	_ =	sdelay $0x1  }
0xc5: {  	v3 =	vld [tilespmem:$0x5160];
	_ =	sdelay $0x2  }
0xc6: {  	v1 =	vmul.f32 v2, v1;
	_ =	sdelay $0x1  }
0xc7: {  	v1 =	vadd.f32 v3, v1;
	_ =	sdelay $0x1  }
0xc8: {  	v2 =	vsub.f32 $0.0e+00, v1;
	_ =	sdelay $0x1  }
0xc9: {  	v2 =	vmul.f32 $1.442695020e+00, v2;
	_ =	sdelay $0x1  }
0xca: {  	(erf) = vpow2.f32 v2;
	_ =	sdelay $0x8  }
0xcb: {  	v2 =	vpop (erf)  }
0xcc: {  	v2 =	vadd.f32 $1.000000000e+00, v2;
	_ =	sdelay $0x1  }
0xcd: {  	(erf) = vrcp.f32 v2;
	_ =	sdelay $0x8  }
0xce: {  	v2 =	vpop (erf)  }
0xcf: {  	v1 =	vmul.f32 v2, v1;
	_ =	sdelay $0x1  }
0xd0: {  	v2 =	vsub.f32 $0.0e+00, v1;
	_ =	sdelay $0x1  }
0xd1: {  	v2 =	vmul.f32 $1.442695020e+00, v2;
	_ =	sdelay $0x1  }
0xd2: {  	(erf) = vpow2.f32 v2;
	_ =	sdelay $0x8  }
0xd3: {  	v2 =	vpop (erf)  }
0xd4: {  	v2 =	vadd.f32 $1.000000000e+00, v2;
	_ =	sdelay $0x1  }
0xd5: {  	(erf) = vrcp.f32 v2;
	_ =	sdelay $0x8  }
0xd6: {  	[tilespmem:s0+$0xE0] =	vst v1;
	v1 =	vpop (erf)  }
0xd7: {  	[tilespmem:s0+$0x28E0] =	vst v1;
	v1 =	vld [tilespmem:s0+$0xF0]  }
0xd8: {  	v2 =	vld [tilespmem:$0x50F0];
	_ =	sdelay $0x1  }
0xd9: {  	v3 =	vld [tilespmem:$0x5170];
	_ =	sdelay $0x2  }
0xda: {  	v1 =	vmul.f32 v2, v1;
	_ =	sdelay $0x1  }
0xdb: {  	v1 =	vadd.f32 v3, v1;
	_ =	sdelay $0x1  }
0xdc: {  	v2 =	vsub.f32 $0.0e+00, v1;
	_ =	sdelay $0x1  }
0xdd: {  	v2 =	vmul.f32 $1.442695020e+00, v2;
	_ =	sdelay $0x1  }
0xde: {  	(erf) = vpow2.f32 v2;
	_ =	sdelay $0x8  }
0xdf: {  	v2 =	vpop (erf)  }
0xe0: {  	v2 =	vadd.f32 $1.000000000e+00, v2;
	_ =	sdelay $0x1  }
0xe1: {  	(erf) = vrcp.f32 v2;
	_ =	sdelay $0x8  }
0xe2: {  	v2 =	vpop (erf)  }
0xe3: {  	v1 =	vmul.f32 v2, v1;
	_ =	sdelay $0x1  }
0xe4: {  	v2 =	vsub.f32 $0.0e+00, v1;
	_ =	sdelay $0x1  }
0xe5: {  	v2 =	vmul.f32 $1.442695020e+00, v2;
	_ =	sdelay $0x1  }
0xe6: {  	(erf) = vpow2.f32 v2;
	_ =	sdelay $0x8  }
0xe7: {  	v2 =	vpop (erf)  }
0xe8: {  	v2 =	vadd.f32 $1.000000000e+00, v2;
	_ =	sdelay $0x1  }
0xe9: {  	(erf) = vrcp.f32 v2;
	_ =	sdelay $0x4  }
0xea: {  	p0 =	sne.s32 s31, $0x9E00  }
.Ltmp1:
0xeb: {  	_ = 	snop;
	(pc) =	sbr.rel @p0 .LBB2_5-.Ltmp1, $3  }
0xec: {  	_ =	sdelay $0x1  }
0xed: {  	[tilespmem:s0+$0xF0] =	vst v1;
	v1 =	vpop (erf)  }
0xee: {  	s31 =	sadd.s32 $0x200, s31;
	[tilespmem:s0+$0x28F0] =	vst v1  }
0xef: {  	s0 =	sadd.s32 s1, s30  }
0xf0: {  	[hbm4b:s0+s3] =	stream.linear.scatter [tilespmem:s23], [sflag:$0x1], $0x2800, $0x38;
	[tilespmem:$0x1D180] =	vst v63  }
0xf1: {  	s29 =	sadd.s32 $0x1, s29;
	_ =	swait.ge [sflag:s21], $0x2800  }
0xf2: {  	p0 =	sne.s32 s29, $0x7D;
	[sflag:s21] =	ssyncset.done $0x0  }
.Ltmp2:
0xf3: {  	[sflag:s21] =	ssyncadd.s32 $0xFFFFD800;
	(pc) =	sbr.rel @p0 .LBB2_4-.Ltmp2, $4  }
0xf4: {  	[spmem:s2] =	stream.indirect.scatter.add.f32 [tilespmem:s25], [sflag:$0x1], $0x80, s3, s24, $0xb8;
	[tilespmem:$0x1D180] =	vst v63  }
0xf5: {  	_ =	swait.ge [sflag:s21], $0x2800  }
0xf6: {  	[sflag:s21] =	ssyncset.done $0x0  }
0xf7: {  	[sflag:s21] =	ssyncadd.s32 $0xFFFFD800  }
0xf8: {  	s0 =	sshll.u32 s5, $0x6  }
0xf9: {  	[bflag:$0x0] =	sbarrier.arrive $0xFFFF;
	s28 =	sshrl.u32 s9, $0x3;
	s0 =	sor.u32 $0x1C01, s0  }
0xfa: {  	[hbm:s14], [sflag:s0] =	dma.local [spmem:s28], $0x800  }
0xfb: {  	_ =	swait.ge [sflag:s21], $0x800  }
0xfc: {  	[sflag:s21] =	ssyncset.done $0x0  }
0xfd: {  	s31 =	sshrl.u32 s10, $0x3;
	[sflag:s21] =	ssyncadd.s32 $0xFFFFF800  }
0xfe: {  	[hbm:s15], [sflag:s0] =	dma.local [spmem:s31], $0x800  }
0xff: {  	_ =	swait.ge [sflag:s21], $0x800  }
0x100: {  	[sflag:s21] =	ssyncset.done $0x0  }
0x101: {  	s29 =	sshrl.u32 s11, $0x3;
	[sflag:s21] =	ssyncadd.s32 $0xFFFFF800  }
0x102: {  	[hbm:s16], [sflag:s0] =	dma.local [spmem:s29], $0x800  }
0x103: {  	_ =	swait.ge [sflag:s21], $0x800  }
0x104: {  	[sflag:s21] =	ssyncset.done $0x0  }
0x105: {  	s30 =	sshrl.u32 s12, $0x3;
	[sflag:s21] =	ssyncadd.s32 $0xFFFFF800  }
0x106: {  	[hbm:s17], [sflag:s0] =	dma.local [spmem:s30], $0x800  }
0x107: {  	s26 =	sadd.s32 $0x1, s26;
	_ =	swait.ge [sflag:s21], $0x800  }
0x108: {  	p0 =	sne.s32 s26, s19;
	[sflag:s21] =	ssyncset.done $0x0  }
.Ltmp3:
0x109: {  	s31 =	sshrl.u32 s13, $0x3;
	[sflag:s21] =	ssyncadd.s32 $0xFFFFF800;
	(pc) =	sbr.rel @p0 .LBB2_1-.Ltmp3, $4  }
0x10a: {  	[hbm:s18], [sflag:s0] =	dma.local [spmem:s31], $0x800  }
0x10b: {  	_ =	swait.ge [sflag:s21], $0x800  }
0x10c: {  	[sflag:s21] =	ssyncset.done $0x0  }
0x10d: {  	[sflag:s21] =	ssyncadd.s32 $0xFFFFF800  }
0x10e: {  	_ =	sfence.sel $0x180000  }
0x10f: {  	[bflag:$0x0] =	sbarrier.arrive $0xFFFF  }
0x110: {  	_ =	strace $0x9000004A  }
0x111: {  	[bflag:$0x2] =	sbarrier.arrive $0xFFFF  }
0x112: {  	p0 =	sne.s32 s5, $0x0;
	s0 =	rddreg [dreg:$0x3]  }
0x113: {  	s0 =	sadd.s32 @!p0 $0x100000, s0  }
0x114: {  	[sflag:s0] =	ssyncadd.tile.s32 @!p0 $0x1;
	_ =	shalt  }
.Lfunc_end2:
_tile_overlayer_lowered:
.L_overlay_start_2:
0x115: {  	(tag) =	ssettag $0x2  }
0x116: {  	s0 =	rddreg [dreg:$0x0];
	s2 =	stileid.u32  }
0x117: {  	s1 =	rddreg [dreg:$0x1];
	p0 =	sne.s32 s2, $0x0  }
0x118: {  	s3 =	rddreg [dreg:$0x2];
	[bflag:$0x3] =	sbarrier.arrive $0xFFFF;
	s2 =	simm.s32 @!p0 $0x1C01  }
0x119: {  	[timem:s3], [sflag:s2] =	dma.local @!p0 [hbm:s0], s1  }
0x11a: {  	s0 =	simm.s32 @!p0 $0x1  }
0x11b: {  	_ =	swait.ge @!p0 [sflag:s0], s1  }
0x11c: {  	s1 =	ssub.s32 @!p0 $0x0, s1;
	[sflag:s0] =	ssyncset.done @!p0 $0x0  }
0x11d: {  	[sflag:s0] =	ssyncadd.s32 @!p0 s1  }
0x11e: {  	[bflag:$0x3] =	sbarrier.arrive $0xFFFF  }
0x11f: {  	_ =	shalt  }

// kernel: kernel.15.cloned.1.call-start
scs
__scs_entry_jumppad:
0x0: {  	(pc) =	sbr.rel $0x88, $3  }
0x1: {  	(tag) =	ssettag $0x0;
	lr =	simm.s32 $0x1  }
0x2: {  	[smem:$0x3F94] =	sst lr;
	_ =	strace $0xD0000000  }
0x3: {  	_ = 	snop  }
0x4: {  	_ = 	snop  }
0x5: {  	_ = 	snop  }
0x6: {  	_ = 	snop  }
0x7: {  	_ = 	snop  }
__scs_overlays_trampoline_lowered:
0x8: {  	[smem:$0x3FA3] =	sst s0  }
0x9: {  	[smem:$0x3FA4] =	sst s1  }
0xa: {  	[smem:$0x3FA5] =	sst s2  }
0xb: {  	[smem:$0x3FA6] =	sst s3  }
0xc: {  	[smem:$0x3FA7] =	sst s4  }
0xd: {  	[smem:$0x3FA8] =	sst s5  }
0xe: {  	[smem:$0x3FA9] =	sst s6  }
0xf: {  	[smem:$0x3FAA] =	sst s7  }
0x10: {  	[smem:$0x3FAB] =	sst s8  }
0x11: {  	[smem:$0x3FAC] =	sst s9;
	s0 =	simm.s32 @!p0 $0x0  }
0x12: {  	s1 =	sld [smem:$0x3F92];
	s0 =	simm.s32 @p0 $0x1  }
0x13: {  	[smem:$0x3FAD] =	sst s0;
	s0 =	simm.s32 @!p1 $0x0  }
0x14: {  	s2 =	sld [smem:$0x3F91];
	s0 =	simm.s32 @p1 $0x1  }
0x15: {  	[smem:$0x3FAE] =	sst s0;
	s0 =	simm.s32 @!p2 $0x0  }
0x16: {  	s3 =	sld [smem:$0x3FDB];
	s0 =	simm.s32 @p2 $0x1  }
0x17: {  	s4 =	simm.s32 $0x1BF5;
	[smem:$0x3FB0] =	sst s0  }
0x18: {  	s0 =	sld [smem:$0x3F93];
	_ =	swait.ge [sflag:s4], $0x0  }
0x19: {  	s7 =	sld [smem:$0x3F94]  }
0x1a: {  	s8 =	sadd.s32 $0xFFFFE003, lr  }
0x1b: {  	s9 =	sadd.s32 $0xFFFFFEF7, lr;
	s5 =	simm.s32 $0xFFFFFFFF;
	p2 =	slt.u32 s8, $0xFFFFF086  }
0x1c: {  	p1 =	slt.u32 s9, $0xF7A;
	s5 =	simm.s32 @!p2 $0x0  }
0x1d: {  	s5 =	simm.s32 @p1 $0x1;
	p0 =	seq.s32 s7, s2  }
0x1e: {  	s7 =	smul.u32 @!p0 $0xF7A, s2;
	p2 =	seq.s32 @!p0 s5, $0x0  }
0x1f: {  	s9 =	smul.u32 $0xF7A, s1;
	s8 =	simm.s32 @!p0 $0x1BF5;
	p2 =	por !p2, p0  }
0x20: {  	[sflag:s8] =	ssyncset.s32 @!p0 $0xFFFFF086;
	s6 =	sadd.s32 @!p0 s3, s7;
	s7 =	simm.s32 @!p0 $0x108  }
0x21: {  	s3 =	sadd.s32 s3, s9;
	s6 =	sadd.s32 @!p0 $0x88, s6;
	s7 =	simm.s32 @p2 $0x1082  }
0x22: {  	[simem:s7], [sflag:s8] =	dma.local @!p0 [hbm:s6], $0xF7A  }
0x23: {  	s9 =	sor.u32 $0xD0000000, s2;
	s6 =	simm.s32 $0x108;
	_ =	swait.ge @!p0 [sflag:s8], $0x0  }
0x24: {  	s3 =	sadd.s32 $0x88, s3;
	s6 =	simm.s32 @!p1 $0x1082;
	[sflag:s4] =	ssyncset.s32 $0xFFFFF086  }
0x25: {  	[simem:s6], [sflag:s4] =	dma.local [hbm:s3], $0xF7A  }
0x26: {  	[smem:$0x3F94] =	sst s1;
	(tag) =	ssettag s2;
	_ =	strace s9  }
0x27: {  	s1 =	sld [smem:$0x3FA4]  }
0x28: {  	s2 =	sld [smem:$0x3FA5]  }
0x29: {  	s4 =	sld [smem:$0x3FA7]  }
0x2a: {  	p0 =	seq.s32 s5, $0x0;
	s5 =	sld [smem:$0x3FA8]  }
0x2b: {  	s6 =	sld [smem:$0x3FA9]  }
0x2c: {  	s7 =	sld [smem:$0x3FAA]  }
0x2d: {  	s3 =	simm.s32 $0x108;
	s8 =	sld [smem:$0x3FAB]  }
0x2e: {  	s3 =	simm.s32 @!p0 $0x1082;
	s9 =	sld [smem:$0x3FAC]  }
0x2f: {  	lr =	sadd.s32 s0, s3;
	s0 =	sld [smem:$0x3FA3]  }
0x30: {  	s3 =	sld [smem:$0x3FA6]  }
0x31: {  	[smem:$0x3FAF] =	sst s10  }
0x32: {  	s10 =	sld [smem:$0x3FAD];
	_ =	sdelay $0x3  }
0x33: {  	p0 =	seq.s32 s10, $0x1;
	s10 =	sld [smem:$0x3FAF];
	_ =	sdelay $0x3  }
0x34: {  	[smem:$0x3FAF] =	sst s10  }
0x35: {  	s10 =	sld [smem:$0x3FAE];
	_ =	sdelay $0x3  }
0x36: {  	p1 =	seq.s32 s10, $0x1;
	s10 =	sld [smem:$0x3FAF];
	_ =	sdelay $0x3  }
0x37: {  	[smem:$0x3FAF] =	sst s10  }
0x38: {  	s10 =	sld [smem:$0x3FB0]  }
0x39: {  	_ = 	snop;
	(pc) =	sbr.ind lr, $3  }
0x3a: {  	_ = 	snop  }
0x3b: {  	_ = 	snop  }
0x3c: {  	p2 =	seq.s32 s10, $0x1;
	s10 =	sld [smem:$0x3FAF]  }
0x3d: {  	_ =	shalt  }
0x3e: {  	_ =	shalt  }
0x3f: {  	_ =	shalt  }
0x40: {  	_ =	shalt  }
0x41: {  	_ =	shalt  }
0x42: {  	_ =	shalt  }
0x43: {  	_ =	shalt  }
0x44: {  	_ =	shalt  }
0x45: {  	_ =	shalt  }
0x46: {  	_ =	shalt  }
0x47: {  	_ =	shalt  }
0x48: {  	_ =	shalt  }
0x49: {  	_ =	shalt  }
0x4a: {  	_ =	shalt  }
0x4b: {  	_ =	shalt  }
0x4c: {  	_ =	shalt  }
0x4d: {  	_ =	shalt  }
0x4e: {  	_ =	shalt  }
0x4f: {  	_ =	shalt  }
0x50: {  	_ =	shalt  }
0x51: {  	_ =	shalt  }
0x52: {  	_ =	shalt  }
0x53: {  	_ =	shalt  }
0x54: {  	_ =	shalt  }
0x55: {  	_ =	shalt  }
0x56: {  	_ =	shalt  }
0x57: {  	_ =	shalt  }
0x58: {  	_ =	shalt  }
0x59: {  	_ =	shalt  }
0x5a: {  	_ =	shalt  }
0x5b: {  	_ =	shalt  }
0x5c: {  	_ =	shalt  }
0x5d: {  	_ =	shalt  }
0x5e: {  	_ =	shalt  }
0x5f: {  	_ =	shalt  }
0x60: {  	_ =	shalt  }
0x61: {  	_ =	shalt  }
0x62: {  	_ =	shalt  }
0x63: {  	_ =	shalt  }
0x64: {  	_ =	shalt  }
0x65: {  	_ =	shalt  }
0x66: {  	_ =	shalt  }
0x67: {  	_ =	shalt  }
0x68: {  	_ =	shalt  }
0x69: {  	_ =	shalt  }
0x6a: {  	_ =	shalt  }
0x6b: {  	_ =	shalt  }
0x6c: {  	_ =	shalt  }
0x6d: {  	_ =	shalt  }
0x6e: {  	_ =	shalt  }
0x6f: {  	_ =	shalt  }
0x70: {  	_ =	shalt  }
0x71: {  	_ =	shalt  }
0x72: {  	_ =	shalt  }
0x73: {  	_ =	shalt  }
0x74: {  	_ =	shalt  }
0x75: {  	_ =	shalt  }
0x76: {  	_ =	shalt  }
0x77: {  	_ =	shalt  }
0x78: {  	_ =	shalt  }
0x79: {  	_ =	shalt  }
0x7a: {  	_ =	shalt  }
0x7b: {  	_ =	shalt  }
0x7c: {  	_ =	shalt  }
0x7d: {  	_ =	shalt  }
0x7e: {  	_ =	shalt  }
0x7f: {  	_ =	shalt  }
0x80: {  	_ =	shalt  }
0x81: {  	_ =	shalt  }
0x82: {  	_ =	shalt  }
0x83: {  	_ =	shalt  }
0x84: {  	_ =	shalt  }
0x85: {  	_ =	shalt  }
0x86: {  	_ =	shalt  }
0x87: {  	_ =	shalt  }
.Lfunc_end0:
.L_simem_size_0:
called_computation.2_lowered:
.L_overlay_start_0:
0x88: {  	s2 =	sld [smem:$0x3FD9]  }
0x89: {  	s3 =	sld [smem:$0x3FFE];
	_ =	sdelay $0x1  }
0x8a: {  	s1 =	srdreg.scid  }
0x8b: {  	s0 =	sand.u32 $0x1, s1  }
0x8c: {  	s14 =	sshll.u32 s0, $0xA;
	s2 =	sadd.s32 s3, s2  }
0x8d: {  	s2 =	sadd.s32 s2, s14  }
0x8e: {  	[smem:$0x3FBB] =	sst s2  }
0x8f: {  	_ = 	snop  }
0x90: {  	s2 =	sld [smem:$0x3FD0];
	_ =	sdelay $0x2  }
0x91: {  	s15 =	simm.s32 $0xA;
	s4 =	simm.s32 $0x10  }
0x92: {  	[smem:s4], [sflag:s15] =	dma.local [hbm:s2], $0x1  }
0x93: {  	_ =	swait.eq [sflag:s15], $0x1  }
0x94: {  	[sflag:s15] =	ssyncset.done $0x0  }
0x95: {  	s16 =	sld [smem:$0x10];
	[sflag:s15] =	ssyncadd.s32 $0xFFFFFFFF  }
0x96: {  	s17 =	sld [smem:$0x11];
	(tm) =	ssettm $0x1  }
0x97: {  	s18 =	sld [smem:$0x3FFB];
	_ =	sdelay $0x3  }
0x98: {  	_ =	strace s18  }
0x99: {  	s4 =	sld [smem:$0x3FFC];
	_ =	sdelay $0x3  }
0x9a: {  	_ =	strace s4  }
0x9b: {  	s4 =	sld [smem:$0x3FFD];
	_ =	sdelay $0x3  }
0x9c: {  	_ =	strace s4  }
0x9d: {  	_ =	strace $0x8FFFFFFF  }
0x9e: {  	s19 =	sld [smem:$0x3FDB];
	_ =	sdelay $0x1  }
0x9f: {  	s5 =	simm.s32 $_scs_section_size  }
0xa0: {  	s6 =	simm.s32 $_size__tile_overlayer_lowered;
	s7 =	simm.s32 $_tile_overlayer_lowered  }
0xa1: {  	s22 =	simm.s32 $0x1BFF;
	s21 =	sshll.u32 s7, $0x1;
	s4 =	sadd.s32 s5, s19  }
0xa2: {  	s8 =	simm.s32 $0x0;
	s20 =	sshll.u32 s6, $0x1;
	s6 =	sadd.s32 s21, s4  }
0xa3: {  	[timem:s8], [sflag:s22] =	dma.local [hbm:s6], s20  }
0xa4: {  	_ =	swait.ge [sflag:s22], s20  }
0xa5: {  	s5 =	ssub.s32 $0x0, s20;
	[sflag:s22] =	ssyncset.done $0x0  }
0xa6: {  	[sflag:s22] =	ssyncadd.s32 s5;
	_ =	sdelay $0x1  }
0xa7: {  	s23 =	simm.s32 $0x1B8B  }
0xa8: {  	_ =	swait.ge [sflag:s23], $0x1  }
0xa9: {  	[sflag:s23] =	ssyncset.done $0x0  }
0xaa: {  	s25 =	simm.s32 $0x1B8E;
	s24 =	sld [smem:$0x3FFE];
	[sflag:s23] =	ssyncadd.s32 $0xFFFFFFFF  }
0xab: {  	s26 =	simm.s32 $execute0_lowered;
	[smem:$0x3FD2] =	sst s25  }
0xac: {  	s6 =	sshll.u32 s26, $0x1;
	_ =	strace $0x8000004C;
	[dreg:$0x1] =	wrdreg $0xFFFFFFFF  }
0xad: {  	s28 =	simm.s32 $_size_execute0_lowered;
	s4 =	sadd.s32 s4, s6;
	[dreg:$0x0] =	wrdreg $0x0  }
0xae: {  	s6 =	sshll.u32 s28, $0x1;
	[dreg:$0x2] =	wrdreg s4  }
0xaf: {  	[dreg:$0x3] =	wrdreg s6  }
0xb0: {  	[dreg:$0x4] =	wrdreg $0xC0  }
0xb1: {  	_ =	task [dreg:s8], $0x5FFFF  }
0xb2: {  	[dreg:$0x1] =	wrdreg $0xFFFFFFFF  }
0xb3: {  	[dreg:$0x0] =	wrdreg $0x60  }
0xb4: {  	[dreg:$0x2] =	wrdreg s24  }
0xb5: {  	[dreg:$0x3] =	wrdreg s17  }
0xb6: {  	[dreg:$0x4] =	wrdreg s16  }
0xb7: {  	[dreg:$0x5] =	wrdreg $0x91000  }
0xb8: {  	[dreg:$0x6] =	wrdreg $0x9  }
0xb9: {  	_ =	task.clear_ibuf [dreg:s8], $0x7FFFF;
	_ =	strace $0x9000004C  }
0xba: {  	s29 =	simm.s32 $0x9;
	_ =	strace $0x8000004E  }
0xbb: {  	_ =	swait.ge [sflag:s29], $0x1  }
0xbc: {  	[sflag:s29] =	ssyncadd.s32 $0xFFFFFFFF  }
0xbd: {  	_ =	strace $0x9000004E  }
0xbe: {  	_ =	sfence  }
0xbf: {  	s30 =	sld [smem:$0x0];
	_ =	sdelay $0x2  }
0xc0: {  	s31 =	sshll.u32 s1, $0xD;
	s1 =	sshrl.u32 s1, $0x2  }
0xc1: {  	s3 =	sand.u32 $0x4000, s31;
	s1 =	sadd.s32 s1, s30  }
0xc2: {  	s0 =	sor.u32 s3, s0;
	s1 =	sshll.u32 s1, $0x11  }
0xc3: {  	s0 =	sor.u32 s1, s0  }
0xc4: {  	s0 =	sadd.s32 $0x8F2B, s0  }
0xc5: {  	[sflag:s0] =	ssyncadd.remote.s32 $0x1  }
0xc6: {  	_ =	sfence.sel $0xFFFF  }
0xc7: {  	[dreg:$0x0] =	wrdreg $0xFFFFFFFF;
	(pc) =	sbr.abs _section_cstart, $3  }
0xc8: {  	[dreg:$0x1] =	wrdreg $0xFFFFFFFF  }
0xc9: {  	_ =	task.clear_ibuf [dreg:s8], $0x2FFFF;
	_ =	strace $0x9FFFFFFF  }
0xca: {  	(tm) =	ssettm $0x7FFFFFFF  }
0xcb: {  	_ =	shalt  }
tec
execute0_lowered:
.L_overlay_start_1:
0x0: {  	(tag) =	ssettag $0x1  }
0x1: {  	s0 =	rddreg [dreg:$0x0]  }
0x2: {  	s1 =	rddreg [dreg:$0x1]  }
0x3: {  	s2 =	rddreg [dreg:$0x2]  }
0x4: {  	s3 =	rddreg [dreg:$0x3];
	s4 =	simm.s32 $0x0  }
0x5: {  	s5 =	srdreg.scid;
	s12 =	stileid.u32;
	s21 =	simm.s32 $0x3  }
0x6: {  	s22 =	simm.s32 $0x80;
	s23 =	simm.s32 $0x100;
	s24 =	simm.s32 $0x50  }
0x7: {  	s25 =	simm.s32 $0x2900;
	s28 =	simm.s32 $0x2;
	s29 =	simm.s32 $0x0  }
0x8: {  	s30 =	simm.s32 $0x0;
	[smem:$0x7FF] =	sst s4;
	s6 =	sadd.s32 $0x81A00, s0  }
0x9: {  	s7 =	sadd.s32 $0x77C00, s0;
	s5 =	sand.u32 $0x1, s5;
	s9 =	smul.u32 $0x50000, s12  }
0xa: {  	s0 =	sadd.s32 $0x8B800, s0;
	s13 =	smul.u32 $0x14000, s12;
	_ =	strace $0x8000004D  }
0xb: {  	s8 =	ssub.s32 $0x2, s5;
	s11 =	sshll.u32 s5, $0x4;
	s5 =	smul.u32 $0x140000, s5  }
0xc: {  	s10 =	sshrl.u32 s8, $0x1;
	s26 =	sor.u32 s12, s11;
	s9 =	sshrl.u32 s9, $0x2  }
0xd: {  	s14 =	sadd.s32 $0x4000, s13;
	s16 =	sadd.s32 $0x8000, s13;
	s17 =	sadd.s32 $0xC000, s13  }
0xe: {  	s18 =	sadd.s32 $0x10000, s13;
	s19 =	ssub.s32 s8, s10;
	s8 =	smul.u32 $0x2710, s26  }
0xf: {  	s9 =	sadd.s32 s9, s3;
	s10 =	sadd.s32 s14, s3;
	s11 =	sadd.s32 s16, s3  }
0x10: {  	s12 =	sadd.s32 s17, s3;
	s15 =	sadd.s32 s13, s5;
	s14 =	sadd.s32 s5, s14  }
0x11: {  	s13 =	sadd.s32 s18, s3;
	s16 =	sadd.s32 s5, s16;
	s17 =	sadd.s32 s5, s17  }
0x12: {  	s5 =	sadd.s32 s5, s18;
	s26 =	simm.s32 $0x1;
	s15 =	sshrl.u32 s15, $0x3  }
0x13: {  	s20 =	sshrl.u32 s14, $0x3;
	s16 =	sshrl.u32 s16, $0x3;
	s17 =	sshrl.u32 s17, $0x3  }
0x14: {  	s5 =	sshrl.u32 s5, $0x3;
	s19 =	smax.u32 s19, $0x1;
	s31 =	sadd.s32 s0, s15  }
0x15: {  	s15 =	sadd.s32 s0, s20;
	s16 =	sadd.s32 s0, s16;
	s17 =	sadd.s32 s0, s17  }
0x16: {  	v0 =	vimm.f32 $0.0e+00;
	s18 =	sadd.s32 s0, s5;
	s20 =	simm.s32 $0x5100;
	[dreg:$0x5] =	wrdreg s31  }
.LBB2_1:
0x17: {  	s0 =	simm.s32 $0x0;
	s5 =	simm.s32 $0x200  }
.LBB2_2:
0x18: {  	p0 =	sne.s32 s5, $0xFE00;
	[tilespmem:s0+$0x5170] =	vst v0  }
0x19: {  	[tilespmem:s0+$0x5100] =	vst v0  }
0x1a: {  	[tilespmem:s0+$0x5110] =	vst v0  }
.Ltmp0:
0x1b: {  	[tilespmem:s0+$0x5120] =	vst v0;
	(pc) =	sbr.rel @p0 .LBB2_2-.Ltmp0, $4  }
0x1c: {  	[tilespmem:s0+$0x5130] =	vst v0  }
0x1d: {  	[tilespmem:s0+$0x5140] =	vst v0  }
0x1e: {  	[tilespmem:s0+$0x5150] =	vst v0  }
0x1f: {  	[tilespmem:s0+$0x5160] =	vst v0;
	s0 =	sshra.s32 s5, $0x2;
	s5 =	sadd.s32 $0x200, s5  }
0x20: {  	[tilespmem:s0+$0x5170] =	vst v0  }
0x21: {  	[tilespmem:s0+$0x5100] =	vst v0  }
0x22: {  	[tilespmem:s0+$0x5110] =	vst v0  }
0x23: {  	[tilespmem:s0+$0x5120] =	vst v0  }
0x24: {  	[tilespmem:s0+$0x5130] =	vst v0  }
0x25: {  	[tilespmem:s0+$0x5140] =	vst v0  }
0x26: {  	[tilespmem:s0+$0x5150] =	vst v0  }
0x27: {  	[tilespmem:s0+$0x5160] =	vst v0  }
0x28: {  	[spmem:s9] =	stream.linear.scatter [tilespmem:s20], [sflag:$0x3], $0x4000, $0x38;
	[tilespmem:$0x1D100] =	vst v63  }
0x29: {  	_ =	swait.ge [sflag:s21], $0x4000  }
0x2a: {  	[sflag:s21] =	ssyncset.done $0x0  }
0x2b: {  	[sflag:s21] =	ssyncadd.s32 $0xFFFFC000  }
0x2c: {  	[spmem:s10] =	stream.linear.scatter [tilespmem:s20], [sflag:$0x3], $0x4000, $0x38;
	[tilespmem:$0x1D100] =	vst v63  }
0x2d: {  	_ =	swait.ge [sflag:s21], $0x4000  }
0x2e: {  	[sflag:s21] =	ssyncset.done $0x0  }
0x2f: {  	[sflag:s21] =	ssyncadd.s32 $0xFFFFC000  }
0x30: {  	[spmem:s11] =	stream.linear.scatter [tilespmem:s20], [sflag:$0x3], $0x4000, $0x38;
	[tilespmem:$0x1D100] =	vst v63  }
0x31: {  	_ =	swait.ge [sflag:s21], $0x4000  }
0x32: {  	[sflag:s21] =	ssyncset.done $0x0  }
0x33: {  	[sflag:s21] =	ssyncadd.s32 $0xFFFFC000  }
0x34: {  	[spmem:s12] =	stream.linear.scatter [tilespmem:s20], [sflag:$0x3], $0x4000, $0x38;
	[tilespmem:$0x1D100] =	vst v63  }
0x35: {  	_ =	swait.ge [sflag:s21], $0x4000  }
0x36: {  	[sflag:s21] =	ssyncset.done $0x0  }
0x37: {  	[sflag:s21] =	ssyncadd.s32 $0xFFFFC000  }
0x38: {  	[spmem:s13] =	stream.linear.scatter [tilespmem:s20], [sflag:$0x3], $0x4000, $0x38;
	[tilespmem:$0x1D100] =	vst v63  }
0x39: {  	_ =	swait.ge [sflag:s21], $0x4000  }
0x3a: {  	[sflag:s21] =	ssyncset.done $0x0  }
0x3b: {  	[sflag:s21] =	ssyncadd.s32 $0xFFFFC000  }
0x3c: {  	s31 =	simm.s32 $0x0;
	[bflag:$0x0] =	sbarrier.arrive $0xFFFF  }
.LBB2_4:
0x3d: {  	s0 =	smul.u32 $0x50, s31;
	_ =	sdelay $0x1  }
0x3e: {  	s0 =	sadd.s32 s8, s0  }
0x3f: {  	s5 =	sshrl.u32 s0, $0x3  }
0x40: {  	s14 =	sadd.s32 s6, s5  }
0x41: {  	[tilespmem:s30], [sflag:$0x3] =	stream.linear.gather [hbm4b:s14+s30], $0x50, $0x38;
	[tilespmem:$0x1D100] =	vst v63  }
0x42: {  	_ =	swait.ge [sflag:s21], $0x50  }
0x43: {  	[sflag:s21] =	ssyncset.done $0x0  }
0x44: {  	s5 =	sadd.s32 s7, s5;
	[sflag:s21] =	ssyncadd.s32 $0xFFFFFFB0  }
0x45: {  	[tilespmem:s22], [sflag:$0x3] =	stream.linear.gather [hbm4b:s5+s30], $0x50, $0x38;
	[tilespmem:$0x1D100] =	vst v63  }
0x46: {  	_ =	swait.ge [sflag:s21], $0x50  }
0x47: {  	s0 =	sshll.u32 s0, $0x4;
	[sflag:s21] =	ssyncset.done $0x0  }
0x48: {  	s0 =	sadd.s32 s1, s0;
	[sflag:s21] =	ssyncadd.s32 $0xFFFFFFB0  }
0x49: {  	[tilespmem:s23], [sflag:$0x1] =	stream.linear.gather [hbm4b:s0+s30], $0x2800, $0x38;
	[tilespmem:$0x1D100] =	vst v63  }
0x4a: {  	_ = 	snop  }
0x4b: {  	[tilespmem:s25], [sflag:$0x2] =	stream.indirect.gather [hbm4b:s2+s24], $0x80, s22, s24, $0xb8;
	[tilespmem:$0x1D100] =	vst v63  }
0x4c: {  	_ =	swait.ge [sflag:s26], $0x2800  }
0x4d: {  	[sflag:s26] =	ssyncset.done $0x0  }
0x4e: {  	[sflag:s26] =	ssyncadd.s32 $0xFFFFD800  }
0x4f: {  	_ =	swait.ge [sflag:s28], $0x2800  }
0x50: {  	[sflag:s28] =	ssyncset.done $0x0  }
0x51: {  	s0 =	simm.s32 $0x0;
	[sflag:s28] =	ssyncadd.s32 $0xFFFFD800  }
0x52: {  	v4 =	vld [tilespmem:s0+$0x100]  }
0x53: {  	v6 =	vld [tilespmem:s0+$0x110]  }
0x54: {  	v5 =	vld [tilespmem:s0+$0x120]  }
0x55: {  	v1 =	vld [tilespmem:s0+$0x130]  }
0x56: {  	v2 =	vld [tilespmem:s0+$0x140]  }
0x57: {  	v3 =	vld [tilespmem:s0+$0x150];
	v7 =	vsub.f32 $0.0e+00, v4  }
0x58: {  	s5 =	simm.s32 $0x200;
	v6 =	vsub.f32 $0.0e+00, v6;
	v4 =	vld [tilespmem:s0+$0x160]  }
.LBB2_5:
0x59: {  	p0 =	sne.s32 s5, $0x9E00;
	v7 =	vmul.f32 $1.442695020e+00, v7;
	v5 =	vsub.f32 $0.0e+00, v5;
	v8 =	vld [tilespmem:s0+$0x170]  }
0x5a: {  	v6 =	vmul.f32 $1.442695020e+00, v6;
	v1 =	vsub.f32 $0.0e+00, v1  }
0x5b: {  	v5 =	vmul.f32 $1.442695020e+00, v5;
	v2 =	vsub.f32 $0.0e+00, v2;
	(erf) = vpow2.f32 v7  }
0x5c: {  	v1 =	vmul.f32 $1.442695020e+00, v1;
	v3 =	vsub.f32 $0.0e+00, v3;
	(erf) = vpow2.f32 v6  }
0x5d: {  	v2 =	vmul.f32 $1.442695020e+00, v2;
	v4 =	vsub.f32 $0.0e+00, v4;
	(erf) = vpow2.f32 v5  }
0x5e: {  	v3 =	vmul.f32 $1.442695020e+00, v3;
	v5 =	vsub.f32 $0.0e+00, v8;
	(erf) = vpow2.f32 v1  }
0x5f: {  	v1 =	vmul.f32 $1.442695020e+00, v4;
	(erf) = vpow2.f32 v2  }
0x60: {  	v2 =	vmul.f32 $1.442695020e+00, v5;
	(erf) = vpow2.f32 v3  }
0x61: {  	(erf) = vpow2.f32 v1  }
0x62: {  	(erf) = vpow2.f32 v2;
	_ =	sdelay $0x1  }
0x63: {  	v1 =	vpop (erf)  }
0x64: {  	v4 =	vadd.f32 $1.000000000e+00, v1;
	v2 =	vpop (erf)  }
0x65: {  	v5 =	vadd.f32 $1.000000000e+00, v2;
	v3 =	vpop (erf)  }
0x66: {  	v6 =	vadd.f32 $1.000000000e+00, v3;
	(erf) = vrcp.f32 v4;
	v1 =	vpop (erf)  }
0x67: {  	v4 =	vadd.f32 $1.000000000e+00, v1;
	(erf) = vrcp.f32 v5;
	v2 =	vpop (erf)  }
0x68: {  	v5 =	vadd.f32 $1.000000000e+00, v2;
	(erf) = vrcp.f32 v6;
	v3 =	vpop (erf)  }
0x69: {  	v3 =	vadd.f32 $1.000000000e+00, v3;
	(erf) = vrcp.f32 v4;
	v1 =	vpop (erf)  }
0x6a: {  	v1 =	vadd.f32 $1.000000000e+00, v1;
	(erf) = vrcp.f32 v5;
	v2 =	vpop (erf)  }
0x6b: {  	v4 =	vld [tilespmem:s0+$0x2900];
	v2 =	vadd.f32 $1.000000000e+00, v2;
	(erf) = vrcp.f32 v3  }
0x6c: {  	v3 =	vld [tilespmem:s0+$0x2910];
	(erf) = vrcp.f32 v1  }
0x6d: {  	v1 =	vld [tilespmem:s0+$0x2920];
	(erf) = vrcp.f32 v2  }
0x6e: {  	v2 =	vld [tilespmem:s0+$0x2930]  }
0x6f: {  	v5 =	vld [tilespmem:s0+$0x2940];
	v6 =	vpop (erf)  }
0x70: {  	v4 =	vmul.f32 v6, v4;
	v6 =	vld [tilespmem:s0+$0x2950];
	v7 =	vpop (erf)  }
0x71: {  	v10 =	vmul.f32 v7, v3;
	v7 =	vld [tilespmem:s0+$0x2960];
	v8 =	vpop (erf)  }
0x72: {  	s14 =	sshra.s32 s5, $0x2;
	[tilespmem:s0+$0x100] =	vst v4;
	v11 =	vmul.f32 v8, v1;
	v4 =	vld [tilespmem:s0+$0x2970];
	v8 =	vpop (erf)  }
0x73: {  	v9 =	vld [tilespmem:s14+$0x100];
	[tilespmem:s0+$0x110] =	vst v10;
	v10 =	vmul.f32 v8, v2;
	v3 =	vpop (erf)  }
0x74: {  	v8 =	vld [tilespmem:s14+$0x110];
	[tilespmem:s0+$0x120] =	vst v11;
	v11 =	vmul.f32 v3, v5;
	v1 =	vpop (erf)  }
.Ltmp1:
0x75: {  	v5 =	vld [tilespmem:s14+$0x120];
	[tilespmem:s0+$0x130] =	vst v10;
	v6 =	vmul.f32 v1, v6;
	v2 =	vpop (erf);
	(pc) =	sbr.rel @p0 .LBB2_5-.Ltmp1, $4  }
0x76: {  	v1 =	vld [tilespmem:s14+$0x130];
	[tilespmem:s0+$0x140] =	vst v11;
	v10 =	vmul.f32 v2, v7;
	v3 =	vpop (erf)  }
0x77: {  	v2 =	vld [tilespmem:s14+$0x140];
	[tilespmem:s0+$0x150] =	vst v6;
	v11 =	vmul.f32 v3, v4  }
0x78: {  	v7 =	vsub.f32 $0.0e+00, v9;
	v3 =	vld [tilespmem:s14+$0x150];
	[tilespmem:s0+$0x160] =	vst v10  }
0x79: {  	s5 =	sadd.s32 $0x200, s5;
	v6 =	vsub.f32 $0.0e+00, v8;
	v4 =	vld [tilespmem:s14+$0x160];
	[tilespmem:s0+$0x170] =	vst v11;
	s0 =	smov.u32 s14  }
0x7a: {  	v7 =	vmul.f32 $1.442695020e+00, v7  }
0x7b: {  	v5 =	vsub.f32 $0.0e+00, v5;
	v8 =	vld [tilespmem:s0+$0x170];
	v6 =	vmul.f32 $1.442695020e+00, v6  }
0x7c: {  	v1 =	vsub.f32 $0.0e+00, v1;
	(erf) = vpow2.f32 v7  }
0x7d: {  	v5 =	vmul.f32 $1.442695020e+00, v5;
	(erf) = vpow2.f32 v6  }
0x7e: {  	v2 =	vsub.f32 $0.0e+00, v2;
	v1 =	vmul.f32 $1.442695020e+00, v1  }
0x7f: {  	v3 =	vsub.f32 $0.0e+00, v3;
	v4 =	vsub.f32 $0.0e+00, v4;
	(erf) = vpow2.f32 v5  }
0x80: {  	v2 =	vmul.f32 $1.442695020e+00, v2;
	v54 =	vsub.f32 $0.0e+00, v8;
	(erf) = vpow2.f32 v1  }
0x81: {  	v3 =	vmul.f32 $1.442695020e+00, v3;
	v1 =	vmul.f32 $1.442695020e+00, v4  }
0x82: {  	(erf) = vpow2.f32 v2;
	v2 =	vmul.f32 $1.442695020e+00, v54;
	_ =	sdelay $0x1  }
0x83: {  	(erf) = vpow2.f32 v3  }
0x84: {  	(erf) = vpow2.f32 v1;
	v1 =	vpop (erf)  }
0x85: {  	(erf) = vpow2.f32 v2;
	v2 =	vpop (erf)  }
0x86: {  	v1 =	vadd.f32 $1.000000000e+00, v1;
	v2 =	vadd.f32 $1.000000000e+00, v2  }
0x87: {  	v3 =	vpop (erf)  }
0x88: {  	(erf) = vrcp.f32 v1;
	v1 =	vadd.f32 $1.000000000e+00, v3;
	v3 =	vpop (erf)  }
0x89: {  	v3 =	vadd.f32 $1.000000000e+00, v3  }
0x8a: {  	(erf) = vrcp.f32 v2;
	v2 =	vpop (erf)  }
0x8b: {  	(erf) = vrcp.f32 v1;
	v2 =	vadd.f32 $1.000000000e+00, v2  }
0x8c: {  	v1 =	vpop (erf)  }
0x8d: {  	(erf) = vrcp.f32 v3;
	v1 =	vadd.f32 $1.000000000e+00, v1;
	v3 =	vpop (erf)  }
0x8e: {  	v3 =	vadd.f32 $1.000000000e+00, v3;
	(erf) = vrcp.f32 v2  }
0x8f: {  	v55 =	vld [tilespmem:s0+$0x2900];
	(erf) = vrcp.f32 v1;
	v2 =	vpop (erf)  }
0x90: {  	(erf) = vrcp.f32 v3;
	v3 =	vld [tilespmem:s0+$0x2920];
	v2 =	vadd.f32 $1.000000000e+00, v2  }
0x91: {  	v1 =	vld [tilespmem:s0+$0x2910]  }
0x92: {  	v57 =	vpop (erf);
	(erf) = vrcp.f32 v2  }
0x93: {  	v59 =	vpop (erf);
	v2 =	vld [tilespmem:s0+$0x2930]  }
0x94: {  	v56 =	vld [tilespmem:s0+$0x2940];
	v61 =	vpop (erf)  }
0x95: {  	v58 =	vld [tilespmem:s0+$0x2950];
	v4 =	vmul.f32 v57, v55;
	v3 =	vmul.f32 v61, v3  }
0x96: {  	v60 =	vld [tilespmem:s0+$0x2960];
	v1 =	vmul.f32 v59, v1  }
0x97: {  	v62 =	vld [tilespmem:s0+$0x2970];
	[tilespmem:s0+$0x100] =	vst v4;
	v63 =	vpop (erf)  }
0x98: {  	[tilespmem:s0+$0x110] =	vst v1;
	v1 =	vmul.f32 v63, v2;
	v2 =	vpop (erf)  }
0x99: {  	[tilespmem:s0+$0x120] =	vst v3;
	v2 =	vmul.f32 v2, v56;
	v3 =	vpop (erf)  }
0x9a: {  	[tilespmem:s0+$0x130] =	vst v1;
	v1 =	vmul.f32 v3, v58;
	v3 =	vpop (erf)  }
0x9b: {  	[tilespmem:s0+$0x140] =	vst v2;
	v2 =	vmul.f32 v3, v60;
	v3 =	vpop (erf)  }
0x9c: {  	s31 =	sadd.s32 $0x1, s31;
	[tilespmem:s0+$0x150] =	vst v1;
	v1 =	vmul.f32 v3, v62  }
0x9d: {  	p0 =	sne.s32 s31, $0x7D;
	[tilespmem:s0+$0x160] =	vst v2  }
.Ltmp2:
0x9e: {  	[tilespmem:s0+$0x170] =	vst v1;
	(pc) =	sbr.rel @p0 .LBB2_4-.Ltmp2, $4  }
0x9f: {  	[spmem:s3] =	stream.indirect.scatter.add.f32 [tilespmem:s23], [sflag:$0x3], $0x80, s4, s24, $0xb8;
	[tilespmem:$0x1D100] =	vst v63  }
0xa0: {  	_ =	swait.ge [sflag:s21], $0x2800  }
0xa1: {  	[sflag:s21] =	ssyncset.done $0x0  }
0xa2: {  	[sflag:s21] =	ssyncadd.s32 $0xFFFFD800  }
0xa3: {  	s0 =	stileid.u32  }
0xa4: {  	[bflag:$0x0] =	sbarrier.arrive $0xFFFF;
	s0 =	sshll.u32 s0, $0x6  }
0xa5: {  	s5 =	sshrl.u32 s9, $0x3;
	s14 =	rddreg [dreg:$0x5];
	s0 =	sor.u32 $0x1C03, s0  }
0xa6: {  	[hbm:s14], [sflag:s0] =	dma.local [spmem:s5], $0x800  }
0xa7: {  	_ =	swait.ge [sflag:s21], $0x800  }
0xa8: {  	[sflag:s21] =	ssyncset.done $0x0  }
0xa9: {  	s14 =	sshrl.u32 s10, $0x3;
	[sflag:s21] =	ssyncadd.s32 $0xFFFFF800  }
0xaa: {  	[hbm:s15], [sflag:s0] =	dma.local [spmem:s14], $0x800  }
0xab: {  	_ =	swait.ge [sflag:s21], $0x800  }
0xac: {  	[sflag:s21] =	ssyncset.done $0x0  }
0xad: {  	s31 =	sshrl.u32 s11, $0x3;
	[sflag:s21] =	ssyncadd.s32 $0xFFFFF800  }
0xae: {  	[hbm:s16], [sflag:s0] =	dma.local [spmem:s31], $0x800  }
0xaf: {  	_ =	swait.ge [sflag:s21], $0x800  }
0xb0: {  	[sflag:s21] =	ssyncset.done $0x0  }
0xb1: {  	s14 =	sshrl.u32 s12, $0x3;
	[sflag:s21] =	ssyncadd.s32 $0xFFFFF800  }
0xb2: {  	[hbm:s17], [sflag:s0] =	dma.local [spmem:s14], $0x800  }
0xb3: {  	s29 =	sadd.s32 $0x1, s29;
	_ =	swait.ge [sflag:s21], $0x800  }
0xb4: {  	p0 =	sne.s32 s29, s19;
	[sflag:s21] =	ssyncset.done $0x0  }
.Ltmp3:
0xb5: {  	s31 =	sshrl.u32 s13, $0x3;
	[sflag:s21] =	ssyncadd.s32 $0xFFFFF800;
	(pc) =	sbr.rel @p0 .LBB2_1-.Ltmp3, $4  }
0xb6: {  	[hbm:s18], [sflag:s0] =	dma.local [spmem:s31], $0x800  }
0xb7: {  	_ =	swait.ge [sflag:s21], $0x800  }
0xb8: {  	[sflag:s21] =	ssyncset.done $0x0  }
0xb9: {  	[sflag:s21] =	ssyncadd.s32 $0xFFFFF800  }
0xba: {  	_ =	sfence.sel $0x180000  }
0xbb: {  	[bflag:$0x0] =	sbarrier.arrive $0xFFFF  }
0xbc: {  	_ =	strace $0x9000004D  }
0xbd: {  	s0 =	stileid.u32;
	[bflag:$0x2] =	sbarrier.arrive $0xFFFF  }
0xbe: {  	p0 =	sne.s32 s0, $0x0;
	s0 =	rddreg [dreg:$0x4]  }
0xbf: {  	s0 =	sadd.s32 @!p0 $0x100000, s0  }
0xc0: {  	[sflag:s0] =	ssyncadd.tile.s32 @!p0 $0x1;
	_ =	shalt  }
.Lfunc_end2:
_tile_overlayer_lowered:
.L_overlay_start_2:
0xc1: {  	(tag) =	ssettag $0x2  }
0xc2: {  	s0 =	rddreg [dreg:$0x0];
	s2 =	stileid.u32  }
0xc3: {  	s1 =	rddreg [dreg:$0x1];
	p0 =	sne.s32 s2, $0x0  }
0xc4: {  	s3 =	rddreg [dreg:$0x2];
	[bflag:$0x3] =	sbarrier.arrive $0xFFFF;
	s2 =	simm.s32 @!p0 $0x1C03  }
0xc5: {  	[timem:s3], [sflag:s2] =	dma.local @!p0 [hbm:s0], s1  }
0xc6: {  	s0 =	simm.s32 @!p0 $0x3  }
0xc7: {  	_ =	swait.ge @!p0 [sflag:s0], s1  }
0xc8: {  	s1 =	ssub.s32 @!p0 $0x0, s1;
	[sflag:s0] =	ssyncset.done @!p0 $0x0  }
0xc9: {  	[sflag:s0] =	ssyncadd.s32 @!p0 s1  }
0xca: {  	[bflag:$0x3] =	sbarrier.arrive $0xFFFF  }
0xcb: {  	_ =	shalt  }

// kernel: kernel.9.cloned.1.call-start
scs
__scs_entry_jumppad:
0x0: {  	(pc) =	sbr.rel $0x88, $3  }
0x1: {  	(tag) =	ssettag $0x0;
	lr =	simm.s32 $0x1  }
0x2: {  	[smem:$0x3F94] =	sst lr;
	_ =	strace $0xD0000000  }
0x3: {  	_ = 	snop  }
0x4: {  	_ = 	snop  }
0x5: {  	_ = 	snop  }
0x6: {  	_ = 	snop  }
0x7: {  	_ = 	snop  }
__scs_overlays_trampoline_lowered:
0x8: {  	[smem:$0x3FA3] =	sst s0  }
0x9: {  	[smem:$0x3FA4] =	sst s1  }
0xa: {  	[smem:$0x3FA5] =	sst s2  }
0xb: {  	[smem:$0x3FA6] =	sst s3  }
0xc: {  	[smem:$0x3FA7] =	sst s4  }
0xd: {  	[smem:$0x3FA8] =	sst s5  }
0xe: {  	[smem:$0x3FA9] =	sst s6  }
0xf: {  	[smem:$0x3FAA] =	sst s7  }
0x10: {  	[smem:$0x3FAB] =	sst s8  }
0x11: {  	[smem:$0x3FAC] =	sst s9;
	s0 =	simm.s32 @!p0 $0x0  }
0x12: {  	s1 =	sld [smem:$0x3F92];
	s0 =	simm.s32 @p0 $0x1  }
0x13: {  	[smem:$0x3FAD] =	sst s0;
	s0 =	simm.s32 @!p1 $0x0  }
0x14: {  	s2 =	sld [smem:$0x3F91];
	s0 =	simm.s32 @p1 $0x1  }
0x15: {  	[smem:$0x3FAE] =	sst s0;
	s0 =	simm.s32 @!p2 $0x0  }
0x16: {  	s3 =	sld [smem:$0x3FDB];
	s0 =	simm.s32 @p2 $0x1  }
0x17: {  	s4 =	simm.s32 $0x1BF5;
	[smem:$0x3FB0] =	sst s0  }
0x18: {  	s0 =	sld [smem:$0x3F93];
	_ =	swait.ge [sflag:s4], $0x0  }
0x19: {  	s7 =	sld [smem:$0x3F94]  }
0x1a: {  	s8 =	sadd.s32 $0xFFFFE003, lr  }
0x1b: {  	s9 =	sadd.s32 $0xFFFFFEF7, lr;
	s5 =	simm.s32 $0xFFFFFFFF;
	p2 =	slt.u32 s8, $0xFFFFF086  }
0x1c: {  	p1 =	slt.u32 s9, $0xF7A;
	s5 =	simm.s32 @!p2 $0x0  }
0x1d: {  	s5 =	simm.s32 @p1 $0x1;
	p0 =	seq.s32 s7, s2  }
0x1e: {  	s7 =	smul.u32 @!p0 $0xF7A, s2;
	p2 =	seq.s32 @!p0 s5, $0x0  }
0x1f: {  	s9 =	smul.u32 $0xF7A, s1;
	s8 =	simm.s32 @!p0 $0x1BF5;
	p2 =	por !p2, p0  }
0x20: {  	[sflag:s8] =	ssyncset.s32 @!p0 $0xFFFFF086;
	s6 =	sadd.s32 @!p0 s3, s7;
	s7 =	simm.s32 @!p0 $0x108  }
0x21: {  	s3 =	sadd.s32 s3, s9;
	s6 =	sadd.s32 @!p0 $0x88, s6;
	s7 =	simm.s32 @p2 $0x1082  }
0x22: {  	[simem:s7], [sflag:s8] =	dma.local @!p0 [hbm:s6], $0xF7A  }
0x23: {  	s9 =	sor.u32 $0xD0000000, s2;
	s6 =	simm.s32 $0x108;
	_ =	swait.ge @!p0 [sflag:s8], $0x0  }
0x24: {  	s3 =	sadd.s32 $0x88, s3;
	s6 =	simm.s32 @!p1 $0x1082;
	[sflag:s4] =	ssyncset.s32 $0xFFFFF086  }
0x25: {  	[simem:s6], [sflag:s4] =	dma.local [hbm:s3], $0xF7A  }
0x26: {  	[smem:$0x3F94] =	sst s1;
	(tag) =	ssettag s2;
	_ =	strace s9  }
0x27: {  	s1 =	sld [smem:$0x3FA4]  }
0x28: {  	s2 =	sld [smem:$0x3FA5]  }
0x29: {  	s4 =	sld [smem:$0x3FA7]  }
0x2a: {  	p0 =	seq.s32 s5, $0x0;
	s5 =	sld [smem:$0x3FA8]  }
0x2b: {  	s6 =	sld [smem:$0x3FA9]  }
0x2c: {  	s7 =	sld [smem:$0x3FAA]  }
0x2d: {  	s3 =	simm.s32 $0x108;
	s8 =	sld [smem:$0x3FAB]  }
0x2e: {  	s3 =	simm.s32 @!p0 $0x1082;
	s9 =	sld [smem:$0x3FAC]  }
0x2f: {  	lr =	sadd.s32 s0, s3;
	s0 =	sld [smem:$0x3FA3]  }
0x30: {  	s3 =	sld [smem:$0x3FA6]  }
0x31: {  	[smem:$0x3FAF] =	sst s10  }
0x32: {  	s10 =	sld [smem:$0x3FAD];
	_ =	sdelay $0x3  }
0x33: {  	p0 =	seq.s32 s10, $0x1;
	s10 =	sld [smem:$0x3FAF];
	_ =	sdelay $0x3  }
0x34: {  	[smem:$0x3FAF] =	sst s10  }
0x35: {  	s10 =	sld [smem:$0x3FAE];
	_ =	sdelay $0x3  }
0x36: {  	p1 =	seq.s32 s10, $0x1;
	s10 =	sld [smem:$0x3FAF];
	_ =	sdelay $0x3  }
0x37: {  	[smem:$0x3FAF] =	sst s10  }
0x38: {  	s10 =	sld [smem:$0x3FB0]  }
0x39: {  	_ = 	snop;
	(pc) =	sbr.ind lr, $3  }
0x3a: {  	_ = 	snop  }
0x3b: {  	_ = 	snop  }
0x3c: {  	p2 =	seq.s32 s10, $0x1;
	s10 =	sld [smem:$0x3FAF]  }
0x3d: {  	_ =	shalt  }
0x3e: {  	_ =	shalt  }
0x3f: {  	_ =	shalt  }
0x40: {  	_ =	shalt  }
0x41: {  	_ =	shalt  }
0x42: {  	_ =	shalt  }
0x43: {  	_ =	shalt  }
0x44: {  	_ =	shalt  }
0x45: {  	_ =	shalt  }
0x46: {  	_ =	shalt  }
0x47: {  	_ =	shalt  }
0x48: {  	_ =	shalt  }
0x49: {  	_ =	shalt  }
0x4a: {  	_ =	shalt  }
0x4b: {  	_ =	shalt  }
0x4c: {  	_ =	shalt  }
0x4d: {  	_ =	shalt  }
0x4e: {  	_ =	shalt  }
0x4f: {  	_ =	shalt  }
0x50: {  	_ =	shalt  }
0x51: {  	_ =	shalt  }
0x52: {  	_ =	shalt  }
0x53: {  	_ =	shalt  }
0x54: {  	_ =	shalt  }
0x55: {  	_ =	shalt  }
0x56: {  	_ =	shalt  }
0x57: {  	_ =	shalt  }
0x58: {  	_ =	shalt  }
0x59: {  	_ =	shalt  }
0x5a: {  	_ =	shalt  }
0x5b: {  	_ =	shalt  }
0x5c: {  	_ =	shalt  }
0x5d: {  	_ =	shalt  }
0x5e: {  	_ =	shalt  }
0x5f: {  	_ =	shalt  }
0x60: {  	_ =	shalt  }
0x61: {  	_ =	shalt  }
0x62: {  	_ =	shalt  }
0x63: {  	_ =	shalt  }
0x64: {  	_ =	shalt  }
0x65: {  	_ =	shalt  }
0x66: {  	_ =	shalt  }
0x67: {  	_ =	shalt  }
0x68: {  	_ =	shalt  }
0x69: {  	_ =	shalt  }
0x6a: {  	_ =	shalt  }
0x6b: {  	_ =	shalt  }
0x6c: {  	_ =	shalt  }
0x6d: {  	_ =	shalt  }
0x6e: {  	_ =	shalt  }
0x6f: {  	_ =	shalt  }
0x70: {  	_ =	shalt  }
0x71: {  	_ =	shalt  }
0x72: {  	_ =	shalt  }
0x73: {  	_ =	shalt  }
0x74: {  	_ =	shalt  }
0x75: {  	_ =	shalt  }
0x76: {  	_ =	shalt  }
0x77: {  	_ =	shalt  }
0x78: {  	_ =	shalt  }
0x79: {  	_ =	shalt  }
0x7a: {  	_ =	shalt  }
0x7b: {  	_ =	shalt  }
0x7c: {  	_ =	shalt  }
0x7d: {  	_ =	shalt  }
0x7e: {  	_ =	shalt  }
0x7f: {  	_ =	shalt  }
0x80: {  	_ =	shalt  }
0x81: {  	_ =	shalt  }
0x82: {  	_ =	shalt  }
0x83: {  	_ =	shalt  }
0x84: {  	_ =	shalt  }
0x85: {  	_ =	shalt  }
0x86: {  	_ =	shalt  }
0x87: {  	_ =	shalt  }
.Lfunc_end0:
.L_simem_size_0:
called_computation_lowered:
.L_overlay_start_0:
0x88: {  	s2 =	sld [smem:$0x3FD9]  }
0x89: {  	s3 =	sld [smem:$0x3FFE];
	_ =	sdelay $0x1  }
0x8a: {  	s1 =	srdreg.scid  }
0x8b: {  	s0 =	sand.u32 $0x1, s1  }
0x8c: {  	s14 =	sshll.u32 s0, $0xA;
	s2 =	sadd.s32 s3, s2  }
0x8d: {  	s2 =	sadd.s32 s2, s14  }
0x8e: {  	[smem:$0x3FBB] =	sst s2  }
0x8f: {  	_ = 	snop  }
0x90: {  	s2 =	sld [smem:$0x3FD0];
	_ =	sdelay $0x2  }
0x91: {  	s15 =	simm.s32 $0xA;
	s4 =	simm.s32 $0x10  }
0x92: {  	[smem:s4], [sflag:s15] =	dma.local [hbm:s2], $0x1  }
0x93: {  	_ =	swait.eq [sflag:s15], $0x1  }
0x94: {  	[sflag:s15] =	ssyncset.done $0x0  }
0x95: {  	[sflag:s15] =	ssyncadd.s32 $0xFFFFFFFF  }
0x96: {  	s16 =	sld [smem:$0x11];
	(tm) =	ssettm $0x1  }
0x97: {  	s17 =	sld [smem:$0x3FFB];
	_ =	sdelay $0x3  }
0x98: {  	_ =	strace s17  }
0x99: {  	s3 =	sld [smem:$0x3FFC];
	_ =	sdelay $0x3  }
0x9a: {  	_ =	strace s3  }
0x9b: {  	s3 =	sld [smem:$0x3FFD];
	_ =	sdelay $0x3  }
0x9c: {  	_ =	strace s3  }
0x9d: {  	_ =	strace $0x8FFFFFFF  }
0x9e: {  	s18 =	sld [smem:$0x3FDB];
	_ =	sdelay $0x1  }
0x9f: {  	s19 =	simm.s32 $_scs_section_size  }
0xa0: {  	s5 =	simm.s32 $_size__tile_overlayer_lowered;
	s6 =	simm.s32 $_tile_overlayer_lowered  }
0xa1: {  	s22 =	simm.s32 $0x1BFF;
	s21 =	sshll.u32 s6, $0x1;
	s3 =	sadd.s32 s19, s18  }
0xa2: {  	s7 =	simm.s32 $0x0;
	s20 =	sshll.u32 s5, $0x1;
	s5 =	sadd.s32 s21, s3  }
0xa3: {  	[timem:s7], [sflag:s22] =	dma.local [hbm:s5], s20  }
0xa4: {  	_ =	swait.ge [sflag:s22], s20  }
0xa5: {  	s4 =	ssub.s32 $0x0, s20;
	[sflag:s22] =	ssyncset.done $0x0  }
0xa6: {  	[sflag:s22] =	ssyncadd.s32 s4;
	_ =	sdelay $0x1  }
0xa7: {  	s23 =	simm.s32 $0x1B8B  }
0xa8: {  	_ =	swait.ge [sflag:s23], $0x1  }
0xa9: {  	[sflag:s23] =	ssyncset.done $0x0  }
0xaa: {  	s25 =	simm.s32 $0x1B8E;
	s24 =	sld [smem:$0x3FFE];
	[sflag:s23] =	ssyncadd.s32 $0xFFFFFFFF  }
0xab: {  	s26 =	simm.s32 $execute0_lowered;
	[smem:$0x3FD2] =	sst s25  }
0xac: {  	s5 =	sshll.u32 s26, $0x1;
	_ =	strace $0x80000046;
	[dreg:$0x1] =	wrdreg $0xFFFFFFFF  }
0xad: {  	s28 =	simm.s32 $_size_execute0_lowered;
	s3 =	sadd.s32 s3, s5;
	[dreg:$0x0] =	wrdreg $0x0  }
0xae: {  	s5 =	sshll.u32 s28, $0x1;
	[dreg:$0x2] =	wrdreg s3  }
0xaf: {  	[dreg:$0x3] =	wrdreg s5  }
0xb0: {  	[dreg:$0x4] =	wrdreg $0xC0  }
0xb1: {  	_ =	task [dreg:s7], $0x5FFFF  }
0xb2: {  	[dreg:$0x1] =	wrdreg $0xFFFFFFFF  }
0xb3: {  	[dreg:$0x0] =	wrdreg $0x60  }
0xb4: {  	[dreg:$0x2] =	wrdreg s24  }
0xb5: {  	[dreg:$0x3] =	wrdreg s16  }
0xb6: {  	[dreg:$0x4] =	wrdreg $0x9  }
0xb7: {  	_ =	task.clear_ibuf [dreg:s7], $0x5FFFF;
	_ =	strace $0x90000046  }
0xb8: {  	s29 =	simm.s32 $0x9;
	_ =	strace $0x80000048  }
0xb9: {  	_ =	swait.ge [sflag:s29], $0x1  }
0xba: {  	[sflag:s29] =	ssyncadd.s32 $0xFFFFFFFF  }
0xbb: {  	_ =	strace $0x90000048  }
0xbc: {  	_ =	sfence  }
0xbd: {  	s30 =	sld [smem:$0x0];
	_ =	sdelay $0x2  }
0xbe: {  	s31 =	sshll.u32 s1, $0xD;
	s1 =	sshrl.u32 s1, $0x2  }
0xbf: {  	s3 =	sand.u32 $0x4000, s31;
	s1 =	sadd.s32 s1, s30  }
0xc0: {  	s0 =	sor.u32 s3, s0;
	s1 =	sshll.u32 s1, $0x11  }
0xc1: {  	s0 =	sor.u32 s1, s0  }
0xc2: {  	s0 =	sadd.s32 $0x8F2B, s0  }
0xc3: {  	[sflag:s0] =	ssyncadd.remote.s32 $0x1  }
0xc4: {  	_ =	sfence.sel $0xFFFF  }
0xc5: {  	[dreg:$0x0] =	wrdreg $0xFFFFFFFF;
	(pc) =	sbr.abs _section_cstart, $3  }
0xc6: {  	[dreg:$0x1] =	wrdreg $0xFFFFFFFF  }
0xc7: {  	_ =	task.clear_ibuf [dreg:s7], $0x2FFFF;
	_ =	strace $0x9FFFFFFF  }
0xc8: {  	(tm) =	ssettm $0x7FFFFFFF  }
0xc9: {  	_ =	shalt  }
tec
execute0_lowered:
.L_overlay_start_1:
0x0: {  	(tag) =	ssettag $0x1  }
0x1: {  	s9 =	rddreg [dreg:$0x0]  }
0x2: {  	s1 =	rddreg [dreg:$0x1]  }
0x3: {  	s0 =	rddreg [dreg:$0x2];
	s2 =	simm.s32 $0x0  }
0x4: {  	s3 =	srdreg.scid;
	s14 =	simm.s32 $0x100;
	s15 =	simm.s32 $0x50  }
0x5: {  	s16 =	simm.s32 $0x2900;
	s17 =	simm.s32 $0x5100;
	s18 =	simm.s32 $0x1  }
0x6: {  	s19 =	simm.s32 $0x2;
	s20 =	simm.s32 $0x7900;
	s21 =	simm.s32 $0x0  }
0x7: {  	[smem:$0x7FF] =	sst s2;
	s4 =	sadd.s32 $0x81A00, s9;
	s5 =	sadd.s32 $0x77C00, s9  }
0x8: {  	s8 =	sand.u32 $0x1, s3;
	s6 =	sadd.s32 $0x29800, s9;
	s3 =	stileid.u32  }
0x9: {  	s7 =	sadd.s32 $0x2600, s9;
	s10 =	sshll.u32 s8, $0x4;
	s11 =	ssub.s32 $0x2, s8  }
0xa: {  	_ =	strace $0x80000047;
	s10 =	sor.u32 s3, s10;
	s13 =	sshrl.u32 s11, $0x1  }
0xb: {  	s8 =	sadd.s32 $0x8D800, s9;
	s12 =	sshll.u32 s10, $0x8;
	s11 =	ssub.s32 s11, s13  }
0xc: {  	s13 =	simm.s32 $0x80;
	s12 =	sadd.s32 s12, s9;
	s9 =	smul.u32 $0x2710, s10  }
0xd: {  	v0 =	vimm.f32 $0.0e+00;
	s11 =	smax.u32 s11, $0x1;
	s10 =	sadd.s32 $0x8B800, s12;
	s12 =	simm.s32 $0x3  }
.LBB2_1:
0xe: {  	[tilespmem:$0x7900] =	vst v0  }
0xf: {  	[tilespmem:$0x7980] =	vst v0  }
0x10: {  	[tilespmem:$0x7A00] =	vst v0  }
0x11: {  	[tilespmem:$0x7A80] =	vst v0  }
0x12: {  	[tilespmem:$0x7B00] =	vst v0  }
0x13: {  	[tilespmem:$0x7B80] =	vst v0  }
0x14: {  	[tilespmem:$0x7C00] =	vst v0  }
0x15: {  	[tilespmem:$0x7C80] =	vst v0  }
0x16: {  	[tilespmem:$0x7D00] =	vst v0  }
0x17: {  	[tilespmem:$0x7D80] =	vst v0  }
0x18: {  	[tilespmem:$0x7E00] =	vst v0  }
0x19: {  	[tilespmem:$0x7E80] =	vst v0  }
0x1a: {  	[tilespmem:$0x7F00] =	vst v0  }
0x1b: {  	[tilespmem:$0x7F80] =	vst v0  }
0x1c: {  	[tilespmem:$0x8000] =	vst v0  }
0x1d: {  	[tilespmem:$0x8080] =	vst v0;
	s22 =	simm.s32 $0x0  }
.LBB2_2:
0x1e: {  	s23 =	smul.u32 $0x50, s22;
	_ =	sdelay $0x1  }
0x1f: {  	s23 =	sadd.s32 s9, s23  }
0x20: {  	s24 =	sshrl.u32 s23, $0x3  }
0x21: {  	s26 =	simm.s32 $0x0;
	s25 =	sadd.s32 s4, s24  }
0x22: {  	[tilespmem:s26], [sflag:$0x3] =	stream.linear.gather [hbm4b:s25+s26], $0x50, $0x38;
	[tilespmem:$0x8100] =	vst v63  }
0x23: {  	_ =	swait.ge [sflag:s12], $0x50  }
0x24: {  	[sflag:s12] =	ssyncset.done $0x0  }
0x25: {  	s24 =	sadd.s32 s5, s24;
	[sflag:s12] =	ssyncadd.s32 $0xFFFFFFB0  }
0x26: {  	[tilespmem:s13], [sflag:$0x3] =	stream.linear.gather [hbm4b:s24+s26], $0x50, $0x38;
	[tilespmem:$0x8100] =	vst v63  }
0x27: {  	_ =	swait.ge [sflag:s12], $0x50  }
0x28: {  	s23 =	sshll.u32 s23, $0x4;
	[sflag:s12] =	ssyncset.done $0x0  }
0x29: {  	s31 =	sadd.s32 s1, s23;
	[sflag:s12] =	ssyncadd.s32 $0xFFFFFFB0  }
0x2a: {  	[tilespmem:s14], [sflag:$0x1] =	stream.linear.gather [hbm4b:s31+s26], $0x2800, $0x38;
	[tilespmem:$0x8100] =	vst v63  }
0x2b: {  	_ = 	snop  }
0x2c: {  	[tilespmem:s16], [sflag:$0x2] =	stream.indirect.gather [hbm4b:s6+s15], $0x80, s26, s15, $0xb8;
	[tilespmem:$0x8100] =	vst v63  }
0x2d: {  	_ = 	snop  }
0x2e: {  	[tilespmem:s17], [sflag:$0x2] =	stream.indirect.gather [hbm4b:s7+s15], $0x80, s13, s15, $0xb8;
	[tilespmem:$0x8100] =	vst v63  }
0x2f: {  	_ =	swait.ge [sflag:s18], $0x2800  }
0x30: {  	[sflag:s18] =	ssyncset.done $0x0  }
0x31: {  	[sflag:s18] =	ssyncadd.s32 $0xFFFFD800  }
0x32: {  	_ =	swait.ge [sflag:s19], $0x2800  }
0x33: {  	[sflag:s19] =	ssyncset.done $0x0  }
0x34: {  	[sflag:s19] =	ssyncadd.s32 $0xFFFFD800  }
0x35: {  	_ =	swait.ge [sflag:s19], $0x2800  }
0x36: {  	[sflag:s19] =	ssyncset.done $0x0  }
0x37: {  	s24 =	simm.s32 $0x0;
	[sflag:s19] =	ssyncadd.s32 $0xFFFFD800  }
0x38: {  	v1 =	vld [tilespmem:s24+$0x100]  }
0x39: {  	v2 =	vld [tilespmem:s24+$0x2900];
	_ =	sdelay $0x1  }
0x3a: {  	v3 =	vld [tilespmem:s24+$0x5100];
	_ =	sdelay $0x2  }
0x3b: {  	v1 =	vadd.f32 v2, v1;
	_ =	sdelay $0x1  }
0x3c: {  	v1 =	vadd.f32 v3, v1;
	_ =	sdelay $0x1  }
0x3d: {  	[tilespmem:s24+$0x100] =	vst v1  }
0x3e: {  	v2 =	vld [tilespmem:$0x7900]  }
0x3f: {  	v3 =	vld [tilespmem:$0x7D00];
	_ =	sdelay $0x2  }
0x40: {  	v4 =	vmul.f32 v1, v1  }
0x41: {  	v1 =	vadd.f32 v2, v1  }
0x42: {  	v2 =	vadd.f32 v3, v4  }
0x43: {  	[tilespmem:$0x7900] =	vst v1  }
0x44: {  	[tilespmem:$0x7D00] =	vst v2  }
0x45: {  	v1 =	vld [tilespmem:s24+$0x110]  }
0x46: {  	v2 =	vld [tilespmem:s24+$0x2910];
	_ =	sdelay $0x1  }
0x47: {  	v3 =	vld [tilespmem:s24+$0x5110];
	_ =	sdelay $0x2  }
0x48: {  	v1 =	vadd.f32 v2, v1;
	_ =	sdelay $0x1  }
0x49: {  	v1 =	vadd.f32 v3, v1;
	_ =	sdelay $0x1  }
0x4a: {  	[tilespmem:s24+$0x110] =	vst v1  }
0x4b: {  	v2 =	vld [tilespmem:$0x7980]  }
0x4c: {  	v3 =	vld [tilespmem:$0x7D80];
	_ =	sdelay $0x2  }
0x4d: {  	v58 =	vmul.f32 v1, v1  }
0x4e: {  	v1 =	vadd.f32 v2, v1  }
0x4f: {  	v2 =	vadd.f32 v3, v58  }
0x50: {  	[tilespmem:$0x7980] =	vst v1  }
0x51: {  	[tilespmem:$0x7D80] =	vst v2  }
0x52: {  	v1 =	vld [tilespmem:s24+$0x120]  }
0x53: {  	v2 =	vld [tilespmem:s24+$0x2920];
	_ =	sdelay $0x1  }
0x54: {  	v3 =	vld [tilespmem:s24+$0x5120];
	_ =	sdelay $0x2  }
0x55: {  	v1 =	vadd.f32 v2, v1;
	_ =	sdelay $0x1  }
0x56: {  	v1 =	vadd.f32 v3, v1;
	_ =	sdelay $0x1  }
0x57: {  	[tilespmem:s24+$0x120] =	vst v1  }
0x58: {  	v2 =	vld [tilespmem:$0x7A00]  }
0x59: {  	v3 =	vld [tilespmem:$0x7E00];
	_ =	sdelay $0x2  }
0x5a: {  	v59 =	vmul.f32 v1, v1  }
0x5b: {  	v1 =	vadd.f32 v2, v1  }
0x5c: {  	v2 =	vadd.f32 v3, v59  }
0x5d: {  	[tilespmem:$0x7A00] =	vst v1  }
0x5e: {  	[tilespmem:$0x7E00] =	vst v2  }
0x5f: {  	v1 =	vld [tilespmem:s24+$0x130]  }
0x60: {  	v2 =	vld [tilespmem:s24+$0x2930];
	_ =	sdelay $0x1  }
0x61: {  	v3 =	vld [tilespmem:s24+$0x5130];
	_ =	sdelay $0x2  }
0x62: {  	v1 =	vadd.f32 v2, v1;
	_ =	sdelay $0x1  }
0x63: {  	v1 =	vadd.f32 v3, v1;
	_ =	sdelay $0x1  }
0x64: {  	[tilespmem:s24+$0x130] =	vst v1  }
0x65: {  	v2 =	vld [tilespmem:$0x7A80]  }
0x66: {  	v3 =	vld [tilespmem:$0x7E80];
	_ =	sdelay $0x2  }
0x67: {  	v60 =	vmul.f32 v1, v1  }
0x68: {  	v1 =	vadd.f32 v2, v1  }
0x69: {  	v2 =	vadd.f32 v3, v60  }
0x6a: {  	[tilespmem:$0x7A80] =	vst v1  }
0x6b: {  	[tilespmem:$0x7E80] =	vst v2  }
0x6c: {  	v1 =	vld [tilespmem:s24+$0x140]  }
0x6d: {  	v2 =	vld [tilespmem:s24+$0x2940];
	_ =	sdelay $0x1  }
0x6e: {  	v3 =	vld [tilespmem:s24+$0x5140];
	_ =	sdelay $0x2  }
0x6f: {  	v1 =	vadd.f32 v2, v1;
	_ =	sdelay $0x1  }
0x70: {  	v1 =	vadd.f32 v3, v1;
	_ =	sdelay $0x1  }
0x71: {  	[tilespmem:s24+$0x140] =	vst v1  }
0x72: {  	v2 =	vld [tilespmem:$0x7B00]  }
0x73: {  	v3 =	vld [tilespmem:$0x7F00];
	_ =	sdelay $0x2  }
0x74: {  	v61 =	vmul.f32 v1, v1  }
0x75: {  	v1 =	vadd.f32 v2, v1  }
0x76: {  	v2 =	vadd.f32 v3, v61  }
0x77: {  	[tilespmem:$0x7B00] =	vst v1  }
0x78: {  	[tilespmem:$0x7F00] =	vst v2  }
0x79: {  	v1 =	vld [tilespmem:s24+$0x150]  }
0x7a: {  	v2 =	vld [tilespmem:s24+$0x2950];
	_ =	sdelay $0x1  }
0x7b: {  	v3 =	vld [tilespmem:s24+$0x5150];
	_ =	sdelay $0x2  }
0x7c: {  	v1 =	vadd.f32 v2, v1;
	_ =	sdelay $0x1  }
0x7d: {  	v1 =	vadd.f32 v3, v1;
	_ =	sdelay $0x1  }
0x7e: {  	[tilespmem:s24+$0x150] =	vst v1  }
0x7f: {  	v2 =	vld [tilespmem:$0x7B80]  }
0x80: {  	v3 =	vld [tilespmem:$0x7F80];
	_ =	sdelay $0x2  }
0x81: {  	v62 =	vmul.f32 v1, v1  }
0x82: {  	v1 =	vadd.f32 v2, v1  }
0x83: {  	v2 =	vadd.f32 v3, v62  }
0x84: {  	[tilespmem:$0x7B80] =	vst v1  }
0x85: {  	[tilespmem:$0x7F80] =	vst v2  }
0x86: {  	v1 =	vld [tilespmem:s24+$0x160]  }
0x87: {  	v2 =	vld [tilespmem:s24+$0x2960];
	_ =	sdelay $0x1  }
0x88: {  	v3 =	vld [tilespmem:s24+$0x5160];
	_ =	sdelay $0x2  }
0x89: {  	v1 =	vadd.f32 v2, v1;
	_ =	sdelay $0x1  }
0x8a: {  	v1 =	vadd.f32 v3, v1;
	_ =	sdelay $0x1  }
0x8b: {  	[tilespmem:s24+$0x160] =	vst v1  }
0x8c: {  	v2 =	vld [tilespmem:$0x7C00]  }
0x8d: {  	v3 =	vld [tilespmem:$0x8000];
	_ =	sdelay $0x2  }
0x8e: {  	v63 =	vmul.f32 v1, v1  }
0x8f: {  	v1 =	vadd.f32 v2, v1  }
0x90: {  	v2 =	vadd.f32 v3, v63  }
0x91: {  	[tilespmem:$0x7C00] =	vst v1  }
0x92: {  	[tilespmem:$0x8000] =	vst v2  }
0x93: {  	v1 =	vld [tilespmem:s24+$0x170]  }
0x94: {  	s25 =	simm.s32 $0x200;
	v2 =	vld [tilespmem:s24+$0x2970]  }
.LBB2_3:
0x95: {  	p0 =	sne.s32 s25, $0x9E00;
	v3 =	vld [tilespmem:s24+$0x5170];
	s26 =	smov.u32 s25;
	s25 =	sadd.s32 $0x200, s25  }
0x96: {  	_ =	sdelay $0x2  }
0x97: {  	v1 =	vadd.f32 v2, v1;
	_ =	sdelay $0x1  }
0x98: {  	v1 =	vadd.f32 v3, v1;
	_ =	sdelay $0x1  }
0x99: {  	[tilespmem:s24+$0x170] =	vst v1  }
0x9a: {  	v2 =	vld [tilespmem:$0x7C80]  }
0x9b: {  	v3 =	vld [tilespmem:$0x8080];
	_ =	sdelay $0x1  }
0x9c: {  	v4 =	vmul.f32 v1, v1;
	_ =	sdelay $0x1  }
0x9d: {  	v1 =	vadd.f32 v2, v1  }
0x9e: {  	v2 =	vadd.f32 v3, v4  }
0x9f: {  	s24 =	sshra.s32 s26, $0x2;
	[tilespmem:$0x7C80] =	vst v1  }
0xa0: {  	[tilespmem:$0x8080] =	vst v2  }
0xa1: {  	v1 =	vld [tilespmem:s24+$0x100]  }
0xa2: {  	v2 =	vld [tilespmem:s24+$0x2900]  }
0xa3: {  	v3 =	vld [tilespmem:s24+$0x5100];
	_ =	sdelay $0x3  }
0xa4: {  	v1 =	vadd.f32 v2, v1;
	_ =	sdelay $0x1  }
0xa5: {  	v1 =	vadd.f32 v3, v1;
	_ =	sdelay $0x1  }
0xa6: {  	[tilespmem:s24+$0x100] =	vst v1  }
0xa7: {  	v2 =	vld [tilespmem:$0x7900]  }
0xa8: {  	v3 =	vld [tilespmem:$0x7D00];
	_ =	sdelay $0x2  }
0xa9: {  	v4 =	vmul.f32 v1, v1  }
0xaa: {  	v1 =	vadd.f32 v2, v1  }
0xab: {  	v2 =	vadd.f32 v3, v4  }
0xac: {  	[tilespmem:$0x7900] =	vst v1  }
0xad: {  	[tilespmem:$0x7D00] =	vst v2  }
0xae: {  	v1 =	vld [tilespmem:s24+$0x110]  }
0xaf: {  	v2 =	vld [tilespmem:s24+$0x2910];
	_ =	sdelay $0x1  }
0xb0: {  	v3 =	vld [tilespmem:s24+$0x5110];
	_ =	sdelay $0x2  }
0xb1: {  	v1 =	vadd.f32 v2, v1;
	_ =	sdelay $0x1  }
0xb2: {  	v1 =	vadd.f32 v3, v1;
	_ =	sdelay $0x1  }
0xb3: {  	[tilespmem:s24+$0x110] =	vst v1  }
0xb4: {  	v2 =	vld [tilespmem:$0x7980]  }
0xb5: {  	v3 =	vld [tilespmem:$0x7D80];
	_ =	sdelay $0x2  }
0xb6: {  	v4 =	vmul.f32 v1, v1  }
0xb7: {  	v1 =	vadd.f32 v2, v1  }
0xb8: {  	v2 =	vadd.f32 v3, v4  }
0xb9: {  	[tilespmem:$0x7980] =	vst v1  }
0xba: {  	[tilespmem:$0x7D80] =	vst v2  }
0xbb: {  	v1 =	vld [tilespmem:s24+$0x120]  }
0xbc: {  	v2 =	vld [tilespmem:s24+$0x2920]  }
0xbd: {  	v3 =	vld [tilespmem:s24+$0x5120];
	_ =	sdelay $0x3  }
0xbe: {  	v1 =	vadd.f32 v2, v1;
	_ =	sdelay $0x1  }
0xbf: {  	v1 =	vadd.f32 v3, v1;
	_ =	sdelay $0x1  }
0xc0: {  	[tilespmem:s24+$0x120] =	vst v1  }
0xc1: {  	v2 =	vld [tilespmem:$0x7A00]  }
0xc2: {  	v3 =	vld [tilespmem:$0x7E00];
	_ =	sdelay $0x2  }
0xc3: {  	v4 =	vmul.f32 v1, v1  }
0xc4: {  	v1 =	vadd.f32 v2, v1  }
0xc5: {  	v2 =	vadd.f32 v3, v4  }
0xc6: {  	[tilespmem:$0x7A00] =	vst v1  }
0xc7: {  	[tilespmem:$0x7E00] =	vst v2  }
0xc8: {  	v1 =	vld [tilespmem:s24+$0x130]  }
0xc9: {  	v2 =	vld [tilespmem:s24+$0x2930]  }
0xca: {  	v3 =	vld [tilespmem:s24+$0x5130];
	_ =	sdelay $0x3  }
0xcb: {  	v1 =	vadd.f32 v2, v1;
	_ =	sdelay $0x1  }
0xcc: {  	v1 =	vadd.f32 v3, v1;
	_ =	sdelay $0x1  }
0xcd: {  	[tilespmem:s24+$0x130] =	vst v1  }
0xce: {  	v2 =	vld [tilespmem:$0x7A80]  }
0xcf: {  	v3 =	vld [tilespmem:$0x7E80];
	_ =	sdelay $0x2  }
0xd0: {  	v4 =	vmul.f32 v1, v1  }
0xd1: {  	v1 =	vadd.f32 v2, v1  }
0xd2: {  	v2 =	vadd.f32 v3, v4  }
0xd3: {  	[tilespmem:$0x7A80] =	vst v1  }
0xd4: {  	[tilespmem:$0x7E80] =	vst v2  }
0xd5: {  	v1 =	vld [tilespmem:s24+$0x140]  }
0xd6: {  	v2 =	vld [tilespmem:s24+$0x2940];
	_ =	sdelay $0x1  }
0xd7: {  	v3 =	vld [tilespmem:s24+$0x5140];
	_ =	sdelay $0x2  }
0xd8: {  	v1 =	vadd.f32 v2, v1;
	_ =	sdelay $0x1  }
0xd9: {  	v1 =	vadd.f32 v3, v1;
	_ =	sdelay $0x1  }
0xda: {  	[tilespmem:s24+$0x140] =	vst v1  }
0xdb: {  	v2 =	vld [tilespmem:$0x7B00]  }
0xdc: {  	v3 =	vld [tilespmem:$0x7F00];
	_ =	sdelay $0x2  }
0xdd: {  	v4 =	vmul.f32 v1, v1  }
0xde: {  	v1 =	vadd.f32 v2, v1  }
0xdf: {  	v2 =	vadd.f32 v3, v4  }
0xe0: {  	[tilespmem:$0x7B00] =	vst v1  }
0xe1: {  	[tilespmem:$0x7F00] =	vst v2  }
0xe2: {  	v1 =	vld [tilespmem:s24+$0x150]  }
0xe3: {  	v2 =	vld [tilespmem:s24+$0x2950]  }
0xe4: {  	v3 =	vld [tilespmem:s24+$0x5150];
	_ =	sdelay $0x3  }
0xe5: {  	v1 =	vadd.f32 v2, v1;
	_ =	sdelay $0x1  }
0xe6: {  	v1 =	vadd.f32 v3, v1;
	_ =	sdelay $0x1  }
0xe7: {  	[tilespmem:s24+$0x150] =	vst v1  }
0xe8: {  	v2 =	vld [tilespmem:$0x7B80]  }
0xe9: {  	v3 =	vld [tilespmem:$0x7F80];
	_ =	sdelay $0x2  }
0xea: {  	v4 =	vmul.f32 v1, v1  }
0xeb: {  	v1 =	vadd.f32 v2, v1  }
0xec: {  	v2 =	vadd.f32 v3, v4  }
0xed: {  	[tilespmem:$0x7B80] =	vst v1  }
0xee: {  	[tilespmem:$0x7F80] =	vst v2  }
0xef: {  	v1 =	vld [tilespmem:s24+$0x160]  }
0xf0: {  	v2 =	vld [tilespmem:s24+$0x2960]  }
0xf1: {  	v3 =	vld [tilespmem:s24+$0x5160];
	_ =	sdelay $0x3  }
0xf2: {  	v1 =	vadd.f32 v2, v1;
	_ =	sdelay $0x1  }
0xf3: {  	v1 =	vadd.f32 v3, v1;
	_ =	sdelay $0x1  }
0xf4: {  	[tilespmem:s24+$0x160] =	vst v1  }
0xf5: {  	v2 =	vld [tilespmem:$0x7C00]  }
0xf6: {  	v3 =	vld [tilespmem:$0x8000];
	_ =	sdelay $0x2  }
0xf7: {  	v4 =	vmul.f32 v1, v1  }
0xf8: {  	v1 =	vadd.f32 v2, v1  }
.Ltmp0:
0xf9: {  	v2 =	vadd.f32 v3, v4;
	(pc) =	sbr.rel @p0 .LBB2_3-.Ltmp0, $4  }
0xfa: {  	[tilespmem:$0x7C00] =	vst v1  }
0xfb: {  	[tilespmem:$0x8000] =	vst v2  }
0xfc: {  	v1 =	vld [tilespmem:s24+$0x170]  }
0xfd: {  	v2 =	vld [tilespmem:s24+$0x2970]  }
0xfe: {  	_ = 	snop  }
0xff: {  	v3 =	vld [tilespmem:s24+$0x5170];
	_ =	sdelay $0x2  }
0x100: {  	v1 =	vadd.f32 v2, v1;
	_ =	sdelay $0x1  }
0x101: {  	v1 =	vadd.f32 v3, v1;
	_ =	sdelay $0x1  }
0x102: {  	[tilespmem:s24+$0x170] =	vst v1  }
0x103: {  	v2 =	vld [tilespmem:$0x7C80]  }
0x104: {  	v3 =	vld [tilespmem:$0x8080];
	_ =	sdelay $0x2  }
0x105: {  	v4 =	vmul.f32 v1, v1  }
0x106: {  	v1 =	vadd.f32 v2, v1  }
0x107: {  	s22 =	sadd.s32 $0x1, s22;
	v2 =	vadd.f32 v3, v4  }
0x108: {  	p0 =	sne.s32 s22, $0x7D;
	[tilespmem:$0x7C80] =	vst v1  }
.Ltmp1:
0x109: {  	s23 =	sadd.s32 s8, s23;
	[tilespmem:$0x8080] =	vst v2;
	(pc) =	sbr.rel @p0 .LBB2_2-.Ltmp1, $4  }
0x10a: {  	[hbm4b:s23+s2] =	stream.linear.scatter [tilespmem:s14], [sflag:$0x3], $0x2800, $0x38;
	[tilespmem:$0x8100] =	vst v63  }
0x10b: {  	_ =	swait.ge [sflag:s12], $0x2800  }
0x10c: {  	[sflag:s12] =	ssyncset.done $0x0  }
0x10d: {  	[sflag:s12] =	ssyncadd.s32 $0xFFFFD800  }
0x10e: {  	s21 =	sadd.s32 $0x1, s21  }
0x10f: {  	p0 =	sne.s32 s21, s11  }
.Ltmp2:
0x110: {  	_ = 	snop;
	(pc) =	sbr.rel @p0 .LBB2_1-.Ltmp2, $4  }
0x111: {  	[hbm4b:s10+s2] =	stream.linear.scatter [tilespmem:s20], [sflag:$0x3], $0x800, $0x38;
	[tilespmem:$0x8100] =	vst v63  }
0x112: {  	_ =	swait.ge [sflag:s12], $0x800  }
0x113: {  	[sflag:s12] =	ssyncset.done $0x0  }
0x114: {  	[sflag:s12] =	ssyncadd.s32 $0xFFFFF800  }
0x115: {  	_ =	sfence.sel $0x180000  }
0x116: {  	[bflag:$0x0] =	sbarrier.arrive $0xFFFF  }
0x117: {  	p0 =	sne.s32 s3, $0x0;
	_ =	strace $0x90000047  }
0x118: {  	s0 =	sadd.s32 @!p0 $0x100000, s0;
	[bflag:$0x2] =	sbarrier.arrive $0xFFFF  }
0x119: {  	[sflag:s0] =	ssyncadd.tile.s32 @!p0 $0x1;
	_ =	shalt  }
.Lfunc_end2:
_tile_overlayer_lowered:
.L_overlay_start_2:
0x11a: {  	(tag) =	ssettag $0x2  }
0x11b: {  	s0 =	rddreg [dreg:$0x0];
	s2 =	stileid.u32  }
0x11c: {  	s1 =	rddreg [dreg:$0x1];
	p0 =	sne.s32 s2, $0x0  }
0x11d: {  	s3 =	rddreg [dreg:$0x2];
	[bflag:$0x3] =	sbarrier.arrive $0xFFFF;
	s2 =	simm.s32 @!p0 $0x1C03  }
0x11e: {  	[timem:s3], [sflag:s2] =	dma.local @!p0 [hbm:s0], s1  }
0x11f: {  	s0 =	simm.s32 @!p0 $0x3  }
0x120: {  	_ =	swait.ge @!p0 [sflag:s0], s1  }
0x121: {  	s1 =	ssub.s32 @!p0 $0x0, s1;
	[sflag:s0] =	ssyncset.done @!p0 $0x0  }
0x122: {  	[sflag:s0] =	ssyncadd.s32 @!p0 s1  }
0x123: {  	[bflag:$0x3] =	sbarrier.arrive $0xFFFF  }
0x124: {  	_ =	shalt  }

</sc_bundles>
